<compile_context>
chip_gen: v7x
topology: tpu7x:2x2x1
jax: 0.10.2.dev20260603
libtpu: 0.0.44.dev20260713+nightly
codegen_flags: <defaults>
</compile_context>

<pallas_src>
import functools
import jax
import jax.numpy as jnp
from jax import lax
from jax.experimental import pallas as pl
from jax.experimental.pallas import tpu as pltpu
from jax.experimental.pallas import tpu_sc as plsc

_B = 2
_N = 10000
_F = 128
_E = 160000
_C = 10
_NCLS = 2
_THR = 0.1

_NTILES = 32
_EPT = 5120
_E_PAD = _NTILES * _EPT
_ROWS_PER_TILE = 632
_N_PAD = 16 * _ROWS_PER_TILE

_RBLK = 1000
_NBLK = _N // _RBLK


def _mm_body(x_ref, w1_ref, y1_ref):
    y1_ref[...] = jnp.dot(x_ref[...], w1_ref[...],
                          preferred_element_type=jnp.float32)


def _softmax_thr(lg):
    m = jnp.max(lg, axis=-1, keepdims=True)
    e = jnp.exp(lg - m)
    s = e / jnp.sum(e, axis=-1, keepdims=True)
    return jnp.where(s >= _THR, s, jnp.zeros_like(s))


def _post_body(x_ref, ys_ref, a00_ref, a01_ref, a10_ref, a11_ref,
               wpn_ref, wnn_ref, bph_ref, bnc_ref,
               snb_ref, sph_sum_ref, snb_sum_ref, xp_ref):
    i = pl.program_id(0)

    @pl.when(i == 0)
    def _():
        sph_sum_ref[...] = jnp.zeros_like(sph_sum_ref)
        snb_sum_ref[...] = jnp.zeros_like(snb_sum_ref)
        xp_ref[...] = jnp.zeros_like(xp_ref)

    aggs = (a00_ref[...] + a01_ref[...], a10_ref[...] + a11_ref[...])
    for b in range(_B):
        agg = aggs[b]
        ys = ys_ref[b]
        aw_ph = jnp.dot(agg, wpn_ref[...], preferred_element_type=jnp.float32)
        aw_nc = jnp.dot(agg, wnn_ref[...], preferred_element_type=jnp.float32)
        s_ph = _softmax_thr(ys[:, :_C] + aw_ph + bph_ref[...])
        s_nb = _softmax_thr(ys[:, _C:2 * _C] + aw_nc + bnc_ref[...])
        snb_ref[b] = jnp.concatenate(
            [s_nb, jnp.zeros((s_nb.shape[0], 16 - _C), jnp.float32)], axis=-1)
        sph_sum_ref[b] += jnp.sum(s_ph, axis=0)
        snb_sum_ref[b] += jnp.sum(s_nb, axis=0)
        xp_ref[b] += lax.dot_general(
            s_nb, x_ref[b], (((0,), (0,)), ((), ())),
            preferred_element_type=jnp.float32)


def _fin_body(t00_ref, t01_ref, t10_ref, t11_ref, snb_ref,
              sph_sum_ref, snb_sum_ref, xp_ref,
              wacs_ref, wacn_ref, bac_ref, wlin_ref, blin_ref,
              ap_ref, out_ref):
    i = pl.program_id(0)

    @pl.when(i == 0)
    def _():
        ap_ref[...] = jnp.zeros_like(ap_ref)

    ts = (t00_ref[...] + t01_ref[...], t10_ref[...] + t11_ref[...])
    for b in range(_B):
        t = ts[b][:, :_C]
        ap_ref[b] += lax.dot_general(
            t, snb_ref[b][:, :_C], (((0,), (0,)), ((), ())),
            preferred_element_type=jnp.float32)

    @pl.when(i == _NBLK - 1)
    def _():
        rows = []
        inv_n = 1.0 / _N
        for b in range(_B):
            s_ph_m = sph_sum_ref[b].reshape(1, _C) * inv_n
            s_nb_m = snb_sum_ref[b].reshape(1, _C) * inv_n
            a_p = ap_ref[b]
            x_p = xp_ref[b]
            agg_a = jnp.dot(a_p, x_p, preferred_element_type=jnp.float32)
            s_ar = (jnp.dot(x_p, wacs_ref[...], preferred_element_type=jnp.float32)
                    + jnp.dot(agg_a, wacn_ref[...], preferred_element_type=jnp.float32)
                    + bac_ref[...])
            s_ar = _softmax_thr(s_ar)
            s_ar_m = jnp.sum(s_ar, axis=0, keepdims=True) * (1.0 / _C)
            scat = jnp.concatenate([s_ph_m, s_nb_m, s_ar_m], axis=-1)
            rows.append(jnp.dot(scat, wlin_ref[...],
                                preferred_element_type=jnp.float32) + blin_ref[...])
        out_ref[...] = jnp.concatenate(rows, axis=0)


def _chunk_pass(tbl, acc, src_v, dst_v, bufs, gsems, ssems, nchunk):
    for k in range(4):
        pltpu.async_copy(tbl.at[src_v.at[k]], bufs[k], gsems[k])

    def body(jj, carry, tbl=tbl, acc=acc):
        for ph in range(4):
            j = 4 * jj + ph
            pltpu.make_async_copy(tbl.at[src_v.at[j]], bufs[ph],
                                  gsems[ph]).wait()
            pltpu.async_copy(bufs[ph], acc.at[dst_v.at[j]], ssems[ph],
                             add=True)
            ph3 = (ph + 3) % 4

            @pl.when(jnp.logical_and(j - 1 >= 0, j + 3 < nchunk))
            def _(j=j, ph3=ph3, tbl=tbl, acc=acc):
                pltpu.make_async_copy(bufs[ph3], acc.at[dst_v.at[j - 1]],
                                      ssems[ph3]).wait()
                pltpu.async_copy(tbl.at[src_v.at[j + 3]], bufs[ph3],
                                 gsems[ph3])
        return carry

    lax.fori_loop(0, nchunk // 4, body, 0)
    for j in range(nchunk - 4, nchunk):
        ph = j % 4
        pltpu.make_async_copy(bufs[ph], acc.at[dst_v.at[j]],
                              ssems[ph]).wait()


def _make_segsum(ch, chunk):
    nchunk = _EPT // chunk
    mesh = plsc.VectorSubcoreMesh(core_axis_name="c", subcore_axis_name="s")
    out_sds = jax.ShapeDtypeStruct((2, _N_PAD, ch), jnp.float32)

    @functools.partial(
        pl.kernel,
        out_type=(out_sds, out_sds),
        mesh=mesh,
        scratch_types=[
            pltpu.VMEM((nchunk, chunk), jnp.int32),
            pltpu.VMEM((nchunk, chunk), jnp.int32),
            pltpu.VMEM((chunk, ch), jnp.float32),
            pltpu.VMEM((chunk, ch), jnp.float32),
            pltpu.VMEM((chunk, ch), jnp.float32),
            pltpu.VMEM((chunk, ch), jnp.float32),
            pltpu.VMEM_SHARED((_N_PAD, ch), jnp.float32),
            pltpu.VMEM_SHARED((_N_PAD, ch), jnp.float32),
            pltpu.SemaphoreType.DMA, pltpu.SemaphoreType.DMA,
            pltpu.SemaphoreType.DMA, pltpu.SemaphoreType.DMA,
            pltpu.SemaphoreType.DMA, pltpu.SemaphoreType.DMA,
            pltpu.SemaphoreType.DMA, pltpu.SemaphoreType.DMA,
        ],
        compiler_params=pltpu.CompilerParams(use_tc_tiling_on_sc=False),
    )
    def segsum(t0_hbm, t1_hbm, srcc_hbm, dstc_hbm, zero_hbm,
               out0_hbm, out1_hbm,
               src_v, dst_v, b0, b1, b2, b3, acc0, acc1,
               g0, g1, g2, g3, s0, s1, s2, s3):
        bufs = (b0, b1, b2, b3)
        gsems = (g0, g1, g2, g3)
        ssems = (s0, s1, s2, s3)
        c = lax.axis_index("c")
        s = lax.axis_index("s")
        tid = c * 16 + s
        rbase = s * _ROWS_PER_TILE

        pltpu.sync_copy(zero_hbm.at[pl.ds(rbase, _ROWS_PER_TILE)],
                        acc0.at[pl.ds(rbase, _ROWS_PER_TILE)])
        pltpu.sync_copy(zero_hbm.at[pl.ds(rbase, _ROWS_PER_TILE)],
                        acc1.at[pl.ds(rbase, _ROWS_PER_TILE)])
        pltpu.sync_copy(srcc_hbm.at[tid], src_v)
        pltpu.sync_copy(dstc_hbm.at[tid], dst_v)
        plsc.subcore_barrier()

        for tbl, acc in ((t0_hbm, acc0), (t1_hbm, acc1)):
            _chunk_pass(tbl, acc, src_v, dst_v, bufs, gsems, ssems, nchunk)

        plsc.subcore_barrier()
        for acc, out in ((acc0, out0_hbm), (acc1, out1_hbm)):
            pltpu.sync_copy(acc.at[pl.ds(rbase, _ROWS_PER_TILE)],
                            out.at[c].at[pl.ds(rbase, _ROWS_PER_TILE)])

    return segsum


def _make_segsum_x(chunk):
    nchunk = _EPT // chunk
    mesh = plsc.VectorSubcoreMesh(core_axis_name="c", subcore_axis_name="s")
    out_sds = jax.ShapeDtypeStruct((2, _N_PAD, _F), jnp.float32)

    @functools.partial(
        pl.kernel,
        out_type=(out_sds, out_sds),
        mesh=mesh,
        scratch_types=[
            pltpu.VMEM((nchunk, chunk), jnp.int32),
            pltpu.VMEM((nchunk, chunk), jnp.int32),
            pltpu.VMEM((chunk, _F), jnp.float32),
            pltpu.VMEM((chunk, _F), jnp.float32),
            pltpu.VMEM((chunk, _F), jnp.float32),
            pltpu.VMEM((chunk, _F), jnp.float32),
            pltpu.VMEM_SHARED((_N_PAD, _F), jnp.float32),
            pltpu.SemaphoreType.DMA, pltpu.SemaphoreType.DMA,
            pltpu.SemaphoreType.DMA, pltpu.SemaphoreType.DMA,
            pltpu.SemaphoreType.DMA, pltpu.SemaphoreType.DMA,
            pltpu.SemaphoreType.DMA, pltpu.SemaphoreType.DMA,
        ],
        compiler_params=pltpu.CompilerParams(use_tc_tiling_on_sc=False),
    )
    def segsum_x(t0_hbm, t1_hbm, srcc_hbm, dstc_hbm, zero_hbm,
                 out0_hbm, out1_hbm,
                 src_v, dst_v, b0, b1, b2, b3, acc,
                 g0, g1, g2, g3, s0, s1, s2, s3):
        bufs = (b0, b1, b2, b3)
        gsems = (g0, g1, g2, g3)
        ssems = (s0, s1, s2, s3)
        c = lax.axis_index("c")
        s = lax.axis_index("s")
        tid = c * 16 + s
        rbase = s * _ROWS_PER_TILE
        rsl = pl.ds(rbase, _ROWS_PER_TILE)

        pltpu.sync_copy(srcc_hbm.at[tid], src_v)
        pltpu.sync_copy(dstc_hbm.at[tid], dst_v)

        for tbl, out in ((t0_hbm, out0_hbm), (t1_hbm, out1_hbm)):
            pltpu.sync_copy(zero_hbm.at[rsl], acc.at[rsl])
            plsc.subcore_barrier()

            _chunk_pass(tbl, acc, src_v, dst_v, bufs, gsems, ssems, nchunk)

            plsc.subcore_barrier()
            pltpu.sync_copy(acc.at[rsl], out.at[c].at[rsl])

    return segsum_x


_CHUNK_X = 64
_CHUNK_S = 128
_segsum_x = _make_segsum_x(_CHUNK_X)
_segsum16 = _make_segsum(16, _CHUNK_S)


def kernel(x, edge_index, W_ph_self, W_ph_nb, b_ph, W_nc_self, W_nc_nb, b_nc,
           W_ac_self, W_ac_nb, b_ac, W_lin, b_lin):
    f32 = jnp.float32
    src = edge_index[0]
    dst = edge_index[1]
    srcp = jnp.concatenate([src, jnp.zeros((_E_PAD - _E,), jnp.int32)])
    dstp = jnp.concatenate([dst, jnp.full((_E_PAD - _E,), _N, jnp.int32)])
    srcc_x = srcp.reshape(_NTILES, _EPT // _CHUNK_X, _CHUNK_X)
    dstc_x = dstp.reshape(_NTILES, _EPT // _CHUNK_X, _CHUNK_X)
    srcc_s = srcp.reshape(_NTILES, _EPT // _CHUNK_S, _CHUNK_S)
    dstc_s = dstp.reshape(_NTILES, _EPT // _CHUNK_S, _CHUNK_S)

    w1 = jnp.concatenate([W_ph_self, W_nc_self], axis=1)
    x2 = x.reshape(_B * _N, _F)
    ys = pl.pallas_call(
        _mm_body,
        grid=(_B * _NBLK,),
        in_specs=[
            pl.BlockSpec((_RBLK, _F), lambda i: (i, 0)),
            pl.BlockSpec((_F, 2 * _C), lambda i: (0, 0)),
        ],
        out_specs=pl.BlockSpec((_RBLK, 2 * _C), lambda i: (i, 0)),
        out_shape=jax.ShapeDtypeStruct((_B * _N, 2 * _C), f32),
    )(x2, w1)

    zero128 = jnp.zeros((_N_PAD, _F), f32)
    agg0, agg1 = _segsum_x(x[0], x[1], srcc_x, dstc_x, zero128)

    ys3 = ys.reshape(_B, _N, 2 * _C)
    snb, sph_sum, snb_sum, xp = pl.pallas_call(
        _post_body,
        grid=(_NBLK,),
        in_specs=[
            pl.BlockSpec((_B, _RBLK, _F), lambda i: (0, i, 0)),
            pl.BlockSpec((_B, _RBLK, 2 * _C), lambda i: (0, i, 0)),
            pl.BlockSpec((_RBLK, _F), lambda i: (i, 0)),
            pl.BlockSpec((_RBLK, _F), lambda i: (i, 0)),
            pl.BlockSpec((_RBLK, _F), lambda i: (i, 0)),
            pl.BlockSpec((_RBLK, _F), lambda i: (i, 0)),
            pl.BlockSpec((_F, _C), lambda i: (0, 0)),
            pl.BlockSpec((_F, _C), lambda i: (0, 0)),
            pl.BlockSpec((1, _C), lambda i: (0, 0)),
            pl.BlockSpec((1, _C), lambda i: (0, 0)),
        ],
        out_specs=[
            pl.BlockSpec((_B, _RBLK, 16), lambda i: (0, i, 0)),
            pl.BlockSpec((_B, _C), lambda i: (0, 0)),
            pl.BlockSpec((_B, _C), lambda i: (0, 0)),
            pl.BlockSpec((_B, _C, _F), lambda i: (0, 0, 0)),
        ],
        out_shape=[jax.ShapeDtypeStruct((_B, _N, 16), f32),
                   jax.ShapeDtypeStruct((_B, _C), f32),
                   jax.ShapeDtypeStruct((_B, _C), f32),
                   jax.ShapeDtypeStruct((_B, _C, _F), f32)],
    )(x, ys3, agg0[0, :_N], agg0[1, :_N], agg1[0, :_N], agg1[1, :_N],
      W_ph_nb, W_nc_nb, b_ph.reshape(1, _C), b_nc.reshape(1, _C))

    zero16 = jnp.zeros((_N_PAD, 16), f32)
    t0, t1 = _segsum16(snb[0], snb[1], srcc_s, dstc_s, zero16)

    _, logits = pl.pallas_call(
        _fin_body,
        grid=(_NBLK,),
        in_specs=[
            pl.BlockSpec((_RBLK, 16), lambda i: (i, 0)),
            pl.BlockSpec((_RBLK, 16), lambda i: (i, 0)),
            pl.BlockSpec((_RBLK, 16), lambda i: (i, 0)),
            pl.BlockSpec((_RBLK, 16), lambda i: (i, 0)),
            pl.BlockSpec((_B, _RBLK, 16), lambda i: (0, i, 0)),
            pl.BlockSpec((_B, _C), lambda i: (0, 0)),
            pl.BlockSpec((_B, _C), lambda i: (0, 0)),
            pl.BlockSpec((_B, _C, _F), lambda i: (0, 0, 0)),
            pl.BlockSpec((_F, _C), lambda i: (0, 0)),
            pl.BlockSpec((_F, _C), lambda i: (0, 0)),
            pl.BlockSpec((1, _C), lambda i: (0, 0)),
            pl.BlockSpec((3 * _C, _NCLS), lambda i: (0, 0)),
            pl.BlockSpec((1, _NCLS), lambda i: (0, 0)),
        ],
        out_specs=[
            pl.BlockSpec((_B, _C, _C), lambda i: (0, 0, 0)),
            pl.BlockSpec((_B, _NCLS), lambda i: (0, 0)),
        ],
        out_shape=[jax.ShapeDtypeStruct((_B, _C, _C), f32),
                   jax.ShapeDtypeStruct((_B, _NCLS), f32)],
    )(t0[0, :_N], t0[1, :_N], t1[0, :_N], t1[1, :_N], snb,
      sph_sum, snb_sum, xp,
      W_ac_self, W_ac_nb, b_ac.reshape(1, _C),
      W_lin, b_lin.reshape(1, _NCLS))

    return logits

# --- scband reference (transcript-rebuilt; emitter-appended) ---
"""Pipeline reference for scband-naro-net-model-simple-65180423684491 (READ-ONLY COPY).

The authoritative reference and input builder live on the scoring server;
editing this copy changes nothing except your own understanding.
"""

import jax, jax.numpy as jnp
import numpy as np

B = 2
N = 10000
F = 128
E = 160000
C0, C1, C2 = 10, 10, 10
NCLS = 2
THR = 0.1


def gnn(x, src, dst, W_self, W_nb, b, n_nodes):
    # one-hop message passing: gather src features, scatter-add to dst, linear mix
    msgs = x[:, src, :]  # [B, E, F]
    agg = jax.vmap(lambda m: jax.ops.segment_sum(m, dst, num_segments=n_nodes))(msgs)  # [B, N, F]
    return x @ W_self + agg @ W_nb + b  # cluster logits [B, N, C]


def sigmoid_to_clst(s, thr):
    s = jax.nn.softmax(s, axis=-1)
    return jnp.where(s >= thr, s, jnp.zeros_like(s))


def setup_inputs(seed: int = 0):
    key = jax.random.key(seed)
    ks = jax.random.split(key, 16)
    x = jax.random.normal(ks[0], (B, N, F), dtype=jnp.float32)
    edge_index = jax.random.randint(ks[1], (2, E), 0, N, dtype=jnp.int32)
    sF = 1.0 / np.sqrt(F)
    sC = 1.0 / np.sqrt(C0 + C1 + C2)
    return {
        'x': x,
        'edge_index': edge_index,
        'W_ph_self': jax.random.normal(ks[2], (F, C0), dtype=jnp.float32) * sF,
        'W_ph_nb': jax.random.normal(ks[3], (F, C0), dtype=jnp.float32) * sF,
        'b_ph': jnp.zeros((C0,), dtype=jnp.float32),
        'W_nc_self': jax.random.normal(ks[4], (F, C1), dtype=jnp.float32) * sF,
        'W_nc_nb': jax.random.normal(ks[5], (F, C1), dtype=jnp.float32) * sF,
        'b_nc': jnp.zeros((C1,), dtype=jnp.float32),
        'W_ac_self': jax.random.normal(ks[6], (F, C2), dtype=jnp.float32) * sF,
        'W_ac_nb': jax.random.normal(ks[7], (F, C2), dtype=jnp.float32) * sF,
        'b_ac': jnp.zeros((C2,), dtype=jnp.float32),
        'W_lin': jax.random.normal(ks[8], (C0 + C1 + C2, NCLS), dtype=jnp.float32) * sC,
        'b_lin': jnp.zeros((NCLS,), dtype=jnp.float32),
    }


def reference(x, edge_index, W_ph_self, W_ph_nb, b_ph, W_nc_self, W_nc_nb, b_nc,
              W_ac_self, W_ac_nb, b_ac, W_lin, b_lin):
    src = edge_index[0]
    dst = edge_index[1]
    # Phenotypes_forward: cluster assignment, threshold, pool to patient level
    s_ph = gnn(x, src, dst, W_ph_self, W_ph_nb, b_ph, N)
    s_ph = sigmoid_to_clst(s_ph, THR)
    S_ph = s_ph.mean(axis=1)  # poolingToClst with num_nodes = N
    # Neighborhoods_forward: cluster, threshold, Dense_Pooling
    s_nb = gnn(x, src, dst, W_nc_self, W_nc_nb, b_nc, N)
    s_nb = sigmoid_to_clst(s_nb, THR)
    x_p = jnp.einsum('bnc,bnf->bcf', s_nb, x)  # pooled node features [B, C1, F]
    s_src = s_nb[:, src, :]
    s_dst = s_nb[:, dst, :]
    A_p = jnp.einsum('bec,bed->bcd', s_src, s_dst)  # pooled dense adjacency [B, C1, C1]
    S_nb = s_nb.mean(axis=1)
    # Areas_forward on pooled dense graph
    agg_a = A_p @ x_p  # [B, C1, F]
    s_ar = x_p @ W_ac_self + agg_a @ W_ac_nb + b_ac  # [B, C1, C2]
    s_ar = sigmoid_to_clst(s_ar, THR)
    S_ar = s_ar.mean(axis=1)
    # ClassifyPatients
    S_cat = jnp.concatenate([S_ph, S_nb, S_ar], axis=-1)  # [B, C0+C1+C2]
    logits = S_cat @ W_lin + b_lin  # [B, NCLS]
    return logits

if __name__ == "__main__":
    import jax
    _d = setup_inputs()
    print(jax.jit(kernel)(*tuple(_d.values())))

</pallas_src>

<mosaic_0001>
#map = affine_map<(d0, d1) -> (0, 0)>
#map1 = affine_map<(d0, d1) -> (0, 0, 0)>
module attributes {stable_mosaic.version = 14 : i64} {
  func.func @segsum_x(%arg0: i32, %arg1: i32, %arg2: memref<10000x128xf32, #tpu.memory_space<hbm>>, %arg3: memref<10000x128xf32, #tpu.memory_space<hbm>>, %arg4: memref<32x80x64xi32, #tpu.memory_space<hbm>>, %arg5: memref<32x80x64xi32, #tpu.memory_space<hbm>>, %arg6: memref<10112x128xf32, #tpu.memory_space<hbm>>, %arg7: memref<2x10112x128xf32, #tpu.memory_space<hbm>>, %arg8: memref<2x10112x128xf32, #tpu.memory_space<hbm>>, %arg9: memref<80x64xi32, #tpu.memory_space<vmem>>, %arg10: memref<80x64xi32, #tpu.memory_space<vmem>>, %arg11: memref<64x128xf32, #tpu.memory_space<vmem>>, %arg12: memref<64x128xf32, #tpu.memory_space<vmem>>, %arg13: memref<64x128xf32, #tpu.memory_space<vmem>>, %arg14: memref<64x128xf32, #tpu.memory_space<vmem>>, %arg15: memref<10112x128xf32, #tpu.memory_space<vmem_shared>>, %arg16: memref<!tpu.dma_semaphore, #tpu.memory_space<semaphore_mem>>, %arg17: memref<!tpu.dma_semaphore, #tpu.memory_space<semaphore_mem>>, %arg18: memref<!tpu.dma_semaphore, #tpu.memory_space<semaphore_mem>>, %arg19: memref<!tpu.dma_semaphore, #tpu.memory_space<semaphore_mem>>, %arg20: memref<!tpu.dma_semaphore, #tpu.memory_space<semaphore_mem>>, %arg21: memref<!tpu.dma_semaphore, #tpu.memory_space<semaphore_mem>>, %arg22: memref<!tpu.dma_semaphore, #tpu.memory_space<semaphore_mem>>, %arg23: memref<!tpu.dma_semaphore, #tpu.memory_space<semaphore_mem>>) attributes {dimension_semantics = [#tpu.dimension_semantics<core_parallel>, #tpu.dimension_semantics<subcore_parallel>], iteration_bounds = array<i64: 2, 16>, scalar_prefetch = 0 : i64, scratch_operands = 15 : i64, tpu.core_type = #tpu.core_type<sc_vector_subcore>, window_params = [{transform_indices = #map}, {transform_indices = #map}, {transform_indices = #map1}, {transform_indices = #map1}, {transform_indices = #map}, {transform_indices = #map1}, {transform_indices = #map1}]} {
    %mul3A = arith.constant 16 : i32
    %mul3A_0 = arith.muli %arg0, %mul3A : i32
    %add3A = arith.addi %mul3A_0, %arg1 : i32
    %mul3A_1 = arith.constant 632 : i32
    %mul3A_2 = arith.muli %arg1, %mul3A_1 : i32
    "tpu.region"() ({
      %run_scoped3A = tpu.sem_alloc : memref<!tpu.dma_semaphore, #tpu.memory_space<semaphore_mem>>
      %dma_start3A_127 = arith.constant 0 : i32
      %dma_start3A_128 = arith.constant 0 : i32
      %dma_start3A_129 = tpu.memref_slice %arg4[%add3A, %dma_start3A_127, %dma_start3A_128] : memref<32x80x64xi32, #tpu.memory_space<hbm>> -> memref<1x80x64xi32, #tpu.memory_space<hbm>>
      %dma_start3A_130 = tpu.memref_squeeze %dma_start3A_129 : memref<1x80x64xi32, #tpu.memory_space<hbm>> -> memref<80x64xi32, #tpu.memory_space<hbm>>
      %dma_start3A_131 = arith.constant 0 : i32
      %dma_start3A_132 = arith.constant 0 : i32
      %dma_start3A_133 = tpu.memref_slice %arg4[%add3A, %dma_start3A_131, %dma_start3A_132] : memref<32x80x64xi32, #tpu.memory_space<hbm>> -> memref<1x80x64xi32, #tpu.memory_space<hbm>>
      %dma_start3A_134 = tpu.memref_squeeze %dma_start3A_133 : memref<1x80x64xi32, #tpu.memory_space<hbm>> -> memref<80x64xi32, #tpu.memory_space<hbm>>
      tpu.enqueue_dma source(%dma_start3A_134 : memref<80x64xi32, #tpu.memory_space<hbm>>) target(%arg9 : memref<80x64xi32, #tpu.memory_space<vmem>>) target_semaphore(%run_scoped3A : memref<!tpu.dma_semaphore, #tpu.memory_space<semaphore_mem>>)
      %dma_wait3A_135 = arith.constant 0 : i32
      %dma_wait3A_136 = arith.constant 0 : i32
      %dma_wait3A_137 = tpu.memref_slice %arg4[%add3A, %dma_wait3A_135, %dma_wait3A_136] : memref<32x80x64xi32, #tpu.memory_space<hbm>> -> memref<1x80x64xi32, #tpu.memory_space<hbm>>
      %dma_wait3A_138 = tpu.memref_squeeze %dma_wait3A_137 : memref<1x80x64xi32, #tpu.memory_space<hbm>> -> memref<80x64xi32, #tpu.memory_space<hbm>>
      %dma_wait3A_139 = arith.constant 0 : i32
      %dma_wait3A_140 = arith.constant 0 : i32
      %dma_wait3A_141 = tpu.memref_slice %arg4[%add3A, %dma_wait3A_139, %dma_wait3A_140] : memref<32x80x64xi32, #tpu.memory_space<hbm>> -> memref<1x80x64xi32, #tpu.memory_space<hbm>>
      %dma_wait3A_142 = tpu.memref_squeeze %dma_wait3A_141 : memref<1x80x64xi32, #tpu.memory_space<hbm>> -> memref<80x64xi32, #tpu.memory_space<hbm>>
      tpu.wait_dma2 semaphore(%run_scoped3A : memref<!tpu.dma_semaphore, #tpu.memory_space<semaphore_mem>>) src(%dma_wait3A_142 : memref<80x64xi32, #tpu.memory_space<hbm>>) dst(%arg9 : memref<80x64xi32, #tpu.memory_space<vmem>>)
      tpu.yield
    }) : () -> ()
    "tpu.region"() ({
      %run_scoped3A = tpu.sem_alloc : memref<!tpu.dma_semaphore, #tpu.memory_space<semaphore_mem>>
      %dma_start3A_127 = arith.constant 0 : i32
      %dma_start3A_128 = arith.constant 0 : i32
      %dma_start3A_129 = tpu.memref_slice %arg5[%add3A, %dma_start3A_127, %dma_start3A_128] : memref<32x80x64xi32, #tpu.memory_space<hbm>> -> memref<1x80x64xi32, #tpu.memory_space<hbm>>
      %dma_start3A_130 = tpu.memref_squeeze %dma_start3A_129 : memref<1x80x64xi32, #tpu.memory_space<hbm>> -> memref<80x64xi32, #tpu.memory_space<hbm>>
      %dma_start3A_131 = arith.constant 0 : i32
      %dma_start3A_132 = arith.constant 0 : i32
      %dma_start3A_133 = tpu.memref_slice %arg5[%add3A, %dma_start3A_131, %dma_start3A_132] : memref<32x80x64xi32, #tpu.memory_space<hbm>> -> memref<1x80x64xi32, #tpu.memory_space<hbm>>
      %dma_start3A_134 = tpu.memref_squeeze %dma_start3A_133 : memref<1x80x64xi32, #tpu.memory_space<hbm>> -> memref<80x64xi32, #tpu.memory_space<hbm>>
      tpu.enqueue_dma source(%dma_start3A_134 : memref<80x64xi32, #tpu.memory_space<hbm>>) target(%arg10 : memref<80x64xi32, #tpu.memory_space<vmem>>) target_semaphore(%run_scoped3A : memref<!tpu.dma_semaphore, #tpu.memory_space<semaphore_mem>>)
      %dma_wait3A_135 = arith.constant 0 : i32
      %dma_wait3A_136 = arith.constant 0 : i32
      %dma_wait3A_137 = tpu.memref_slice %arg5[%add3A, %dma_wait3A_135, %dma_wait3A_136] : memref<32x80x64xi32, #tpu.memory_space<hbm>> -> memref<1x80x64xi32, #tpu.memory_space<hbm>>
      %dma_wait3A_138 = tpu.memref_squeeze %dma_wait3A_137 : memref<1x80x64xi32, #tpu.memory_space<hbm>> -> memref<80x64xi32, #tpu.memory_space<hbm>>
      %dma_wait3A_139 = arith.constant 0 : i32
      %dma_wait3A_140 = arith.constant 0 : i32
      %dma_wait3A_141 = tpu.memref_slice %arg5[%add3A, %dma_wait3A_139, %dma_wait3A_140] : memref<32x80x64xi32, #tpu.memory_space<hbm>> -> memref<1x80x64xi32, #tpu.memory_space<hbm>>
      %dma_wait3A_142 = tpu.memref_squeeze %dma_wait3A_141 : memref<1x80x64xi32, #tpu.memory_space<hbm>> -> memref<80x64xi32, #tpu.memory_space<hbm>>
      tpu.wait_dma2 semaphore(%run_scoped3A : memref<!tpu.dma_semaphore, #tpu.memory_space<semaphore_mem>>) src(%dma_wait3A_142 : memref<80x64xi32, #tpu.memory_space<hbm>>) dst(%arg10 : memref<80x64xi32, #tpu.memory_space<vmem>>)
      tpu.yield
    }) : () -> ()
    "tpu.region"() ({
      %run_scoped3A = tpu.sem_alloc : memref<!tpu.dma_semaphore, #tpu.memory_space<semaphore_mem>>
      %dma_start3A_127 = arith.constant 0 : i32
      %dma_start3A_128 = tpu.memref_slice %arg15[%mul3A_2, %dma_start3A_127] : memref<10112x128xf32, #tpu.memory_space<vmem_shared>> -> memref<632x128xf32, #tpu.memory_space<vmem_shared>>
      %dma_start3A_129 = arith.constant 0 : i32
      %dma_start3A_130 = tpu.memref_slice %arg6[%mul3A_2, %dma_start3A_129] : memref<10112x128xf32, #tpu.memory_space<hbm>> -> memref<632x128xf32, #tpu.memory_space<hbm>>
      tpu.enqueue_dma source(%dma_start3A_130 : memref<632x128xf32, #tpu.memory_space<hbm>>) target(%dma_start3A_128 : memref<632x128xf32, #tpu.memory_space<vmem_shared>>) target_semaphore(%run_scoped3A : memref<!tpu.dma_semaphore, #tpu.memory_space<semaphore_mem>>)
      %dma_wait3A_131 = arith.constant 0 : i32
      %dma_wait3A_132 = tpu.memref_slice %arg15[%mul3A_2, %dma_wait3A_131] : memref<10112x128xf32, #tpu.memory_space<vmem_shared>> -> memref<632x128xf32, #tpu.memory_space<vmem_shared>>
      %dma_wait3A_133 = arith.constant 0 : i32
      %dma_wait3A_134 = tpu.memref_slice %arg6[%mul3A_2, %dma_wait3A_133] : memref<10112x128xf32, #tpu.memory_space<hbm>> -> memref<632x128xf32, #tpu.memory_space<hbm>>
      tpu.wait_dma2 semaphore(%run_scoped3A : memref<!tpu.dma_semaphore, #tpu.memory_space<semaphore_mem>>) src(%dma_wait3A_134 : memref<632x128xf32, #tpu.memory_space<hbm>>) dst(%dma_wait3A_132 : memref<632x128xf32, #tpu.memory_space<vmem_shared>>)
      tpu.yield
    }) : () -> ()
    %barrier3A = arith.constant 0 : index
    tpu.barrier barrier_id(%barrier3A)
    %dma_start3A = arith.constant 0 : i32
    %dma_start3A_3 = arith.constant 0 : i32
    %dma_start3A_4 = tpu.memref_slice %arg9[%dma_start3A, %dma_start3A_3] : memref<80x64xi32, #tpu.memory_space<vmem>> -> memref<1x64xi32, #tpu.memory_space<vmem>>
    %dma_start3A_5 = tpu.memref_squeeze %dma_start3A_4 : memref<1x64xi32, #tpu.memory_space<vmem>> -> memref<64xi32, #tpu.memory_space<vmem>>
    %dma_start3A_6 = arith.constant 0 : i32
    %dma_start3A_7 = arith.constant 0 : i32
    %dma_start3A_8 = tpu.memref_slice %arg2[%dma_start3A_6, %dma_start3A_7] : memref<10000x128xf32, #tpu.memory_space<hbm>> -> memref<10000x128xf32, #tpu.memory_space<hbm>>
    tpu.enqueue_indirect_dma source(%dma_start3A_8 : memref<10000x128xf32, #tpu.memory_space<hbm>>) target(%arg11 : memref<64x128xf32, #tpu.memory_space<vmem>>) offsets(%dma_start3A_5 : memref<64xi32, #tpu.memory_space<vmem>>) semaphore(%arg16 : memref<!tpu.dma_semaphore, #tpu.memory_space<semaphore_mem>>)
    %dma_start3A_9 = arith.constant 1 : i32
    %dma_start3A_10 = arith.constant 0 : i32
    %dma_start3A_11 = tpu.memref_slice %arg9[%dma_start3A_9, %dma_start3A_10] : memref<80x64xi32, #tpu.memory_space<vmem>> -> memref<1x64xi32, #tpu.memory_space<vmem>>
    %dma_start3A_12 = tpu.memref_squeeze %dma_start3A_11 : memref<1x64xi32, #tpu.memory_space<vmem>> -> memref<64xi32, #tpu.memory_space<vmem>>
    %dma_start3A_13 = arith.constant 0 : i32
    %dma_start3A_14 = arith.constant 0 : i32
    %dma_start3A_15 = tpu.memref_slice %arg2[%dma_start3A_13, %dma_start3A_14] : memref<10000x128xf32, #tpu.memory_space<hbm>> -> memref<10000x128xf32, #tpu.memory_space<hbm>>
    tpu.enqueue_indirect_dma source(%dma_start3A_15 : memref<10000x128xf32, #tpu.memory_space<hbm>>) target(%arg12 : memref<64x128xf32, #tpu.memory_space<vmem>>) offsets(%dma_start3A_12 : memref<64xi32, #tpu.memory_space<vmem>>) semaphore(%arg17 : memref<!tpu.dma_semaphore, #tpu.memory_space<semaphore_mem>>)
    %dma_start3A_16 = arith.constant 2 : i32
    %dma_start3A_17 = arith.constant 0 : i32
    %dma_start3A_18 = tpu.memref_slice %arg9[%dma_start3A_16, %dma_start3A_17] : memref<80x64xi32, #tpu.memory_space<vmem>> -> memref<1x64xi32, #tpu.memory_space<vmem>>
    %dma_start3A_19 = tpu.memref_squeeze %dma_start3A_18 : memref<1x64xi32, #tpu.memory_space<vmem>> -> memref<64xi32, #tpu.memory_space<vmem>>
    %dma_start3A_20 = arith.constant 0 : i32
    %dma_start3A_21 = arith.constant 0 : i32
    %dma_start3A_22 = tpu.memref_slice %arg2[%dma_start3A_20, %dma_start3A_21] : memref<10000x128xf32, #tpu.memory_space<hbm>> -> memref<10000x128xf32, #tpu.memory_space<hbm>>
    tpu.enqueue_indirect_dma source(%dma_start3A_22 : memref<10000x128xf32, #tpu.memory_space<hbm>>) target(%arg13 : memref<64x128xf32, #tpu.memory_space<vmem>>) offsets(%dma_start3A_19 : memref<64xi32, #tpu.memory_space<vmem>>) semaphore(%arg18 : memref<!tpu.dma_semaphore, #tpu.memory_space<semaphore_mem>>)
    %dma_start3A_23 = arith.constant 3 : i32
    %dma_start3A_24 = arith.constant 0 : i32
    %dma_start3A_25 = tpu.memref_slice %arg9[%dma_start3A_23, %dma_start3A_24] : memref<80x64xi32, #tpu.memory_space<vmem>> -> memref<1x64xi32, #tpu.memory_space<vmem>>
    %dma_start3A_26 = tpu.memref_squeeze %dma_start3A_25 : memref<1x64xi32, #tpu.memory_space<vmem>> -> memref<64xi32, #tpu.memory_space<vmem>>
    %dma_start3A_27 = arith.constant 0 : i32
    %dma_start3A_28 = arith.constant 0 : i32
    %dma_start3A_29 = tpu.memref_slice %arg2[%dma_start3A_27, %dma_start3A_28] : memref<10000x128xf32, #tpu.memory_space<hbm>> -> memref<10000x128xf32, #tpu.memory_space<hbm>>
    tpu.enqueue_indirect_dma source(%dma_start3A_29 : memref<10000x128xf32, #tpu.memory_space<hbm>>) target(%arg14 : memref<64x128xf32, #tpu.memory_space<vmem>>) offsets(%dma_start3A_26 : memref<64xi32, #tpu.memory_space<vmem>>) semaphore(%arg19 : memref<!tpu.dma_semaphore, #tpu.memory_space<semaphore_mem>>)
    %scan3A = arith.constant 0 : i32
    %scan3A_30 = arith.constant 0 : i32
    %scan3A_31 = arith.constant 20 : i32
    %scan3A_32 = arith.addi %scan3A_30, %scan3A_31 : i32
    %scan3A_33 = arith.constant 1 : i32
    scf.for %scan3A_127 = %scan3A_30 to %scan3A_32 step %scan3A_33  : i32 {
      %mul3A_128 = arith.constant 4 : i32
      %mul3A_129 = arith.muli %mul3A_128, %scan3A_127 : i32
      %add3A_130 = arith.constant 0 : i32
      %add3A_131 = arith.addi %mul3A_129, %add3A_130 : i32
      %dma_wait3A_132 = arith.constant 0 : i32
      %dma_wait3A_133 = tpu.memref_slice %arg9[%add3A_131, %dma_wait3A_132] : memref<80x64xi32, #tpu.memory_space<vmem>> -> memref<1x64xi32, #tpu.memory_space<vmem>>
      %dma_wait3A_134 = tpu.memref_squeeze %dma_wait3A_133 : memref<1x64xi32, #tpu.memory_space<vmem>> -> memref<64xi32, #tpu.memory_space<vmem>>
      %dma_wait3A_135 = arith.constant 0 : i32
      %dma_wait3A_136 = arith.constant 0 : i32
      %dma_wait3A_137 = tpu.memref_slice %arg2[%dma_wait3A_135, %dma_wait3A_136] : memref<10000x128xf32, #tpu.memory_space<hbm>> -> memref<10000x128xf32, #tpu.memory_space<hbm>>
      tpu.wait_indirect_dma semaphore(%arg16 : memref<!tpu.dma_semaphore, #tpu.memory_space<semaphore_mem>>) src(%dma_wait3A_137 : memref<10000x128xf32, #tpu.memory_space<hbm>>) dst(%arg11 : memref<64x128xf32, #tpu.memory_space<vmem>>)
      %dma_start3A_138 = arith.constant 0 : i32
      %dma_start3A_139 = tpu.memref_slice %arg10[%add3A_131, %dma_start3A_138] : memref<80x64xi32, #tpu.memory_space<vmem>> -> memref<1x64xi32, #tpu.memory_space<vmem>>
      %dma_start3A_140 = tpu.memref_squeeze %dma_start3A_139 : memref<1x64xi32, #tpu.memory_space<vmem>> -> memref<64xi32, #tpu.memory_space<vmem>>
      %dma_start3A_141 = arith.constant 0 : i32
      %dma_start3A_142 = arith.constant 0 : i32
      %dma_start3A_143 = tpu.memref_slice %arg15[%dma_start3A_141, %dma_start3A_142] : memref<10112x128xf32, #tpu.memory_space<vmem_shared>> -> memref<10112x128xf32, #tpu.memory_space<vmem_shared>>
      tpu.enqueue_indirect_dma source(%arg11 : memref<64x128xf32, #tpu.memory_space<vmem>>) target(%dma_start3A_143 : memref<10112x128xf32, #tpu.memory_space<vmem_shared>>) offsets(%dma_start3A_140 : memref<64xi32, #tpu.memory_space<vmem>>) semaphore(%arg20 : memref<!tpu.dma_semaphore, #tpu.memory_space<semaphore_mem>>) {add = true}
      %sub3A = arith.constant 1 : i32
      %sub3A_144 = arith.subi %add3A_131, %sub3A : i32
      %ge3A = arith.constant 0 : i32
      %ge3A_145 = arith.cmpi sge, %sub3A_144, %ge3A : i32
      %add3A_146 = arith.constant 3 : i32
      %add3A_147 = arith.addi %add3A_131, %add3A_146 : i32
      %lt3A = arith.constant 80 : i32
      %lt3A_148 = arith.cmpi slt, %add3A_147, %lt3A : i32
      %and3A = arith.andi %ge3A_145, %lt3A_148 : i1
      %convert_element_type3A = arith.extui %and3A : i1 to i32
      %cond3A = arith.constant 0 : i32
      %cond3A_149 = arith.cmpi ne, %convert_element_type3A, %cond3A : i32
      scf.if %cond3A_149 {
        %sub3A_234 = arith.constant 1 : i32
        %sub3A_235 = arith.subi %add3A_131, %sub3A_234 : i32
        %dma_wait3A_236 = arith.constant 0 : i32
        %dma_wait3A_237 = tpu.memref_slice %arg10[%sub3A_235, %dma_wait3A_236] : memref<80x64xi32, #tpu.memory_space<vmem>> -> memref<1x64xi32, #tpu.memory_space<vmem>>
        %dma_wait3A_238 = tpu.memref_squeeze %dma_wait3A_237 : memref<1x64xi32, #tpu.memory_space<vmem>> -> memref<64xi32, #tpu.memory_space<vmem>>
        %dma_wait3A_239 = arith.constant 0 : i32
        %dma_wait3A_240 = arith.constant 0 : i32
        %dma_wait3A_241 = tpu.memref_slice %arg15[%dma_wait3A_239, %dma_wait3A_240] : memref<10112x128xf32, #tpu.memory_space<vmem_shared>> -> memref<10112x128xf32, #tpu.memory_space<vmem_shared>>
        tpu.wait_indirect_dma semaphore(%arg23 : memref<!tpu.dma_semaphore, #tpu.memory_space<semaphore_mem>>) src(%arg14 : memref<64x128xf32, #tpu.memory_space<vmem>>) dst(%dma_wait3A_241 : memref<10112x128xf32, #tpu.memory_space<vmem_shared>>)
        %add3A_242 = arith.constant 3 : i32
        %add3A_243 = arith.addi %add3A_131, %add3A_242 : i32
        %dma_start3A_244 = arith.constant 0 : i32
        %dma_start3A_245 = tpu.memref_slice %arg9[%add3A_243, %dma_start3A_244] : memref<80x64xi32, #tpu.memory_space<vmem>> -> memref<1x64xi32, #tpu.memory_space<vmem>>
        %dma_start3A_246 = tpu.memref_squeeze %dma_start3A_245 : memref<1x64xi32, #tpu.memory_space<vmem>> -> memref<64xi32, #tpu.memory_space<vmem>>
        %dma_start3A_247 = arith.constant 0 : i32
        %dma_start3A_248 = arith.constant 0 : i32
        %dma_start3A_249 = tpu.memref_slice %arg2[%dma_start3A_247, %dma_start3A_248] : memref<10000x128xf32, #tpu.memory_space<hbm>> -> memref<10000x128xf32, #tpu.memory_space<hbm>>
        tpu.enqueue_indirect_dma source(%dma_start3A_249 : memref<10000x128xf32, #tpu.memory_space<hbm>>) target(%arg14 : memref<64x128xf32, #tpu.memory_space<vmem>>) offsets(%dma_start3A_246 : memref<64xi32, #tpu.memory_space<vmem>>) semaphore(%arg19 : memref<!tpu.dma_semaphore, #tpu.memory_space<semaphore_mem>>)
      } else {
      }
      %mul3A_150 = arith.constant 4 : i32
      %mul3A_151 = arith.muli %mul3A_150, %scan3A_127 : i32
      %add3A_152 = arith.constant 1 : i32
      %add3A_153 = arith.addi %mul3A_151, %add3A_152 : i32
      %dma_wait3A_154 = arith.constant 0 : i32
      %dma_wait3A_155 = tpu.memref_slice %arg9[%add3A_153, %dma_wait3A_154] : memref<80x64xi32, #tpu.memory_space<vmem>> -> memref<1x64xi32, #tpu.memory_space<vmem>>
      %dma_wait3A_156 = tpu.memref_squeeze %dma_wait3A_155 : memref<1x64xi32, #tpu.memory_space<vmem>> -> memref<64xi32, #tpu.memory_space<vmem>>
      %dma_wait3A_157 = arith.constant 0 : i32
      %dma_wait3A_158 = arith.constant 0 : i32
      %dma_wait3A_159 = tpu.memref_slice %arg2[%dma_wait3A_157, %dma_wait3A_158] : memref<10000x128xf32, #tpu.memory_space<hbm>> -> memref<10000x128xf32, #tpu.memory_space<hbm>>
      tpu.wait_indirect_dma semaphore(%arg17 : memref<!tpu.dma_semaphore, #tpu.memory_space<semaphore_mem>>) src(%dma_wait3A_159 : memref<10000x128xf32, #tpu.memory_space<hbm>>) dst(%arg12 : memref<64x128xf32, #tpu.memory_space<vmem>>)
      %dma_start3A_160 = arith.constant 0 : i32
      %dma_start3A_161 = tpu.memref_slice %arg10[%add3A_153, %dma_start3A_160] : memref<80x64xi32, #tpu.memory_space<vmem>> -> memref<1x64xi32, #tpu.memory_space<vmem>>
      %dma_start3A_162 = tpu.memref_squeeze %dma_start3A_161 : memref<1x64xi32, #tpu.memory_space<vmem>> -> memref<64xi32, #tpu.memory_space<vmem>>
      %dma_start3A_163 = arith.constant 0 : i32
      %dma_start3A_164 = arith.constant 0 : i32
      %dma_start3A_165 = tpu.memref_slice %arg15[%dma_start3A_163, %dma_start3A_164] : memref<10112x128xf32, #tpu.memory_space<vmem_shared>> -> memref<10112x128xf32, #tpu.memory_space<vmem_shared>>
      tpu.enqueue_indirect_dma source(%arg12 : memref<64x128xf32, #tpu.memory_space<vmem>>) target(%dma_start3A_165 : memref<10112x128xf32, #tpu.memory_space<vmem_shared>>) offsets(%dma_start3A_162 : memref<64xi32, #tpu.memory_space<vmem>>) semaphore(%arg21 : memref<!tpu.dma_semaphore, #tpu.memory_space<semaphore_mem>>) {add = true}
      %sub3A_166 = arith.constant 1 : i32
      %sub3A_167 = arith.subi %add3A_153, %sub3A_166 : i32
      %ge3A_168 = arith.constant 0 : i32
      %ge3A_169 = arith.cmpi sge, %sub3A_167, %ge3A_168 : i32
      %add3A_170 = arith.constant 3 : i32
      %add3A_171 = arith.addi %add3A_153, %add3A_170 : i32
      %lt3A_172 = arith.constant 80 : i32
      %lt3A_173 = arith.cmpi slt, %add3A_171, %lt3A_172 : i32
      %and3A_174 = arith.andi %ge3A_169, %lt3A_173 : i1
      %convert_element_type3A_175 = arith.extui %and3A_174 : i1 to i32
      %cond3A_176 = arith.constant 0 : i32
      %cond3A_177 = arith.cmpi ne, %convert_element_type3A_175, %cond3A_176 : i32
      scf.if %cond3A_177 {
        %sub3A_234 = arith.constant 1 : i32
        %sub3A_235 = arith.subi %add3A_153, %sub3A_234 : i32
        %dma_wait3A_236 = arith.constant 0 : i32
        %dma_wait3A_237 = tpu.memref_slice %arg10[%sub3A_235, %dma_wait3A_236] : memref<80x64xi32, #tpu.memory_space<vmem>> -> memref<1x64xi32, #tpu.memory_space<vmem>>
        %dma_wait3A_238 = tpu.memref_squeeze %dma_wait3A_237 : memref<1x64xi32, #tpu.memory_space<vmem>> -> memref<64xi32, #tpu.memory_space<vmem>>
        %dma_wait3A_239 = arith.constant 0 : i32
        %dma_wait3A_240 = arith.constant 0 : i32
        %dma_wait3A_241 = tpu.memref_slice %arg15[%dma_wait3A_239, %dma_wait3A_240] : memref<10112x128xf32, #tpu.memory_space<vmem_shared>> -> memref<10112x128xf32, #tpu.memory_space<vmem_shared>>
        tpu.wait_indirect_dma semaphore(%arg20 : memref<!tpu.dma_semaphore, #tpu.memory_space<semaphore_mem>>) src(%arg11 : memref<64x128xf32, #tpu.memory_space<vmem>>) dst(%dma_wait3A_241 : memref<10112x128xf32, #tpu.memory_space<vmem_shared>>)
        %add3A_242 = arith.constant 3 : i32
        %add3A_243 = arith.addi %add3A_153, %add3A_242 : i32
        %dma_start3A_244 = arith.constant 0 : i32
        %dma_start3A_245 = tpu.memref_slice %arg9[%add3A_243, %dma_start3A_244] : memref<80x64xi32, #tpu.memory_space<vmem>> -> memref<1x64xi32, #tpu.memory_space<vmem>>
        %dma_start3A_246 = tpu.memref_squeeze %dma_start3A_245 : memref<1x64xi32, #tpu.memory_space<vmem>> -> memref<64xi32, #tpu.memory_space<vmem>>
        %dma_start3A_247 = arith.constant 0 : i32
        %dma_start3A_248 = arith.constant 0 : i32
        %dma_start3A_249 = tpu.memref_slice %arg2[%dma_start3A_247, %dma_start3A_248] : memref<10000x128xf32, #tpu.memory_space<hbm>> -> memref<10000x128xf32, #tpu.memory_space<hbm>>
        tpu.enqueue_indirect_dma source(%dma_start3A_249 : memref<10000x128xf32, #tpu.memory_space<hbm>>) target(%arg11 : memref<64x128xf32, #tpu.memory_space<vmem>>) offsets(%dma_start3A_246 : memref<64xi32, #tpu.memory_space<vmem>>) semaphore(%arg16 : memref<!tpu.dma_semaphore, #tpu.memory_space<semaphore_mem>>)
      } else {
      }
      %mul3A_178 = arith.constant 4 : i32
      %mul3A_179 = arith.muli %mul3A_178, %scan3A_127 : i32
      %add3A_180 = arith.constant 2 : i32
      %add3A_181 = arith.addi %mul3A_179, %add3A_180 : i32
      %dma_wait3A_182 = arith.constant 0 : i32
      %dma_wait3A_183 = tpu.memref_slice %arg9[%add3A_181, %dma_wait3A_182] : memref<80x64xi32, #tpu.memory_space<vmem>> -> memref<1x64xi32, #tpu.memory_space<vmem>>
      %dma_wait3A_184 = tpu.memref_squeeze %dma_wait3A_183 : memref<1x64xi32, #tpu.memory_space<vmem>> -> memref<64xi32, #tpu.memory_space<vmem>>
      %dma_wait3A_185 = arith.constant 0 : i32
      %dma_wait3A_186 = arith.constant 0 : i32
      %dma_wait3A_187 = tpu.memref_slice %arg2[%dma_wait3A_185, %dma_wait3A_186] : memref<10000x128xf32, #tpu.memory_space<hbm>> -> memref<10000x128xf32, #tpu.memory_space<hbm>>
      tpu.wait_indirect_dma semaphore(%arg18 : memref<!tpu.dma_semaphore, #tpu.memory_space<semaphore_mem>>) src(%dma_wait3A_187 : memref<10000x128xf32, #tpu.memory_space<hbm>>) dst(%arg13 : memref<64x128xf32, #tpu.memory_space<vmem>>)
      %dma_start3A_188 = arith.constant 0 : i32
      %dma_start3A_189 = tpu.memref_slice %arg10[%add3A_181, %dma_start3A_188] : memref<80x64xi32, #tpu.memory_space<vmem>> -> memref<1x64xi32, #tpu.memory_space<vmem>>
      %dma_start3A_190 = tpu.memref_squeeze %dma_start3A_189 : memref<1x64xi32, #tpu.memory_space<vmem>> -> memref<64xi32, #tpu.memory_space<vmem>>
      %dma_start3A_191 = arith.constant 0 : i32
      %dma_start3A_192 = arith.constant 0 : i32
      %dma_start3A_193 = tpu.memref_slice %arg15[%dma_start3A_191, %dma_start3A_192] : memref<10112x128xf32, #tpu.memory_space<vmem_shared>> -> memref<10112x128xf32, #tpu.memory_space<vmem_shared>>
      tpu.enqueue_indirect_dma source(%arg13 : memref<64x128xf32, #tpu.memory_space<vmem>>) target(%dma_start3A_193 : memref<10112x128xf32, #tpu.memory_space<vmem_shared>>) offsets(%dma_start3A_190 : memref<64xi32, #tpu.memory_space<vmem>>) semaphore(%arg22 : memref<!tpu.dma_semaphore, #tpu.memory_space<semaphore_mem>>) {add = true}
      %sub3A_194 = arith.constant 1 : i32
      %sub3A_195 = arith.subi %add3A_181, %sub3A_194 : i32
      %ge3A_196 = arith.constant 0 : i32
      %ge3A_197 = arith.cmpi sge, %sub3A_195, %ge3A_196 : i32
      %add3A_198 = arith.constant 3 : i32
      %add3A_199 = arith.addi %add3A_181, %add3A_198 : i32
      %lt3A_200 = arith.constant 80 : i32
      %lt3A_201 = arith.cmpi slt, %add3A_199, %lt3A_200 : i32
      %and3A_202 = arith.andi %ge3A_197, %lt3A_201 : i1
      %convert_element_type3A_203 = arith.extui %and3A_202 : i1 to i32
      %cond3A_204 = arith.constant 0 : i32
      %cond3A_205 = arith.cmpi ne, %convert_element_type3A_203, %cond3A_204 : i32
      scf.if %cond3A_205 {
        %sub3A_234 = arith.constant 1 : i32
        %sub3A_235 = arith.subi %add3A_181, %sub3A_234 : i32
        %dma_wait3A_236 = arith.constant 0 : i32
        %dma_wait3A_237 = tpu.memref_slice %arg10[%sub3A_235, %dma_wait3A_236] : memref<80x64xi32, #tpu.memory_space<vmem>> -> memref<1x64xi32, #tpu.memory_space<vmem>>
        %dma_wait3A_238 = tpu.memref_squeeze %dma_wait3A_237 : memref<1x64xi32, #tpu.memory_space<vmem>> -> memref<64xi32, #tpu.memory_space<vmem>>
        %dma_wait3A_239 = arith.constant 0 : i32
        %dma_wait3A_240 = arith.constant 0 : i32
        %dma_wait3A_241 = tpu.memref_slice %arg15[%dma_wait3A_239, %dma_wait3A_240] : memref<10112x128xf32, #tpu.memory_space<vmem_shared>> -> memref<10112x128xf32, #tpu.memory_space<vmem_shared>>
        tpu.wait_indirect_dma semaphore(%arg21 : memref<!tpu.dma_semaphore, #tpu.memory_space<semaphore_mem>>) src(%arg12 : memref<64x128xf32, #tpu.memory_space<vmem>>) dst(%dma_wait3A_241 : memref<10112x128xf32, #tpu.memory_space<vmem_shared>>)
        %add3A_242 = arith.constant 3 : i32
        %add3A_243 = arith.addi %add3A_181, %add3A_242 : i32
        %dma_start3A_244 = arith.constant 0 : i32
        %dma_start3A_245 = tpu.memref_slice %arg9[%add3A_243, %dma_start3A_244] : memref<80x64xi32, #tpu.memory_space<vmem>> -> memref<1x64xi32, #tpu.memory_space<vmem>>
        %dma_start3A_246 = tpu.memref_squeeze %dma_start3A_245 : memref<1x64xi32, #tpu.memory_space<vmem>> -> memref<64xi32, #tpu.memory_space<vmem>>
        %dma_start3A_247 = arith.constant 0 : i32
        %dma_start3A_248 = arith.constant 0 : i32
        %dma_start3A_249 = tpu.memref_slice %arg2[%dma_start3A_247, %dma_start3A_248] : memref<10000x128xf32, #tpu.memory_space<hbm>> -> memref<10000x128xf32, #tpu.memory_space<hbm>>
        tpu.enqueue_indirect_dma source(%dma_start3A_249 : memref<10000x128xf32, #tpu.memory_space<hbm>>) target(%arg12 : memref<64x128xf32, #tpu.memory_space<vmem>>) offsets(%dma_start3A_246 : memref<64xi32, #tpu.memory_space<vmem>>) semaphore(%arg17 : memref<!tpu.dma_semaphore, #tpu.memory_space<semaphore_mem>>)
      } else {
      }
      %mul3A_206 = arith.constant 4 : i32
      %mul3A_207 = arith.muli %mul3A_206, %scan3A_127 : i32
      %add3A_208 = arith.constant 3 : i32
      %add3A_209 = arith.addi %mul3A_207, %add3A_208 : i32
      %dma_wait3A_210 = arith.constant 0 : i32
      %dma_wait3A_211 = tpu.memref_slice %arg9[%add3A_209, %dma_wait3A_210] : memref<80x64xi32, #tpu.memory_space<vmem>> -> memref<1x64xi32, #tpu.memory_space<vmem>>
      %dma_wait3A_212 = tpu.memref_squeeze %dma_wait3A_211 : memref<1x64xi32, #tpu.memory_space<vmem>> -> memref<64xi32, #tpu.memory_space<vmem>>
      %dma_wait3A_213 = arith.constant 0 : i32
      %dma_wait3A_214 = arith.constant 0 : i32
      %dma_wait3A_215 = tpu.memref_slice %arg2[%dma_wait3A_213, %dma_wait3A_214] : memref<10000x128xf32, #tpu.memory_space<hbm>> -> memref<10000x128xf32, #tpu.memory_space<hbm>>
      tpu.wait_indirect_dma semaphore(%arg19 : memref<!tpu.dma_semaphore, #tpu.memory_space<semaphore_mem>>) src(%dma_wait3A_215 : memref<10000x128xf32, #tpu.memory_space<hbm>>) dst(%arg14 : memref<64x128xf32, #tpu.memory_space<vmem>>)
      %dma_start3A_216 = arith.constant 0 : i32
      %dma_start3A_217 = tpu.memref_slice %arg10[%add3A_209, %dma_start3A_216] : memref<80x64xi32, #tpu.memory_space<vmem>> -> memref<1x64xi32, #tpu.memory_space<vmem>>
      %dma_start3A_218 = tpu.memref_squeeze %dma_start3A_217 : memref<1x64xi32, #tpu.memory_space<vmem>> -> memref<64xi32, #tpu.memory_space<vmem>>
      %dma_start3A_219 = arith.constant 0 : i32
      %dma_start3A_220 = arith.constant 0 : i32
      %dma_start3A_221 = tpu.memref_slice %arg15[%dma_start3A_219, %dma_start3A_220] : memref<10112x128xf32, #tpu.memory_space<vmem_shared>> -> memref<10112x128xf32, #tpu.memory_space<vmem_shared>>
      tpu.enqueue_indirect_dma source(%arg14 : memref<64x128xf32, #tpu.memory_space<vmem>>) target(%dma_start3A_221 : memref<10112x128xf32, #tpu.memory_space<vmem_shared>>) offsets(%dma_start3A_218 : memref<64xi32, #tpu.memory_space<vmem>>) semaphore(%arg23 : memref<!tpu.dma_semaphore, #tpu.memory_space<semaphore_mem>>) {add = true}
      %sub3A_222 = arith.constant 1 : i32
      %sub3A_223 = arith.subi %add3A_209, %sub3A_222 : i32
      %ge3A_224 = arith.constant 0 : i32
      %ge3A_225 = arith.cmpi sge, %sub3A_223, %ge3A_224 : i32
      %add3A_226 = arith.constant 3 : i32
      %add3A_227 = arith.addi %add3A_209, %add3A_226 : i32
      %lt3A_228 = arith.constant 80 : i32
      %lt3A_229 = arith.cmpi slt, %add3A_227, %lt3A_228 : i32
      %and3A_230 = arith.andi %ge3A_225, %lt3A_229 : i1
      %convert_element_type3A_231 = arith.extui %and3A_230 : i1 to i32
      %cond3A_232 = arith.constant 0 : i32
      %cond3A_233 = arith.cmpi ne, %convert_element_type3A_231, %cond3A_232 : i32
      scf.if %cond3A_233 {
        %sub3A_234 = arith.constant 1 : i32
        %sub3A_235 = arith.subi %add3A_209, %sub3A_234 : i32
        %dma_wait3A_236 = arith.constant 0 : i32
        %dma_wait3A_237 = tpu.memref_slice %arg10[%sub3A_235, %dma_wait3A_236] : memref<80x64xi32, #tpu.memory_space<vmem>> -> memref<1x64xi32, #tpu.memory_space<vmem>>
        %dma_wait3A_238 = tpu.memref_squeeze %dma_wait3A_237 : memref<1x64xi32, #tpu.memory_space<vmem>> -> memref<64xi32, #tpu.memory_space<vmem>>
        %dma_wait3A_239 = arith.constant 0 : i32
        %dma_wait3A_240 = arith.constant 0 : i32
        %dma_wait3A_241 = tpu.memref_slice %arg15[%dma_wait3A_239, %dma_wait3A_240] : memref<10112x128xf32, #tpu.memory_space<vmem_shared>> -> memref<10112x128xf32, #tpu.memory_space<vmem_shared>>
        tpu.wait_indirect_dma semaphore(%arg22 : memref<!tpu.dma_semaphore, #tpu.memory_space<semaphore_mem>>) src(%arg13 : memref<64x128xf32, #tpu.memory_space<vmem>>) dst(%dma_wait3A_241 : memref<10112x128xf32, #tpu.memory_space<vmem_shared>>)
        %add3A_242 = arith.constant 3 : i32
        %add3A_243 = arith.addi %add3A_209, %add3A_242 : i32
        %dma_start3A_244 = arith.constant 0 : i32
        %dma_start3A_245 = tpu.memref_slice %arg9[%add3A_243, %dma_start3A_244] : memref<80x64xi32, #tpu.memory_space<vmem>> -> memref<1x64xi32, #tpu.memory_space<vmem>>
        %dma_start3A_246 = tpu.memref_squeeze %dma_start3A_245 : memref<1x64xi32, #tpu.memory_space<vmem>> -> memref<64xi32, #tpu.memory_space<vmem>>
        %dma_start3A_247 = arith.constant 0 : i32
        %dma_start3A_248 = arith.constant 0 : i32
        %dma_start3A_249 = tpu.memref_slice %arg2[%dma_start3A_247, %dma_start3A_248] : memref<10000x128xf32, #tpu.memory_space<hbm>> -> memref<10000x128xf32, #tpu.memory_space<hbm>>
        tpu.enqueue_indirect_dma source(%dma_start3A_249 : memref<10000x128xf32, #tpu.memory_space<hbm>>) target(%arg13 : memref<64x128xf32, #tpu.memory_space<vmem>>) offsets(%dma_start3A_246 : memref<64xi32, #tpu.memory_space<vmem>>) semaphore(%arg18 : memref<!tpu.dma_semaphore, #tpu.memory_space<semaphore_mem>>)
      } else {
      }
    }
    %scan3A_34 = arith.constant 20 : i32
    %dma_wait3A = arith.constant 76 : i32
    %dma_wait3A_35 = arith.constant 0 : i32
    %dma_wait3A_36 = tpu.memref_slice %arg10[%dma_wait3A, %dma_wait3A_35] : memref<80x64xi32, #tpu.memory_space<vmem>> -> memref<1x64xi32, #tpu.memory_space<vmem>>
    %dma_wait3A_37 = tpu.memref_squeeze %dma_wait3A_36 : memref<1x64xi32, #tpu.memory_space<vmem>> -> memref<64xi32, #tpu.memory_space<vmem>>
    %dma_wait3A_38 = arith.constant 0 : i32
    %dma_wait3A_39 = arith.constant 0 : i32
    %dma_wait3A_40 = tpu.memref_slice %arg15[%dma_wait3A_38, %dma_wait3A_39] : memref<10112x128xf32, #tpu.memory_space<vmem_shared>> -> memref<10112x128xf32, #tpu.memory_space<vmem_shared>>
    tpu.wait_indirect_dma semaphore(%arg20 : memref<!tpu.dma_semaphore, #tpu.memory_space<semaphore_mem>>) src(%arg11 : memref<64x128xf32, #tpu.memory_space<vmem>>) dst(%dma_wait3A_40 : memref<10112x128xf32, #tpu.memory_space<vmem_shared>>)
    %dma_wait3A_41 = arith.constant 77 : i32
    %dma_wait3A_42 = arith.constant 0 : i32
    %dma_wait3A_43 = tpu.memref_slice %arg10[%dma_wait3A_41, %dma_wait3A_42] : memref<80x64xi32, #tpu.memory_space<vmem>> -> memref<1x64xi32, #tpu.memory_space<vmem>>
    %dma_wait3A_44 = tpu.memref_squeeze %dma_wait3A_43 : memref<1x64xi32, #tpu.memory_space<vmem>> -> memref<64xi32, #tpu.memory_space<vmem>>
    %dma_wait3A_45 = arith.constant 0 : i32
    %dma_wait3A_46 = arith.constant 0 : i32
    %dma_wait3A_47 = tpu.memref_slice %arg15[%dma_wait3A_45, %dma_wait3A_46] : memref<10112x128xf32, #tpu.memory_space<vmem_shared>> -> memref<10112x128xf32, #tpu.memory_space<vmem_shared>>
    tpu.wait_indirect_dma semaphore(%arg21 : memref<!tpu.dma_semaphore, #tpu.memory_space<semaphore_mem>>) src(%arg12 : memref<64x128xf32, #tpu.memory_space<vmem>>) dst(%dma_wait3A_47 : memref<10112x128xf32, #tpu.memory_space<vmem_shared>>)
    %dma_wait3A_48 = arith.constant 78 : i32
    %dma_wait3A_49 = arith.constant 0 : i32
    %dma_wait3A_50 = tpu.memref_slice %arg10[%dma_wait3A_48, %dma_wait3A_49] : memref<80x64xi32, #tpu.memory_space<vmem>> -> memref<1x64xi32, #tpu.memory_space<vmem>>
    %dma_wait3A_51 = tpu.memref_squeeze %dma_wait3A_50 : memref<1x64xi32, #tpu.memory_space<vmem>> -> memref<64xi32, #tpu.memory_space<vmem>>
    %dma_wait3A_52 = arith.constant 0 : i32
    %dma_wait3A_53 = arith.constant 0 : i32
    %dma_wait3A_54 = tpu.memref_slice %arg15[%dma_wait3A_52, %dma_wait3A_53] : memref<10112x128xf32, #tpu.memory_space<vmem_shared>> -> memref<10112x128xf32, #tpu.memory_space<vmem_shared>>
    tpu.wait_indirect_dma semaphore(%arg22 : memref<!tpu.dma_semaphore, #tpu.memory_space<semaphore_mem>>) src(%arg13 : memref<64x128xf32, #tpu.memory_space<vmem>>) dst(%dma_wait3A_54 : memref<10112x128xf32, #tpu.memory_space<vmem_shared>>)
    %dma_wait3A_55 = arith.constant 79 : i32
    %dma_wait3A_56 = arith.constant 0 : i32
    %dma_wait3A_57 = tpu.memref_slice %arg10[%dma_wait3A_55, %dma_wait3A_56] : memref<80x64xi32, #tpu.memory_space<vmem>> -> memref<1x64xi32, #tpu.memory_space<vmem>>
    %dma_wait3A_58 = tpu.memref_squeeze %dma_wait3A_57 : memref<1x64xi32, #tpu.memory_space<vmem>> -> memref<64xi32, #tpu.memory_space<vmem>>
    %dma_wait3A_59 = arith.constant 0 : i32
    %dma_wait3A_60 = arith.constant 0 : i32
    %dma_wait3A_61 = tpu.memref_slice %arg15[%dma_wait3A_59, %dma_wait3A_60] : memref<10112x128xf32, #tpu.memory_space<vmem_shared>> -> memref<10112x128xf32, #tpu.memory_space<vmem_shared>>
    tpu.wait_indirect_dma semaphore(%arg23 : memref<!tpu.dma_semaphore, #tpu.memory_space<semaphore_mem>>) src(%arg14 : memref<64x128xf32, #tpu.memory_space<vmem>>) dst(%dma_wait3A_61 : memref<10112x128xf32, #tpu.memory_space<vmem_shared>>)
    %barrier3A_62 = arith.constant 0 : index
    tpu.barrier barrier_id(%barrier3A_62)
    "tpu.region"() ({
      %run_scoped3A = tpu.sem_alloc : memref<!tpu.dma_semaphore, #tpu.memory_space<semaphore_mem>>
      %dma_start3A_127 = arith.constant 0 : i32
      %dma_start3A_128 = arith.constant 0 : i32
      %dma_start3A_129 = tpu.memref_slice %arg7[%arg0, %dma_start3A_127, %dma_start3A_128] : memref<2x10112x128xf32, #tpu.memory_space<hbm>> -> memref<1x10112x128xf32, #tpu.memory_space<hbm>>
      %dma_start3A_130 = tpu.memref_squeeze %dma_start3A_129 : memref<1x10112x128xf32, #tpu.memory_space<hbm>> -> memref<10112x128xf32, #tpu.memory_space<hbm>>
      %dma_start3A_131 = arith.constant 0 : i32
      %dma_start3A_132 = tpu.memref_slice %dma_start3A_130[%mul3A_2, %dma_start3A_131] : memref<10112x128xf32, #tpu.memory_space<hbm>> -> memref<632x128xf32, #tpu.memory_space<hbm>>
      %dma_start3A_133 = arith.constant 0 : i32
      %dma_start3A_134 = tpu.memref_slice %arg15[%mul3A_2, %dma_start3A_133] : memref<10112x128xf32, #tpu.memory_space<vmem_shared>> -> memref<632x128xf32, #tpu.memory_space<vmem_shared>>
      tpu.enqueue_dma source(%dma_start3A_134 : memref<632x128xf32, #tpu.memory_space<vmem_shared>>) target(%dma_start3A_132 : memref<632x128xf32, #tpu.memory_space<hbm>>) target_semaphore(%run_scoped3A : memref<!tpu.dma_semaphore, #tpu.memory_space<semaphore_mem>>)
      %dma_wait3A_135 = arith.constant 0 : i32
      %dma_wait3A_136 = arith.constant 0 : i32
      %dma_wait3A_137 = tpu.memref_slice %arg7[%arg0, %dma_wait3A_135, %dma_wait3A_136] : memref<2x10112x128xf32, #tpu.memory_space<hbm>> -> memref<1x10112x128xf32, #tpu.memory_space<hbm>>
      %dma_wait3A_138 = tpu.memref_squeeze %dma_wait3A_137 : memref<1x10112x128xf32, #tpu.memory_space<hbm>> -> memref<10112x128xf32, #tpu.memory_space<hbm>>
      %dma_wait3A_139 = arith.constant 0 : i32
      %dma_wait3A_140 = tpu.memref_slice %dma_wait3A_138[%mul3A_2, %dma_wait3A_139] : memref<10112x128xf32, #tpu.memory_space<hbm>> -> memref<632x128xf32, #tpu.memory_space<hbm>>
      %dma_wait3A_141 = arith.constant 0 : i32
      %dma_wait3A_142 = tpu.memref_slice %arg15[%mul3A_2, %dma_wait3A_141] : memref<10112x128xf32, #tpu.memory_space<vmem_shared>> -> memref<632x128xf32, #tpu.memory_space<vmem_shared>>
      tpu.wait_dma2 semaphore(%run_scoped3A : memref<!tpu.dma_semaphore, #tpu.memory_space<semaphore_mem>>) src(%dma_wait3A_142 : memref<632x128xf32, #tpu.memory_space<vmem_shared>>) dst(%dma_wait3A_140 : memref<632x128xf32, #tpu.memory_space<hbm>>)
      tpu.yield
    }) : () -> ()
    "tpu.region"() ({
      %run_scoped3A = tpu.sem_alloc : memref<!tpu.dma_semaphore, #tpu.memory_space<semaphore_mem>>
      %dma_start3A_127 = arith.constant 0 : i32
      %dma_start3A_128 = tpu.memref_slice %arg15[%mul3A_2, %dma_start3A_127] : memref<10112x128xf32, #tpu.memory_space<vmem_shared>> -> memref<632x128xf32, #tpu.memory_space<vmem_shared>>
      %dma_start3A_129 = arith.constant 0 : i32
      %dma_start3A_130 = tpu.memref_slice %arg6[%mul3A_2, %dma_start3A_129] : memref<10112x128xf32, #tpu.memory_space<hbm>> -> memref<632x128xf32, #tpu.memory_space<hbm>>
      tpu.enqueue_dma source(%dma_start3A_130 : memref<632x128xf32, #tpu.memory_space<hbm>>) target(%dma_start3A_128 : memref<632x128xf32, #tpu.memory_space<vmem_shared>>) target_semaphore(%run_scoped3A : memref<!tpu.dma_semaphore, #tpu.memory_space<semaphore_mem>>)
      %dma_wait3A_131 = arith.constant 0 : i32
      %dma_wait3A_132 = tpu.memref_slice %arg15[%mul3A_2, %dma_wait3A_131] : memref<10112x128xf32, #tpu.memory_space<vmem_shared>> -> memref<632x128xf32, #tpu.memory_space<vmem_shared>>
      %dma_wait3A_133 = arith.constant 0 : i32
      %dma_wait3A_134 = tpu.memref_slice %arg6[%mul3A_2, %dma_wait3A_133] : memref<10112x128xf32, #tpu.memory_space<hbm>> -> memref<632x128xf32, #tpu.memory_space<hbm>>
      tpu.wait_dma2 semaphore(%run_scoped3A : memref<!tpu.dma_semaphore, #tpu.memory_space<semaphore_mem>>) src(%dma_wait3A_134 : memref<632x128xf32, #tpu.memory_space<hbm>>) dst(%dma_wait3A_132 : memref<632x128xf32, #tpu.memory_space<vmem_shared>>)
      tpu.yield
    }) : () -> ()
    %barrier3A_63 = arith.constant 0 : index
    tpu.barrier barrier_id(%barrier3A_63)
    %dma_start3A_64 = arith.constant 0 : i32
    %dma_start3A_65 = arith.constant 0 : i32
    %dma_start3A_66 = tpu.memref_slice %arg9[%dma_start3A_64, %dma_start3A_65] : memref<80x64xi32, #tpu.memory_space<vmem>> -> memref<1x64xi32, #tpu.memory_space<vmem>>
    %dma_start3A_67 = tpu.memref_squeeze %dma_start3A_66 : memref<1x64xi32, #tpu.memory_space<vmem>> -> memref<64xi32, #tpu.memory_space<vmem>>
    %dma_start3A_68 = arith.constant 0 : i32
    %dma_start3A_69 = arith.constant 0 : i32
    %dma_start3A_70 = tpu.memref_slice %arg3[%dma_start3A_68, %dma_start3A_69] : memref<10000x128xf32, #tpu.memory_space<hbm>> -> memref<10000x128xf32, #tpu.memory_space<hbm>>
    tpu.enqueue_indirect_dma source(%dma_start3A_70 : memref<10000x128xf32, #tpu.memory_space<hbm>>) target(%arg11 : memref<64x128xf32, #tpu.memory_space<vmem>>) offsets(%dma_start3A_67 : memref<64xi32, #tpu.memory_space<vmem>>) semaphore(%arg16 : memref<!tpu.dma_semaphore, #tpu.memory_space<semaphore_mem>>)
    %dma_start3A_71 = arith.constant 1 : i32
    %dma_start3A_72 = arith.constant 0 : i32
    %dma_start3A_73 = tpu.memref_slice %arg9[%dma_start3A_71, %dma_start3A_72] : memref<80x64xi32, #tpu.memory_space<vmem>> -> memref<1x64xi32, #tpu.memory_space<vmem>>
    %dma_start3A_74 = tpu.memref_squeeze %dma_start3A_73 : memref<1x64xi32, #tpu.memory_space<vmem>> -> memref<64xi32, #tpu.memory_space<vmem>>
    %dma_start3A_75 = arith.constant 0 : i32
    %dma_start3A_76 = arith.constant 0 : i32
    %dma_start3A_77 = tpu.memref_slice %arg3[%dma_start3A_75, %dma_start3A_76] : memref<10000x128xf32, #tpu.memory_space<hbm>> -> memref<10000x128xf32, #tpu.memory_space<hbm>>
    tpu.enqueue_indirect_dma source(%dma_start3A_77 : memref<10000x128xf32, #tpu.memory_space<hbm>>) target(%arg12 : memref<64x128xf32, #tpu.memory_space<vmem>>) offsets(%dma_start3A_74 : memref<64xi32, #tpu.memory_space<vmem>>) semaphore(%arg17 : memref<!tpu.dma_semaphore, #tpu.memory_space<semaphore_mem>>)
    %dma_start3A_78 = arith.constant 2 : i32
    %dma_start3A_79 = arith.constant 0 : i32
    %dma_start3A_80 = tpu.memref_slice %arg9[%dma_start3A_78, %dma_start3A_79] : memref<80x64xi32, #tpu.memory_space<vmem>> -> memref<1x64xi32, #tpu.memory_space<vmem>>
    %dma_start3A_81 = tpu.memref_squeeze %dma_start3A_80 : memref<1x64xi32, #tpu.memory_space<vmem>> -> memref<64xi32, #tpu.memory_space<vmem>>
    %dma_start3A_82 = arith.constant 0 : i32
    %dma_start3A_83 = arith.constant 0 : i32
    %dma_start3A_84 = tpu.memref_slice %arg3[%dma_start3A_82, %dma_start3A_83] : memref<10000x128xf32, #tpu.memory_space<hbm>> -> memref<10000x128xf32, #tpu.memory_space<hbm>>
    tpu.enqueue_indirect_dma source(%dma_start3A_84 : memref<10000x128xf32, #tpu.memory_space<hbm>>) target(%arg13 : memref<64x128xf32, #tpu.memory_space<vmem>>) offsets(%dma_start3A_81 : memref<64xi32, #tpu.memory_space<vmem>>) semaphore(%arg18 : memref<!tpu.dma_semaphore, #tpu.memory_space<semaphore_mem>>)
    %dma_start3A_85 = arith.constant 3 : i32
    %dma_start3A_86 = arith.constant 0 : i32
    %dma_start3A_87 = tpu.memref_slice %arg9[%dma_start3A_85, %dma_start3A_86] : memref<80x64xi32, #tpu.memory_space<vmem>> -> memref<1x64xi32, #tpu.memory_space<vmem>>
    %dma_start3A_88 = tpu.memref_squeeze %dma_start3A_87 : memref<1x64xi32, #tpu.memory_space<vmem>> -> memref<64xi32, #tpu.memory_space<vmem>>
    %dma_start3A_89 = arith.constant 0 : i32
    %dma_start3A_90 = arith.constant 0 : i32
    %dma_start3A_91 = tpu.memref_slice %arg3[%dma_start3A_89, %dma_start3A_90] : memref<10000x128xf32, #tpu.memory_space<hbm>> -> memref<10000x128xf32, #tpu.memory_space<hbm>>
    tpu.enqueue_indirect_dma source(%dma_start3A_91 : memref<10000x128xf32, #tpu.memory_space<hbm>>) target(%arg14 : memref<64x128xf32, #tpu.memory_space<vmem>>) offsets(%dma_start3A_88 : memref<64xi32, #tpu.memory_space<vmem>>) semaphore(%arg19 : memref<!tpu.dma_semaphore, #tpu.memory_space<semaphore_mem>>)
    %scan3A_92 = arith.constant 0 : i32
    %scan3A_93 = arith.constant 0 : i32
    %scan3A_94 = arith.constant 20 : i32
    %scan3A_95 = arith.addi %scan3A_93, %scan3A_94 : i32
    %scan3A_96 = arith.constant 1 : i32
    scf.for %scan3A_127 = %scan3A_93 to %scan3A_95 step %scan3A_96  : i32 {
      %mul3A_128 = arith.constant 4 : i32
      %mul3A_129 = arith.muli %mul3A_128, %scan3A_127 : i32
      %add3A_130 = arith.constant 0 : i32
      %add3A_131 = arith.addi %mul3A_129, %add3A_130 : i32
      %dma_wait3A_132 = arith.constant 0 : i32
      %dma_wait3A_133 = tpu.memref_slice %arg9[%add3A_131, %dma_wait3A_132] : memref<80x64xi32, #tpu.memory_space<vmem>> -> memref<1x64xi32, #tpu.memory_space<vmem>>
      %dma_wait3A_134 = tpu.memref_squeeze %dma_wait3A_133 : memref<1x64xi32, #tpu.memory_space<vmem>> -> memref<64xi32, #tpu.memory_space<vmem>>
      %dma_wait3A_135 = arith.constant 0 : i32
      %dma_wait3A_136 = arith.constant 0 : i32
      %dma_wait3A_137 = tpu.memref_slice %arg3[%dma_wait3A_135, %dma_wait3A_136] : memref<10000x128xf32, #tpu.memory_space<hbm>> -> memref<10000x128xf32, #tpu.memory_space<hbm>>
      tpu.wait_indirect_dma semaphore(%arg16 : memref<!tpu.dma_semaphore, #tpu.memory_space<semaphore_mem>>) src(%dma_wait3A_137 : memref<10000x128xf32, #tpu.memory_space<hbm>>) dst(%arg11 : memref<64x128xf32, #tpu.memory_space<vmem>>)
      %dma_start3A_138 = arith.constant 0 : i32
      %dma_start3A_139 = tpu.memref_slice %arg10[%add3A_131, %dma_start3A_138] : memref<80x64xi32, #tpu.memory_space<vmem>> -> memref<1x64xi32, #tpu.memory_space<vmem>>
      %dma_start3A_140 = tpu.memref_squeeze %dma_start3A_139 : memref<1x64xi32, #tpu.memory_space<vmem>> -> memref<64xi32, #tpu.memory_space<vmem>>
      %dma_start3A_141 = arith.constant 0 : i32
      %dma_start3A_142 = arith.constant 0 : i32
      %dma_start3A_143 = tpu.memref_slice %arg15[%dma_start3A_141, %dma_start3A_142] : memref<10112x128xf32, #tpu.memory_space<vmem_shared>> -> memref<10112x128xf32, #tpu.memory_space<vmem_shared>>
      tpu.enqueue_indirect_dma source(%arg11 : memref<64x128xf32, #tpu.memory_space<vmem>>) target(%dma_start3A_143 : memref<10112x128xf32, #tpu.memory_space<vmem_shared>>) offsets(%dma_start3A_140 : memref<64xi32, #tpu.memory_space<vmem>>) semaphore(%arg20 : memref<!tpu.dma_semaphore, #tpu.memory_space<semaphore_mem>>) {add = true}
      %sub3A = arith.constant 1 : i32
      %sub3A_144 = arith.subi %add3A_131, %sub3A : i32
      %ge3A = arith.constant 0 : i32
      %ge3A_145 = arith.cmpi sge, %sub3A_144, %ge3A : i32
      %add3A_146 = arith.constant 3 : i32
      %add3A_147 = arith.addi %add3A_131, %add3A_146 : i32
      %lt3A = arith.constant 80 : i32
      %lt3A_148 = arith.cmpi slt, %add3A_147, %lt3A : i32
      %and3A = arith.andi %ge3A_145, %lt3A_148 : i1
      %convert_element_type3A = arith.extui %and3A : i1 to i32
      %cond3A = arith.constant 0 : i32
      %cond3A_149 = arith.cmpi ne, %convert_element_type3A, %cond3A : i32
      scf.if %cond3A_149 {
        %sub3A_234 = arith.constant 1 : i32
        %sub3A_235 = arith.subi %add3A_131, %sub3A_234 : i32
        %dma_wait3A_236 = arith.constant 0 : i32
        %dma_wait3A_237 = tpu.memref_slice %arg10[%sub3A_235, %dma_wait3A_236] : memref<80x64xi32, #tpu.memory_space<vmem>> -> memref<1x64xi32, #tpu.memory_space<vmem>>
        %dma_wait3A_238 = tpu.memref_squeeze %dma_wait3A_237 : memref<1x64xi32, #tpu.memory_space<vmem>> -> memref<64xi32, #tpu.memory_space<vmem>>
        %dma_wait3A_239 = arith.constant 0 : i32
        %dma_wait3A_240 = arith.constant 0 : i32
        %dma_wait3A_241 = tpu.memref_slice %arg15[%dma_wait3A_239, %dma_wait3A_240] : memref<10112x128xf32, #tpu.memory_space<vmem_shared>> -> memref<10112x128xf32, #tpu.memory_space<vmem_shared>>
        tpu.wait_indirect_dma semaphore(%arg23 : memref<!tpu.dma_semaphore, #tpu.memory_space<semaphore_mem>>) src(%arg14 : memref<64x128xf32, #tpu.memory_space<vmem>>) dst(%dma_wait3A_241 : memref<10112x128xf32, #tpu.memory_space<vmem_shared>>)
        %add3A_242 = arith.constant 3 : i32
        %add3A_243 = arith.addi %add3A_131, %add3A_242 : i32
        %dma_start3A_244 = arith.constant 0 : i32
        %dma_start3A_245 = tpu.memref_slice %arg9[%add3A_243, %dma_start3A_244] : memref<80x64xi32, #tpu.memory_space<vmem>> -> memref<1x64xi32, #tpu.memory_space<vmem>>
        %dma_start3A_246 = tpu.memref_squeeze %dma_start3A_245 : memref<1x64xi32, #tpu.memory_space<vmem>> -> memref<64xi32, #tpu.memory_space<vmem>>
        %dma_start3A_247 = arith.constant 0 : i32
        %dma_start3A_248 = arith.constant 0 : i32
        %dma_start3A_249 = tpu.memref_slice %arg3[%dma_start3A_247, %dma_start3A_248] : memref<10000x128xf32, #tpu.memory_space<hbm>> -> memref<10000x128xf32, #tpu.memory_space<hbm>>
        tpu.enqueue_indirect_dma source(%dma_start3A_249 : memref<10000x128xf32, #tpu.memory_space<hbm>>) target(%arg14 : memref<64x128xf32, #tpu.memory_space<vmem>>) offsets(%dma_start3A_246 : memref<64xi32, #tpu.memory_space<vmem>>) semaphore(%arg19 : memref<!tpu.dma_semaphore, #tpu.memory_space<semaphore_mem>>)
      } else {
      }
      %mul3A_150 = arith.constant 4 : i32
      %mul3A_151 = arith.muli %mul3A_150, %scan3A_127 : i32
      %add3A_152 = arith.constant 1 : i32
      %add3A_153 = arith.addi %mul3A_151, %add3A_152 : i32
      %dma_wait3A_154 = arith.constant 0 : i32
      %dma_wait3A_155 = tpu.memref_slice %arg9[%add3A_153, %dma_wait3A_154] : memref<80x64xi32, #tpu.memory_space<vmem>> -> memref<1x64xi32, #tpu.memory_space<vmem>>
      %dma_wait3A_156 = tpu.memref_squeeze %dma_wait3A_155 : memref<1x64xi32, #tpu.memory_space<vmem>> -> memref<64xi32, #tpu.memory_space<vmem>>
      %dma_wait3A_157 = arith.constant 0 : i32
      %dma_wait3A_158 = arith.constant 0 : i32
      %dma_wait3A_159 = tpu.memref_slice %arg3[%dma_wait3A_157, %dma_wait3A_158] : memref<10000x128xf32, #tpu.memory_space<hbm>> -> memref<10000x128xf32, #tpu.memory_space<hbm>>
      tpu.wait_indirect_dma semaphore(%arg17 : memref<!tpu.dma_semaphore, #tpu.memory_space<semaphore_mem>>) src(%dma_wait3A_159 : memref<10000x128xf32, #tpu.memory_space<hbm>>) dst(%arg12 : memref<64x128xf32, #tpu.memory_space<vmem>>)
      %dma_start3A_160 = arith.constant 0 : i32
      %dma_start3A_161 = tpu.memref_slice %arg10[%add3A_153, %dma_start3A_160] : memref<80x64xi32, #tpu.memory_space<vmem>> -> memref<1x64xi32, #tpu.memory_space<vmem>>
      %dma_start3A_162 = tpu.memref_squeeze %dma_start3A_161 : memref<1x64xi32, #tpu.memory_space<vmem>> -> memref<64xi32, #tpu.memory_space<vmem>>
      %dma_start3A_163 = arith.constant 0 : i32
      %dma_start3A_164 = arith.constant 0 : i32
      %dma_start3A_165 = tpu.memref_slice %arg15[%dma_start3A_163, %dma_start3A_164] : memref<10112x128xf32, #tpu.memory_space<vmem_shared>> -> memref<10112x128xf32, #tpu.memory_space<vmem_shared>>
      tpu.enqueue_indirect_dma source(%arg12 : memref<64x128xf32, #tpu.memory_space<vmem>>) target(%dma_start3A_165 : memref<10112x128xf32, #tpu.memory_space<vmem_shared>>) offsets(%dma_start3A_162 : memref<64xi32, #tpu.memory_space<vmem>>) semaphore(%arg21 : memref<!tpu.dma_semaphore, #tpu.memory_space<semaphore_mem>>) {add = true}
      %sub3A_166 = arith.constant 1 : i32
      %sub3A_167 = arith.subi %add3A_153, %sub3A_166 : i32
      %ge3A_168 = arith.constant 0 : i32
      %ge3A_169 = arith.cmpi sge, %sub3A_167, %ge3A_168 : i32
      %add3A_170 = arith.constant 3 : i32
      %add3A_171 = arith.addi %add3A_153, %add3A_170 : i32
      %lt3A_172 = arith.constant 80 : i32
      %lt3A_173 = arith.cmpi slt, %add3A_171, %lt3A_172 : i32
      %and3A_174 = arith.andi %ge3A_169, %lt3A_173 : i1
      %convert_element_type3A_175 = arith.extui %and3A_174 : i1 to i32
      %cond3A_176 = arith.constant 0 : i32
      %cond3A_177 = arith.cmpi ne, %convert_element_type3A_175, %cond3A_176 : i32
      scf.if %cond3A_177 {
        %sub3A_234 = arith.constant 1 : i32
        %sub3A_235 = arith.subi %add3A_153, %sub3A_234 : i32
        %dma_wait3A_236 = arith.constant 0 : i32
        %dma_wait3A_237 = tpu.memref_slice %arg10[%sub3A_235, %dma_wait3A_236] : memref<80x64xi32, #tpu.memory_space<vmem>> -> memref<1x64xi32, #tpu.memory_space<vmem>>
        %dma_wait3A_238 = tpu.memref_squeeze %dma_wait3A_237 : memref<1x64xi32, #tpu.memory_space<vmem>> -> memref<64xi32, #tpu.memory_space<vmem>>
        %dma_wait3A_239 = arith.constant 0 : i32
        %dma_wait3A_240 = arith.constant 0 : i32
        %dma_wait3A_241 = tpu.memref_slice %arg15[%dma_wait3A_239, %dma_wait3A_240] : memref<10112x128xf32, #tpu.memory_space<vmem_shared>> -> memref<10112x128xf32, #tpu.memory_space<vmem_shared>>
        tpu.wait_indirect_dma semaphore(%arg20 : memref<!tpu.dma_semaphore, #tpu.memory_space<semaphore_mem>>) src(%arg11 : memref<64x128xf32, #tpu.memory_space<vmem>>) dst(%dma_wait3A_241 : memref<10112x128xf32, #tpu.memory_space<vmem_shared>>)
        %add3A_242 = arith.constant 3 : i32
        %add3A_243 = arith.addi %add3A_153, %add3A_242 : i32
        %dma_start3A_244 = arith.constant 0 : i32
        %dma_start3A_245 = tpu.memref_slice %arg9[%add3A_243, %dma_start3A_244] : memref<80x64xi32, #tpu.memory_space<vmem>> -> memref<1x64xi32, #tpu.memory_space<vmem>>
        %dma_start3A_246 = tpu.memref_squeeze %dma_start3A_245 : memref<1x64xi32, #tpu.memory_space<vmem>> -> memref<64xi32, #tpu.memory_space<vmem>>
        %dma_start3A_247 = arith.constant 0 : i32
        %dma_start3A_248 = arith.constant 0 : i32
        %dma_start3A_249 = tpu.memref_slice %arg3[%dma_start3A_247, %dma_start3A_248] : memref<10000x128xf32, #tpu.memory_space<hbm>> -> memref<10000x128xf32, #tpu.memory_space<hbm>>
        tpu.enqueue_indirect_dma source(%dma_start3A_249 : memref<10000x128xf32, #tpu.memory_space<hbm>>) target(%arg11 : memref<64x128xf32, #tpu.memory_space<vmem>>) offsets(%dma_start3A_246 : memref<64xi32, #tpu.memory_space<vmem>>) semaphore(%arg16 : memref<!tpu.dma_semaphore, #tpu.memory_space<semaphore_mem>>)
      } else {
      }
      %mul3A_178 = arith.constant 4 : i32
      %mul3A_179 = arith.muli %mul3A_178, %scan3A_127 : i32
      %add3A_180 = arith.constant 2 : i32
      %add3A_181 = arith.addi %mul3A_179, %add3A_180 : i32
      %dma_wait3A_182 = arith.constant 0 : i32
      %dma_wait3A_183 = tpu.memref_slice %arg9[%add3A_181, %dma_wait3A_182] : memref<80x64xi32, #tpu.memory_space<vmem>> -> memref<1x64xi32, #tpu.memory_space<vmem>>
      %dma_wait3A_184 = tpu.memref_squeeze %dma_wait3A_183 : memref<1x64xi32, #tpu.memory_space<vmem>> -> memref<64xi32, #tpu.memory_space<vmem>>
      %dma_wait3A_185 = arith.constant 0 : i32
      %dma_wait3A_186 = arith.constant 0 : i32
      %dma_wait3A_187 = tpu.memref_slice %arg3[%dma_wait3A_185, %dma_wait3A_186] : memref<10000x128xf32, #tpu.memory_space<hbm>> -> memref<10000x128xf32, #tpu.memory_space<hbm>>
      tpu.wait_indirect_dma semaphore(%arg18 : memref<!tpu.dma_semaphore, #tpu.memory_space<semaphore_mem>>) src(%dma_wait3A_187 : memref<10000x128xf32, #tpu.memory_space<hbm>>) dst(%arg13 : memref<64x128xf32, #tpu.memory_space<vmem>>)
      %dma_start3A_188 = arith.constant 0 : i32
      %dma_start3A_189 = tpu.memref_slice %arg10[%add3A_181, %dma_start3A_188] : memref<80x64xi32, #tpu.memory_space<vmem>> -> memref<1x64xi32, #tpu.memory_space<vmem>>
      %dma_start3A_190 = tpu.memref_squeeze %dma_start3A_189 : memref<1x64xi32, #tpu.memory_space<vmem>> -> memref<64xi32, #tpu.memory_space<vmem>>
      %dma_start3A_191 = arith.constant 0 : i32
      %dma_start3A_192 = arith.constant 0 : i32
      %dma_start3A_193 = tpu.memref_slice %arg15[%dma_start3A_191, %dma_start3A_192] : memref<10112x128xf32, #tpu.memory_space<vmem_shared>> -> memref<10112x128xf32, #tpu.memory_space<vmem_shared>>
      tpu.enqueue_indirect_dma source(%arg13 : memref<64x128xf32, #tpu.memory_space<vmem>>) target(%dma_start3A_193 : memref<10112x128xf32, #tpu.memory_space<vmem_shared>>) offsets(%dma_start3A_190 : memref<64xi32, #tpu.memory_space<vmem>>) semaphore(%arg22 : memref<!tpu.dma_semaphore, #tpu.memory_space<semaphore_mem>>) {add = true}
      %sub3A_194 = arith.constant 1 : i32
      %sub3A_195 = arith.subi %add3A_181, %sub3A_194 : i32
      %ge3A_196 = arith.constant 0 : i32
      %ge3A_197 = arith.cmpi sge, %sub3A_195, %ge3A_196 : i32
      %add3A_198 = arith.constant 3 : i32
      %add3A_199 = arith.addi %add3A_181, %add3A_198 : i32
      %lt3A_200 = arith.constant 80 : i32
      %lt3A_201 = arith.cmpi slt, %add3A_199, %lt3A_200 : i32
      %and3A_202 = arith.andi %ge3A_197, %lt3A_201 : i1
      %convert_element_type3A_203 = arith.extui %and3A_202 : i1 to i32
      %cond3A_204 = arith.constant 0 : i32
      %cond3A_205 = arith.cmpi ne, %convert_element_type3A_203, %cond3A_204 : i32
      scf.if %cond3A_205 {
        %sub3A_234 = arith.constant 1 : i32
        %sub3A_235 = arith.subi %add3A_181, %sub3A_234 : i32
        %dma_wait3A_236 = arith.constant 0 : i32
        %dma_wait3A_237 = tpu.memref_slice %arg10[%sub3A_235, %dma_wait3A_236] : memref<80x64xi32, #tpu.memory_space<vmem>> -> memref<1x64xi32, #tpu.memory_space<vmem>>
        %dma_wait3A_238 = tpu.memref_squeeze %dma_wait3A_237 : memref<1x64xi32, #tpu.memory_space<vmem>> -> memref<64xi32, #tpu.memory_space<vmem>>
        %dma_wait3A_239 = arith.constant 0 : i32
        %dma_wait3A_240 = arith.constant 0 : i32
        %dma_wait3A_241 = tpu.memref_slice %arg15[%dma_wait3A_239, %dma_wait3A_240] : memref<10112x128xf32, #tpu.memory_space<vmem_shared>> -> memref<10112x128xf32, #tpu.memory_space<vmem_shared>>
        tpu.wait_indirect_dma semaphore(%arg21 : memref<!tpu.dma_semaphore, #tpu.memory_space<semaphore_mem>>) src(%arg12 : memref<64x128xf32, #tpu.memory_space<vmem>>) dst(%dma_wait3A_241 : memref<10112x128xf32, #tpu.memory_space<vmem_shared>>)
        %add3A_242 = arith.constant 3 : i32
        %add3A_243 = arith.addi %add3A_181, %add3A_242 : i32
        %dma_start3A_244 = arith.constant 0 : i32
        %dma_start3A_245 = tpu.memref_slice %arg9[%add3A_243, %dma_start3A_244] : memref<80x64xi32, #tpu.memory_space<vmem>> -> memref<1x64xi32, #tpu.memory_space<vmem>>
        %dma_start3A_246 = tpu.memref_squeeze %dma_start3A_245 : memref<1x64xi32, #tpu.memory_space<vmem>> -> memref<64xi32, #tpu.memory_space<vmem>>
        %dma_start3A_247 = arith.constant 0 : i32
        %dma_start3A_248 = arith.constant 0 : i32
        %dma_start3A_249 = tpu.memref_slice %arg3[%dma_start3A_247, %dma_start3A_248] : memref<10000x128xf32, #tpu.memory_space<hbm>> -> memref<10000x128xf32, #tpu.memory_space<hbm>>
        tpu.enqueue_indirect_dma source(%dma_start3A_249 : memref<10000x128xf32, #tpu.memory_space<hbm>>) target(%arg12 : memref<64x128xf32, #tpu.memory_space<vmem>>) offsets(%dma_start3A_246 : memref<64xi32, #tpu.memory_space<vmem>>) semaphore(%arg17 : memref<!tpu.dma_semaphore, #tpu.memory_space<semaphore_mem>>)
      } else {
      }
      %mul3A_206 = arith.constant 4 : i32
      %mul3A_207 = arith.muli %mul3A_206, %scan3A_127 : i32
      %add3A_208 = arith.constant 3 : i32
      %add3A_209 = arith.addi %mul3A_207, %add3A_208 : i32
      %dma_wait3A_210 = arith.constant 0 : i32
      %dma_wait3A_211 = tpu.memref_slice %arg9[%add3A_209, %dma_wait3A_210] : memref<80x64xi32, #tpu.memory_space<vmem>> -> memref<1x64xi32, #tpu.memory_space<vmem>>
      %dma_wait3A_212 = tpu.memref_squeeze %dma_wait3A_211 : memref<1x64xi32, #tpu.memory_space<vmem>> -> memref<64xi32, #tpu.memory_space<vmem>>
      %dma_wait3A_213 = arith.constant 0 : i32
      %dma_wait3A_214 = arith.constant 0 : i32
      %dma_wait3A_215 = tpu.memref_slice %arg3[%dma_wait3A_213, %dma_wait3A_214] : memref<10000x128xf32, #tpu.memory_space<hbm>> -> memref<10000x128xf32, #tpu.memory_space<hbm>>
      tpu.wait_indirect_dma semaphore(%arg19 : memref<!tpu.dma_semaphore, #tpu.memory_space<semaphore_mem>>) src(%dma_wait3A_215 : memref<10000x128xf32, #tpu.memory_space<hbm>>) dst(%arg14 : memref<64x128xf32, #tpu.memory_space<vmem>>)
      %dma_start3A_216 = arith.constant 0 : i32
      %dma_start3A_217 = tpu.memref_slice %arg10[%add3A_209, %dma_start3A_216] : memref<80x64xi32, #tpu.memory_space<vmem>> -> memref<1x64xi32, #tpu.memory_space<vmem>>
      %dma_start3A_218 = tpu.memref_squeeze %dma_start3A_217 : memref<1x64xi32, #tpu.memory_space<vmem>> -> memref<64xi32, #tpu.memory_space<vmem>>
      %dma_start3A_219 = arith.constant 0 : i32
      %dma_start3A_220 = arith.constant 0 : i32
      %dma_start3A_221 = tpu.memref_slice %arg15[%dma_start3A_219, %dma_start3A_220] : memref<10112x128xf32, #tpu.memory_space<vmem_shared>> -> memref<10112x128xf32, #tpu.memory_space<vmem_shared>>
      tpu.enqueue_indirect_dma source(%arg14 : memref<64x128xf32, #tpu.memory_space<vmem>>) target(%dma_start3A_221 : memref<10112x128xf32, #tpu.memory_space<vmem_shared>>) offsets(%dma_start3A_218 : memref<64xi32, #tpu.memory_space<vmem>>) semaphore(%arg23 : memref<!tpu.dma_semaphore, #tpu.memory_space<semaphore_mem>>) {add = true}
      %sub3A_222 = arith.constant 1 : i32
      %sub3A_223 = arith.subi %add3A_209, %sub3A_222 : i32
      %ge3A_224 = arith.constant 0 : i32
      %ge3A_225 = arith.cmpi sge, %sub3A_223, %ge3A_224 : i32
      %add3A_226 = arith.constant 3 : i32
      %add3A_227 = arith.addi %add3A_209, %add3A_226 : i32
      %lt3A_228 = arith.constant 80 : i32
      %lt3A_229 = arith.cmpi slt, %add3A_227, %lt3A_228 : i32
      %and3A_230 = arith.andi %ge3A_225, %lt3A_229 : i1
      %convert_element_type3A_231 = arith.extui %and3A_230 : i1 to i32
      %cond3A_232 = arith.constant 0 : i32
      %cond3A_233 = arith.cmpi ne, %convert_element_type3A_231, %cond3A_232 : i32
      scf.if %cond3A_233 {
        %sub3A_234 = arith.constant 1 : i32
        %sub3A_235 = arith.subi %add3A_209, %sub3A_234 : i32
        %dma_wait3A_236 = arith.constant 0 : i32
        %dma_wait3A_237 = tpu.memref_slice %arg10[%sub3A_235, %dma_wait3A_236] : memref<80x64xi32, #tpu.memory_space<vmem>> -> memref<1x64xi32, #tpu.memory_space<vmem>>
        %dma_wait3A_238 = tpu.memref_squeeze %dma_wait3A_237 : memref<1x64xi32, #tpu.memory_space<vmem>> -> memref<64xi32, #tpu.memory_space<vmem>>
        %dma_wait3A_239 = arith.constant 0 : i32
        %dma_wait3A_240 = arith.constant 0 : i32
        %dma_wait3A_241 = tpu.memref_slice %arg15[%dma_wait3A_239, %dma_wait3A_240] : memref<10112x128xf32, #tpu.memory_space<vmem_shared>> -> memref<10112x128xf32, #tpu.memory_space<vmem_shared>>
        tpu.wait_indirect_dma semaphore(%arg22 : memref<!tpu.dma_semaphore, #tpu.memory_space<semaphore_mem>>) src(%arg13 : memref<64x128xf32, #tpu.memory_space<vmem>>) dst(%dma_wait3A_241 : memref<10112x128xf32, #tpu.memory_space<vmem_shared>>)
        %add3A_242 = arith.constant 3 : i32
        %add3A_243 = arith.addi %add3A_209, %add3A_242 : i32
        %dma_start3A_244 = arith.constant 0 : i32
        %dma_start3A_245 = tpu.memref_slice %arg9[%add3A_243, %dma_start3A_244] : memref<80x64xi32, #tpu.memory_space<vmem>> -> memref<1x64xi32, #tpu.memory_space<vmem>>
        %dma_start3A_246 = tpu.memref_squeeze %dma_start3A_245 : memref<1x64xi32, #tpu.memory_space<vmem>> -> memref<64xi32, #tpu.memory_space<vmem>>
        %dma_start3A_247 = arith.constant 0 : i32
        %dma_start3A_248 = arith.constant 0 : i32
        %dma_start3A_249 = tpu.memref_slice %arg3[%dma_start3A_247, %dma_start3A_248] : memref<10000x128xf32, #tpu.memory_space<hbm>> -> memref<10000x128xf32, #tpu.memory_space<hbm>>
        tpu.enqueue_indirect_dma source(%dma_start3A_249 : memref<10000x128xf32, #tpu.memory_space<hbm>>) target(%arg13 : memref<64x128xf32, #tpu.memory_space<vmem>>) offsets(%dma_start3A_246 : memref<64xi32, #tpu.memory_space<vmem>>) semaphore(%arg18 : memref<!tpu.dma_semaphore, #tpu.memory_space<semaphore_mem>>)
      } else {
      }
    }
    %scan3A_97 = arith.constant 20 : i32
    %dma_wait3A_98 = arith.constant 76 : i32
    %dma_wait3A_99 = arith.constant 0 : i32
    %dma_wait3A_100 = tpu.memref_slice %arg10[%dma_wait3A_98, %dma_wait3A_99] : memref<80x64xi32, #tpu.memory_space<vmem>> -> memref<1x64xi32, #tpu.memory_space<vmem>>
    %dma_wait3A_101 = tpu.memref_squeeze %dma_wait3A_100 : memref<1x64xi32, #tpu.memory_space<vmem>> -> memref<64xi32, #tpu.memory_space<vmem>>
    %dma_wait3A_102 = arith.constant 0 : i32
    %dma_wait3A_103 = arith.constant 0 : i32
    %dma_wait3A_104 = tpu.memref_slice %arg15[%dma_wait3A_102, %dma_wait3A_103] : memref<10112x128xf32, #tpu.memory_space<vmem_shared>> -> memref<10112x128xf32, #tpu.memory_space<vmem_shared>>
    tpu.wait_indirect_dma semaphore(%arg20 : memref<!tpu.dma_semaphore, #tpu.memory_space<semaphore_mem>>) src(%arg11 : memref<64x128xf32, #tpu.memory_space<vmem>>) dst(%dma_wait3A_104 : memref<10112x128xf32, #tpu.memory_space<vmem_shared>>)
    %dma_wait3A_105 = arith.constant 77 : i32
    %dma_wait3A_106 = arith.constant 0 : i32
    %dma_wait3A_107 = tpu.memref_slice %arg10[%dma_wait3A_105, %dma_wait3A_106] : memref<80x64xi32, #tpu.memory_space<vmem>> -> memref<1x64xi32, #tpu.memory_space<vmem>>
    %dma_wait3A_108 = tpu.memref_squeeze %dma_wait3A_107 : memref<1x64xi32, #tpu.memory_space<vmem>> -> memref<64xi32, #tpu.memory_space<vmem>>
    %dma_wait3A_109 = arith.constant 0 : i32
    %dma_wait3A_110 = arith.constant 0 : i32
    %dma_wait3A_111 = tpu.memref_slice %arg15[%dma_wait3A_109, %dma_wait3A_110] : memref<10112x128xf32, #tpu.memory_space<vmem_shared>> -> memref<10112x128xf32, #tpu.memory_space<vmem_shared>>
    tpu.wait_indirect_dma semaphore(%arg21 : memref<!tpu.dma_semaphore, #tpu.memory_space<semaphore_mem>>) src(%arg12 : memref<64x128xf32, #tpu.memory_space<vmem>>) dst(%dma_wait3A_111 : memref<10112x128xf32, #tpu.memory_space<vmem_shared>>)
    %dma_wait3A_112 = arith.constant 78 : i32
    %dma_wait3A_113 = arith.constant 0 : i32
    %dma_wait3A_114 = tpu.memref_slice %arg10[%dma_wait3A_112, %dma_wait3A_113] : memref<80x64xi32, #tpu.memory_space<vmem>> -> memref<1x64xi32, #tpu.memory_space<vmem>>
    %dma_wait3A_115 = tpu.memref_squeeze %dma_wait3A_114 : memref<1x64xi32, #tpu.memory_space<vmem>> -> memref<64xi32, #tpu.memory_space<vmem>>
    %dma_wait3A_116 = arith.constant 0 : i32
    %dma_wait3A_117 = arith.constant 0 : i32
    %dma_wait3A_118 = tpu.memref_slice %arg15[%dma_wait3A_116, %dma_wait3A_117] : memref<10112x128xf32, #tpu.memory_space<vmem_shared>> -> memref<10112x128xf32, #tpu.memory_space<vmem_shared>>
    tpu.wait_indirect_dma semaphore(%arg22 : memref<!tpu.dma_semaphore, #tpu.memory_space<semaphore_mem>>) src(%arg13 : memref<64x128xf32, #tpu.memory_space<vmem>>) dst(%dma_wait3A_118 : memref<10112x128xf32, #tpu.memory_space<vmem_shared>>)
    %dma_wait3A_119 = arith.constant 79 : i32
    %dma_wait3A_120 = arith.constant 0 : i32
    %dma_wait3A_121 = tpu.memref_slice %arg10[%dma_wait3A_119, %dma_wait3A_120] : memref<80x64xi32, #tpu.memory_space<vmem>> -> memref<1x64xi32, #tpu.memory_space<vmem>>
    %dma_wait3A_122 = tpu.memref_squeeze %dma_wait3A_121 : memref<1x64xi32, #tpu.memory_space<vmem>> -> memref<64xi32, #tpu.memory_space<vmem>>
    %dma_wait3A_123 = arith.constant 0 : i32
    %dma_wait3A_124 = arith.constant 0 : i32
    %dma_wait3A_125 = tpu.memref_slice %arg15[%dma_wait3A_123, %dma_wait3A_124] : memref<10112x128xf32, #tpu.memory_space<vmem_shared>> -> memref<10112x128xf32, #tpu.memory_space<vmem_shared>>
    tpu.wait_indirect_dma semaphore(%arg23 : memref<!tpu.dma_semaphore, #tpu.memory_space<semaphore_mem>>) src(%arg14 : memref<64x128xf32, #tpu.memory_space<vmem>>) dst(%dma_wait3A_125 : memref<10112x128xf32, #tpu.memory_space<vmem_shared>>)
    %barrier3A_126 = arith.constant 0 : index
    tpu.barrier barrier_id(%barrier3A_126)
    "tpu.region"() ({
      %run_scoped3A = tpu.sem_alloc : memref<!tpu.dma_semaphore, #tpu.memory_space<semaphore_mem>>
      %dma_start3A_127 = arith.constant 0 : i32
      %dma_start3A_128 = arith.constant 0 : i32
      %dma_start3A_129 = tpu.memref_slice %arg8[%arg0, %dma_start3A_127, %dma_start3A_128] : memref<2x10112x128xf32, #tpu.memory_space<hbm>> -> memref<1x10112x128xf32, #tpu.memory_space<hbm>>
      %dma_start3A_130 = tpu.memref_squeeze %dma_start3A_129 : memref<1x10112x128xf32, #tpu.memory_space<hbm>> -> memref<10112x128xf32, #tpu.memory_space<hbm>>
      %dma_start3A_131 = arith.constant 0 : i32
      %dma_start3A_132 = tpu.memref_slice %dma_start3A_130[%mul3A_2, %dma_start3A_131] : memref<10112x128xf32, #tpu.memory_space<hbm>> -> memref<632x128xf32, #tpu.memory_space<hbm>>
      %dma_start3A_133 = arith.constant 0 : i32
      %dma_start3A_134 = tpu.memref_slice %arg15[%mul3A_2, %dma_start3A_133] : memref<10112x128xf32, #tpu.memory_space<vmem_shared>> -> memref<632x128xf32, #tpu.memory_space<vmem_shared>>
      tpu.enqueue_dma source(%dma_start3A_134 : memref<632x128xf32, #tpu.memory_space<vmem_shared>>) target(%dma_start3A_132 : memref<632x128xf32, #tpu.memory_space<hbm>>) target_semaphore(%run_scoped3A : memref<!tpu.dma_semaphore, #tpu.memory_space<semaphore_mem>>)
      %dma_wait3A_135 = arith.constant 0 : i32
      %dma_wait3A_136 = arith.constant 0 : i32
      %dma_wait3A_137 = tpu.memref_slice %arg8[%arg0, %dma_wait3A_135, %dma_wait3A_136] : memref<2x10112x128xf32, #tpu.memory_space<hbm>> -> memref<1x10112x128xf32, #tpu.memory_space<hbm>>
      %dma_wait3A_138 = tpu.memref_squeeze %dma_wait3A_137 : memref<1x10112x128xf32, #tpu.memory_space<hbm>> -> memref<10112x128xf32, #tpu.memory_space<hbm>>
      %dma_wait3A_139 = arith.constant 0 : i32
      %dma_wait3A_140 = tpu.memref_slice %dma_wait3A_138[%mul3A_2, %dma_wait3A_139] : memref<10112x128xf32, #tpu.memory_space<hbm>> -> memref<632x128xf32, #tpu.memory_space<hbm>>
      %dma_wait3A_141 = arith.constant 0 : i32
      %dma_wait3A_142 = tpu.memref_slice %arg15[%mul3A_2, %dma_wait3A_141] : memref<10112x128xf32, #tpu.memory_space<vmem_shared>> -> memref<632x128xf32, #tpu.memory_space<vmem_shared>>
      tpu.wait_dma2 semaphore(%run_scoped3A : memref<!tpu.dma_semaphore, #tpu.memory_space<semaphore_mem>>) src(%dma_wait3A_142 : memref<632x128xf32, #tpu.memory_space<vmem_shared>>) dst(%dma_wait3A_140 : memref<632x128xf32, #tpu.memory_space<hbm>>)
      tpu.yield
    }) : () -> ()
    return
  }
}

#map = affine_map<(d0, d1) -> (0, 0)>
#map1 = affine_map<(d0, d1) -> (0, 0, 0)>
module attributes {stable_mosaic.version = 14 : i64} {
  func.func @segsum(%arg0: i32, %arg1: i32, %arg2: memref<10000x16xf32, #tpu.memory_space<hbm>>, %arg3: memref<10000x16xf32, #tpu.memory_space<hbm>>, %arg4: memref<32x40x128xi32, #tpu.memory_space<hbm>>, %arg5: memref<32x40x128xi32, #tpu.memory_space<hbm>>, %arg6: memref<10112x16xf32, #tpu.memory_space<hbm>>, %arg7: memref<2x10112x16xf32, #tpu.memory_space<hbm>>, %arg8: memref<2x10112x16xf32, #tpu.memory_space<hbm>>, %arg9: memref<40x128xi32, #tpu.memory_space<vmem>>, %arg10: memref<40x128xi32, #tpu.memory_space<vmem>>, %arg11: memref<128x16xf32, #tpu.memory_space<vmem>>, %arg12: memref<128x16xf32, #tpu.memory_space<vmem>>, %arg13: memref<128x16xf32, #tpu.memory_space<vmem>>, %arg14: memref<128x16xf32, #tpu.memory_space<vmem>>, %arg15: memref<10112x16xf32, #tpu.memory_space<vmem_shared>>, %arg16: memref<10112x16xf32, #tpu.memory_space<vmem_shared>>, %arg17: memref<!tpu.dma_semaphore, #tpu.memory_space<semaphore_mem>>, %arg18: memref<!tpu.dma_semaphore, #tpu.memory_space<semaphore_mem>>, %arg19: memref<!tpu.dma_semaphore, #tpu.memory_space<semaphore_mem>>, %arg20: memref<!tpu.dma_semaphore, #tpu.memory_space<semaphore_mem>>, %arg21: memref<!tpu.dma_semaphore, #tpu.memory_space<semaphore_mem>>, %arg22: memref<!tpu.dma_semaphore, #tpu.memory_space<semaphore_mem>>, %arg23: memref<!tpu.dma_semaphore, #tpu.memory_space<semaphore_mem>>, %arg24: memref<!tpu.dma_semaphore, #tpu.memory_space<semaphore_mem>>) attributes {dimension_semantics = [#tpu.dimension_semantics<core_parallel>, #tpu.dimension_semantics<subcore_parallel>], iteration_bounds = array<i64: 2, 16>, scalar_prefetch = 0 : i64, scratch_operands = 16 : i64, tpu.core_type = #tpu.core_type<sc_vector_subcore>, window_params = [{transform_indices = #map}, {transform_indices = #map}, {transform_indices = #map1}, {transform_indices = #map1}, {transform_indices = #map}, {transform_indices = #map1}, {transform_indices = #map1}]} {
    %mul3A = arith.constant 16 : i32
    %mul3A_0 = arith.muli %arg0, %mul3A : i32
    %add3A = arith.addi %mul3A_0, %arg1 : i32
    %mul3A_1 = arith.constant 632 : i32
    %mul3A_2 = arith.muli %arg1, %mul3A_1 : i32
    "tpu.region"() ({
      %run_scoped3A = tpu.sem_alloc : memref<!tpu.dma_semaphore, #tpu.memory_space<semaphore_mem>>
      %dma_start3A_125 = arith.constant 0 : i32
      %dma_start3A_126 = tpu.memref_slice %arg15[%mul3A_2, %dma_start3A_125] : memref<10112x16xf32, #tpu.memory_space<vmem_shared>> -> memref<632x16xf32, #tpu.memory_space<vmem_shared>>
      %dma_start3A_127 = arith.constant 0 : i32
      %dma_start3A_128 = tpu.memref_slice %arg6[%mul3A_2, %dma_start3A_127] : memref<10112x16xf32, #tpu.memory_space<hbm>> -> memref<632x16xf32, #tpu.memory_space<hbm>>
      tpu.enqueue_dma source(%dma_start3A_128 : memref<632x16xf32, #tpu.memory_space<hbm>>) target(%dma_start3A_126 : memref<632x16xf32, #tpu.memory_space<vmem_shared>>) target_semaphore(%run_scoped3A : memref<!tpu.dma_semaphore, #tpu.memory_space<semaphore_mem>>)
      %dma_wait3A_129 = arith.constant 0 : i32
      %dma_wait3A_130 = tpu.memref_slice %arg15[%mul3A_2, %dma_wait3A_129] : memref<10112x16xf32, #tpu.memory_space<vmem_shared>> -> memref<632x16xf32, #tpu.memory_space<vmem_shared>>
      %dma_wait3A_131 = arith.constant 0 : i32
      %dma_wait3A_132 = tpu.memref_slice %arg6[%mul3A_2, %dma_wait3A_131] : memref<10112x16xf32, #tpu.memory_space<hbm>> -> memref<632x16xf32, #tpu.memory_space<hbm>>
      tpu.wait_dma2 semaphore(%run_scoped3A : memref<!tpu.dma_semaphore, #tpu.memory_space<semaphore_mem>>) src(%dma_wait3A_132 : memref<632x16xf32, #tpu.memory_space<hbm>>) dst(%dma_wait3A_130 : memref<632x16xf32, #tpu.memory_space<vmem_shared>>)
      tpu.yield
    }) : () -> ()
    "tpu.region"() ({
      %run_scoped3A = tpu.sem_alloc : memref<!tpu.dma_semaphore, #tpu.memory_space<semaphore_mem>>
      %dma_start3A_125 = arith.constant 0 : i32
      %dma_start3A_126 = tpu.memref_slice %arg16[%mul3A_2, %dma_start3A_125] : memref<10112x16xf32, #tpu.memory_space<vmem_shared>> -> memref<632x16xf32, #tpu.memory_space<vmem_shared>>
      %dma_start3A_127 = arith.constant 0 : i32
      %dma_start3A_128 = tpu.memref_slice %arg6[%mul3A_2, %dma_start3A_127] : memref<10112x16xf32, #tpu.memory_space<hbm>> -> memref<632x16xf32, #tpu.memory_space<hbm>>
      tpu.enqueue_dma source(%dma_start3A_128 : memref<632x16xf32, #tpu.memory_space<hbm>>) target(%dma_start3A_126 : memref<632x16xf32, #tpu.memory_space<vmem_shared>>) target_semaphore(%run_scoped3A : memref<!tpu.dma_semaphore, #tpu.memory_space<semaphore_mem>>)
      %dma_wait3A_129 = arith.constant 0 : i32
      %dma_wait3A_130 = tpu.memref_slice %arg16[%mul3A_2, %dma_wait3A_129] : memref<10112x16xf32, #tpu.memory_space<vmem_shared>> -> memref<632x16xf32, #tpu.memory_space<vmem_shared>>
      %dma_wait3A_131 = arith.constant 0 : i32
      %dma_wait3A_132 = tpu.memref_slice %arg6[%mul3A_2, %dma_wait3A_131] : memref<10112x16xf32, #tpu.memory_space<hbm>> -> memref<632x16xf32, #tpu.memory_space<hbm>>
      tpu.wait_dma2 semaphore(%run_scoped3A : memref<!tpu.dma_semaphore, #tpu.memory_space<semaphore_mem>>) src(%dma_wait3A_132 : memref<632x16xf32, #tpu.memory_space<hbm>>) dst(%dma_wait3A_130 : memref<632x16xf32, #tpu.memory_space<vmem_shared>>)
      tpu.yield
    }) : () -> ()
    "tpu.region"() ({
      %run_scoped3A = tpu.sem_alloc : memref<!tpu.dma_semaphore, #tpu.memory_space<semaphore_mem>>
      %dma_start3A_125 = arith.constant 0 : i32
      %dma_start3A_126 = arith.constant 0 : i32
      %dma_start3A_127 = tpu.memref_slice %arg4[%add3A, %dma_start3A_125, %dma_start3A_126] : memref<32x40x128xi32, #tpu.memory_space<hbm>> -> memref<1x40x128xi32, #tpu.memory_space<hbm>>
      %dma_start3A_128 = tpu.memref_squeeze %dma_start3A_127 : memref<1x40x128xi32, #tpu.memory_space<hbm>> -> memref<40x128xi32, #tpu.memory_space<hbm>>
      %dma_start3A_129 = arith.constant 0 : i32
      %dma_start3A_130 = arith.constant 0 : i32
      %dma_start3A_131 = tpu.memref_slice %arg4[%add3A, %dma_start3A_129, %dma_start3A_130] : memref<32x40x128xi32, #tpu.memory_space<hbm>> -> memref<1x40x128xi32, #tpu.memory_space<hbm>>
      %dma_start3A_132 = tpu.memref_squeeze %dma_start3A_131 : memref<1x40x128xi32, #tpu.memory_space<hbm>> -> memref<40x128xi32, #tpu.memory_space<hbm>>
      tpu.enqueue_dma source(%dma_start3A_132 : memref<40x128xi32, #tpu.memory_space<hbm>>) target(%arg9 : memref<40x128xi32, #tpu.memory_space<vmem>>) target_semaphore(%run_scoped3A : memref<!tpu.dma_semaphore, #tpu.memory_space<semaphore_mem>>)
      %dma_wait3A_133 = arith.constant 0 : i32
      %dma_wait3A_134 = arith.constant 0 : i32
      %dma_wait3A_135 = tpu.memref_slice %arg4[%add3A, %dma_wait3A_133, %dma_wait3A_134] : memref<32x40x128xi32, #tpu.memory_space<hbm>> -> memref<1x40x128xi32, #tpu.memory_space<hbm>>
      %dma_wait3A_136 = tpu.memref_squeeze %dma_wait3A_135 : memref<1x40x128xi32, #tpu.memory_space<hbm>> -> memref<40x128xi32, #tpu.memory_space<hbm>>
      %dma_wait3A_137 = arith.constant 0 : i32
      %dma_wait3A_138 = arith.constant 0 : i32
      %dma_wait3A_139 = tpu.memref_slice %arg4[%add3A, %dma_wait3A_137, %dma_wait3A_138] : memref<32x40x128xi32, #tpu.memory_space<hbm>> -> memref<1x40x128xi32, #tpu.memory_space<hbm>>
      %dma_wait3A_140 = tpu.memref_squeeze %dma_wait3A_139 : memref<1x40x128xi32, #tpu.memory_space<hbm>> -> memref<40x128xi32, #tpu.memory_space<hbm>>
      tpu.wait_dma2 semaphore(%run_scoped3A : memref<!tpu.dma_semaphore, #tpu.memory_space<semaphore_mem>>) src(%dma_wait3A_140 : memref<40x128xi32, #tpu.memory_space<hbm>>) dst(%arg9 : memref<40x128xi32, #tpu.memory_space<vmem>>)
      tpu.yield
    }) : () -> ()
    "tpu.region"() ({
      %run_scoped3A = tpu.sem_alloc : memref<!tpu.dma_semaphore, #tpu.memory_space<semaphore_mem>>
      %dma_start3A_125 = arith.constant 0 : i32
      %dma_start3A_126 = arith.constant 0 : i32
      %dma_start3A_127 = tpu.memref_slice %arg5[%add3A, %dma_start3A_125, %dma_start3A_126] : memref<32x40x128xi32, #tpu.memory_space<hbm>> -> memref<1x40x128xi32, #tpu.memory_space<hbm>>
      %dma_start3A_128 = tpu.memref_squeeze %dma_start3A_127 : memref<1x40x128xi32, #tpu.memory_space<hbm>> -> memref<40x128xi32, #tpu.memory_space<hbm>>
      %dma_start3A_129 = arith.constant 0 : i32
      %dma_start3A_130 = arith.constant 0 : i32
      %dma_start3A_131 = tpu.memref_slice %arg5[%add3A, %dma_start3A_129, %dma_start3A_130] : memref<32x40x128xi32, #tpu.memory_space<hbm>> -> memref<1x40x128xi32, #tpu.memory_space<hbm>>
      %dma_start3A_132 = tpu.memref_squeeze %dma_start3A_131 : memref<1x40x128xi32, #tpu.memory_space<hbm>> -> memref<40x128xi32, #tpu.memory_space<hbm>>
      tpu.enqueue_dma source(%dma_start3A_132 : memref<40x128xi32, #tpu.memory_space<hbm>>) target(%arg10 : memref<40x128xi32, #tpu.memory_space<vmem>>) target_semaphore(%run_scoped3A : memref<!tpu.dma_semaphore, #tpu.memory_space<semaphore_mem>>)
      %dma_wait3A_133 = arith.constant 0 : i32
      %dma_wait3A_134 = arith.constant 0 : i32
      %dma_wait3A_135 = tpu.memref_slice %arg5[%add3A, %dma_wait3A_133, %dma_wait3A_134] : memref<32x40x128xi32, #tpu.memory_space<hbm>> -> memref<1x40x128xi32, #tpu.memory_space<hbm>>
      %dma_wait3A_136 = tpu.memref_squeeze %dma_wait3A_135 : memref<1x40x128xi32, #tpu.memory_space<hbm>> -> memref<40x128xi32, #tpu.memory_space<hbm>>
      %dma_wait3A_137 = arith.constant 0 : i32
      %dma_wait3A_138 = arith.constant 0 : i32
      %dma_wait3A_139 = tpu.memref_slice %arg5[%add3A, %dma_wait3A_137, %dma_wait3A_138] : memref<32x40x128xi32, #tpu.memory_space<hbm>> -> memref<1x40x128xi32, #tpu.memory_space<hbm>>
      %dma_wait3A_140 = tpu.memref_squeeze %dma_wait3A_139 : memref<1x40x128xi32, #tpu.memory_space<hbm>> -> memref<40x128xi32, #tpu.memory_space<hbm>>
      tpu.wait_dma2 semaphore(%run_scoped3A : memref<!tpu.dma_semaphore, #tpu.memory_space<semaphore_mem>>) src(%dma_wait3A_140 : memref<40x128xi32, #tpu.memory_space<hbm>>) dst(%arg10 : memref<40x128xi32, #tpu.memory_space<vmem>>)
      tpu.yield
    }) : () -> ()
    %barrier3A = arith.constant 0 : index
    tpu.barrier barrier_id(%barrier3A)
    %dma_start3A = arith.constant 0 : i32
    %dma_start3A_3 = arith.constant 0 : i32
    %dma_start3A_4 = tpu.memref_slice %arg9[%dma_start3A, %dma_start3A_3] : memref<40x128xi32, #tpu.memory_space<vmem>> -> memref<1x128xi32, #tpu.memory_space<vmem>>
    %dma_start3A_5 = tpu.memref_squeeze %dma_start3A_4 : memref<1x128xi32, #tpu.memory_space<vmem>> -> memref<128xi32, #tpu.memory_space<vmem>>
    %dma_start3A_6 = arith.constant 0 : i32
    %dma_start3A_7 = arith.constant 0 : i32
    %dma_start3A_8 = tpu.memref_slice %arg2[%dma_start3A_6, %dma_start3A_7] : memref<10000x16xf32, #tpu.memory_space<hbm>> -> memref<10000x16xf32, #tpu.memory_space<hbm>>
    tpu.enqueue_indirect_dma source(%dma_start3A_8 : memref<10000x16xf32, #tpu.memory_space<hbm>>) target(%arg11 : memref<128x16xf32, #tpu.memory_space<vmem>>) offsets(%dma_start3A_5 : memref<128xi32, #tpu.memory_space<vmem>>) semaphore(%arg17 : memref<!tpu.dma_semaphore, #tpu.memory_space<semaphore_mem>>)
    %dma_start3A_9 = arith.constant 1 : i32
    %dma_start3A_10 = arith.constant 0 : i32
    %dma_start3A_11 = tpu.memref_slice %arg9[%dma_start3A_9, %dma_start3A_10] : memref<40x128xi32, #tpu.memory_space<vmem>> -> memref<1x128xi32, #tpu.memory_space<vmem>>
    %dma_start3A_12 = tpu.memref_squeeze %dma_start3A_11 : memref<1x128xi32, #tpu.memory_space<vmem>> -> memref<128xi32, #tpu.memory_space<vmem>>
    %dma_start3A_13 = arith.constant 0 : i32
    %dma_start3A_14 = arith.constant 0 : i32
    %dma_start3A_15 = tpu.memref_slice %arg2[%dma_start3A_13, %dma_start3A_14] : memref<10000x16xf32, #tpu.memory_space<hbm>> -> memref<10000x16xf32, #tpu.memory_space<hbm>>
    tpu.enqueue_indirect_dma source(%dma_start3A_15 : memref<10000x16xf32, #tpu.memory_space<hbm>>) target(%arg12 : memref<128x16xf32, #tpu.memory_space<vmem>>) offsets(%dma_start3A_12 : memref<128xi32, #tpu.memory_space<vmem>>) semaphore(%arg18 : memref<!tpu.dma_semaphore, #tpu.memory_space<semaphore_mem>>)
    %dma_start3A_16 = arith.constant 2 : i32
    %dma_start3A_17 = arith.constant 0 : i32
    %dma_start3A_18 = tpu.memref_slice %arg9[%dma_start3A_16, %dma_start3A_17] : memref<40x128xi32, #tpu.memory_space<vmem>> -> memref<1x128xi32, #tpu.memory_space<vmem>>
    %dma_start3A_19 = tpu.memref_squeeze %dma_start3A_18 : memref<1x128xi32, #tpu.memory_space<vmem>> -> memref<128xi32, #tpu.memory_space<vmem>>
    %dma_start3A_20 = arith.constant 0 : i32
    %dma_start3A_21 = arith.constant 0 : i32
    %dma_start3A_22 = tpu.memref_slice %arg2[%dma_start3A_20, %dma_start3A_21] : memref<10000x16xf32, #tpu.memory_space<hbm>> -> memref<10000x16xf32, #tpu.memory_space<hbm>>
    tpu.enqueue_indirect_dma source(%dma_start3A_22 : memref<10000x16xf32, #tpu.memory_space<hbm>>) target(%arg13 : memref<128x16xf32, #tpu.memory_space<vmem>>) offsets(%dma_start3A_19 : memref<128xi32, #tpu.memory_space<vmem>>) semaphore(%arg19 : memref<!tpu.dma_semaphore, #tpu.memory_space<semaphore_mem>>)
    %dma_start3A_23 = arith.constant 3 : i32
    %dma_start3A_24 = arith.constant 0 : i32
    %dma_start3A_25 = tpu.memref_slice %arg9[%dma_start3A_23, %dma_start3A_24] : memref<40x128xi32, #tpu.memory_space<vmem>> -> memref<1x128xi32, #tpu.memory_space<vmem>>
    %dma_start3A_26 = tpu.memref_squeeze %dma_start3A_25 : memref<1x128xi32, #tpu.memory_space<vmem>> -> memref<128xi32, #tpu.memory_space<vmem>>
    %dma_start3A_27 = arith.constant 0 : i32
    %dma_start3A_28 = arith.constant 0 : i32
    %dma_start3A_29 = tpu.memref_slice %arg2[%dma_start3A_27, %dma_start3A_28] : memref<10000x16xf32, #tpu.memory_space<hbm>> -> memref<10000x16xf32, #tpu.memory_space<hbm>>
    tpu.enqueue_indirect_dma source(%dma_start3A_29 : memref<10000x16xf32, #tpu.memory_space<hbm>>) target(%arg14 : memref<128x16xf32, #tpu.memory_space<vmem>>) offsets(%dma_start3A_26 : memref<128xi32, #tpu.memory_space<vmem>>) semaphore(%arg20 : memref<!tpu.dma_semaphore, #tpu.memory_space<semaphore_mem>>)
    %scan3A = arith.constant 0 : i32
    %scan3A_30 = arith.constant 0 : i32
    %scan3A_31 = arith.constant 10 : i32
    %scan3A_32 = arith.addi %scan3A_30, %scan3A_31 : i32
    %scan3A_33 = arith.constant 1 : i32
    scf.for %scan3A_125 = %scan3A_30 to %scan3A_32 step %scan3A_33  : i32 {
      %mul3A_126 = arith.constant 4 : i32
      %mul3A_127 = arith.muli %mul3A_126, %scan3A_125 : i32
      %add3A_128 = arith.constant 0 : i32
      %add3A_129 = arith.addi %mul3A_127, %add3A_128 : i32
      %dma_wait3A_130 = arith.constant 0 : i32
      %dma_wait3A_131 = tpu.memref_slice %arg9[%add3A_129, %dma_wait3A_130] : memref<40x128xi32, #tpu.memory_space<vmem>> -> memref<1x128xi32, #tpu.memory_space<vmem>>
      %dma_wait3A_132 = tpu.memref_squeeze %dma_wait3A_131 : memref<1x128xi32, #tpu.memory_space<vmem>> -> memref<128xi32, #tpu.memory_space<vmem>>
      %dma_wait3A_133 = arith.constant 0 : i32
      %dma_wait3A_134 = arith.constant 0 : i32
      %dma_wait3A_135 = tpu.memref_slice %arg2[%dma_wait3A_133, %dma_wait3A_134] : memref<10000x16xf32, #tpu.memory_space<hbm>> -> memref<10000x16xf32, #tpu.memory_space<hbm>>
      tpu.wait_indirect_dma semaphore(%arg17 : memref<!tpu.dma_semaphore, #tpu.memory_space<semaphore_mem>>) src(%dma_wait3A_135 : memref<10000x16xf32, #tpu.memory_space<hbm>>) dst(%arg11 : memref<128x16xf32, #tpu.memory_space<vmem>>)
      %dma_start3A_136 = arith.constant 0 : i32
      %dma_start3A_137 = tpu.memref_slice %arg10[%add3A_129, %dma_start3A_136] : memref<40x128xi32, #tpu.memory_space<vmem>> -> memref<1x128xi32, #tpu.memory_space<vmem>>
      %dma_start3A_138 = tpu.memref_squeeze %dma_start3A_137 : memref<1x128xi32, #tpu.memory_space<vmem>> -> memref<128xi32, #tpu.memory_space<vmem>>
      %dma_start3A_139 = arith.constant 0 : i32
      %dma_start3A_140 = arith.constant 0 : i32
      %dma_start3A_141 = tpu.memref_slice %arg15[%dma_start3A_139, %dma_start3A_140] : memref<10112x16xf32, #tpu.memory_space<vmem_shared>> -> memref<10112x16xf32, #tpu.memory_space<vmem_shared>>
      tpu.enqueue_indirect_dma source(%arg11 : memref<128x16xf32, #tpu.memory_space<vmem>>) target(%dma_start3A_141 : memref<10112x16xf32, #tpu.memory_space<vmem_shared>>) offsets(%dma_start3A_138 : memref<128xi32, #tpu.memory_space<vmem>>) semaphore(%arg21 : memref<!tpu.dma_semaphore, #tpu.memory_space<semaphore_mem>>) {add = true}
      %sub3A = arith.constant 1 : i32
      %sub3A_142 = arith.subi %add3A_129, %sub3A : i32
      %ge3A = arith.constant 0 : i32
      %ge3A_143 = arith.cmpi sge, %sub3A_142, %ge3A : i32
      %add3A_144 = arith.constant 3 : i32
      %add3A_145 = arith.addi %add3A_129, %add3A_144 : i32
      %lt3A = arith.constant 40 : i32
      %lt3A_146 = arith.cmpi slt, %add3A_145, %lt3A : i32
      %and3A = arith.andi %ge3A_143, %lt3A_146 : i1
      %convert_element_type3A = arith.extui %and3A : i1 to i32
      %cond3A = arith.constant 0 : i32
      %cond3A_147 = arith.cmpi ne, %convert_element_type3A, %cond3A : i32
      scf.if %cond3A_147 {
        %sub3A_232 = arith.constant 1 : i32
        %sub3A_233 = arith.subi %add3A_129, %sub3A_232 : i32
        %dma_wait3A_234 = arith.constant 0 : i32
        %dma_wait3A_235 = tpu.memref_slice %arg10[%sub3A_233, %dma_wait3A_234] : memref<40x128xi32, #tpu.memory_space<vmem>> -> memref<1x128xi32, #tpu.memory_space<vmem>>
        %dma_wait3A_236 = tpu.memref_squeeze %dma_wait3A_235 : memref<1x128xi32, #tpu.memory_space<vmem>> -> memref<128xi32, #tpu.memory_space<vmem>>
        %dma_wait3A_237 = arith.constant 0 : i32
        %dma_wait3A_238 = arith.constant 0 : i32
        %dma_wait3A_239 = tpu.memref_slice %arg15[%dma_wait3A_237, %dma_wait3A_238] : memref<10112x16xf32, #tpu.memory_space<vmem_shared>> -> memref<10112x16xf32, #tpu.memory_space<vmem_shared>>
        tpu.wait_indirect_dma semaphore(%arg24 : memref<!tpu.dma_semaphore, #tpu.memory_space<semaphore_mem>>) src(%arg14 : memref<128x16xf32, #tpu.memory_space<vmem>>) dst(%dma_wait3A_239 : memref<10112x16xf32, #tpu.memory_space<vmem_shared>>)
        %add3A_240 = arith.constant 3 : i32
        %add3A_241 = arith.addi %add3A_129, %add3A_240 : i32
        %dma_start3A_242 = arith.constant 0 : i32
        %dma_start3A_243 = tpu.memref_slice %arg9[%add3A_241, %dma_start3A_242] : memref<40x128xi32, #tpu.memory_space<vmem>> -> memref<1x128xi32, #tpu.memory_space<vmem>>
        %dma_start3A_244 = tpu.memref_squeeze %dma_start3A_243 : memref<1x128xi32, #tpu.memory_space<vmem>> -> memref<128xi32, #tpu.memory_space<vmem>>
        %dma_start3A_245 = arith.constant 0 : i32
        %dma_start3A_246 = arith.constant 0 : i32
        %dma_start3A_247 = tpu.memref_slice %arg2[%dma_start3A_245, %dma_start3A_246] : memref<10000x16xf32, #tpu.memory_space<hbm>> -> memref<10000x16xf32, #tpu.memory_space<hbm>>
        tpu.enqueue_indirect_dma source(%dma_start3A_247 : memref<10000x16xf32, #tpu.memory_space<hbm>>) target(%arg14 : memref<128x16xf32, #tpu.memory_space<vmem>>) offsets(%dma_start3A_244 : memref<128xi32, #tpu.memory_space<vmem>>) semaphore(%arg20 : memref<!tpu.dma_semaphore, #tpu.memory_space<semaphore_mem>>)
      } else {
      }
      %mul3A_148 = arith.constant 4 : i32
      %mul3A_149 = arith.muli %mul3A_148, %scan3A_125 : i32
      %add3A_150 = arith.constant 1 : i32
      %add3A_151 = arith.addi %mul3A_149, %add3A_150 : i32
      %dma_wait3A_152 = arith.constant 0 : i32
      %dma_wait3A_153 = tpu.memref_slice %arg9[%add3A_151, %dma_wait3A_152] : memref<40x128xi32, #tpu.memory_space<vmem>> -> memref<1x128xi32, #tpu.memory_space<vmem>>
      %dma_wait3A_154 = tpu.memref_squeeze %dma_wait3A_153 : memref<1x128xi32, #tpu.memory_space<vmem>> -> memref<128xi32, #tpu.memory_space<vmem>>
      %dma_wait3A_155 = arith.constant 0 : i32
      %dma_wait3A_156 = arith.constant 0 : i32
      %dma_wait3A_157 = tpu.memref_slice %arg2[%dma_wait3A_155, %dma_wait3A_156] : memref<10000x16xf32, #tpu.memory_space<hbm>> -> memref<10000x16xf32, #tpu.memory_space<hbm>>
      tpu.wait_indirect_dma semaphore(%arg18 : memref<!tpu.dma_semaphore, #tpu.memory_space<semaphore_mem>>) src(%dma_wait3A_157 : memref<10000x16xf32, #tpu.memory_space<hbm>>) dst(%arg12 : memref<128x16xf32, #tpu.memory_space<vmem>>)
      %dma_start3A_158 = arith.constant 0 : i32
      %dma_start3A_159 = tpu.memref_slice %arg10[%add3A_151, %dma_start3A_158] : memref<40x128xi32, #tpu.memory_space<vmem>> -> memref<1x128xi32, #tpu.memory_space<vmem>>
      %dma_start3A_160 = tpu.memref_squeeze %dma_start3A_159 : memref<1x128xi32, #tpu.memory_space<vmem>> -> memref<128xi32, #tpu.memory_space<vmem>>
      %dma_start3A_161 = arith.constant 0 : i32
      %dma_start3A_162 = arith.constant 0 : i32
      %dma_start3A_163 = tpu.memref_slice %arg15[%dma_start3A_161, %dma_start3A_162] : memref<10112x16xf32, #tpu.memory_space<vmem_shared>> -> memref<10112x16xf32, #tpu.memory_space<vmem_shared>>
      tpu.enqueue_indirect_dma source(%arg12 : memref<128x16xf32, #tpu.memory_space<vmem>>) target(%dma_start3A_163 : memref<10112x16xf32, #tpu.memory_space<vmem_shared>>) offsets(%dma_start3A_160 : memref<128xi32, #tpu.memory_space<vmem>>) semaphore(%arg22 : memref<!tpu.dma_semaphore, #tpu.memory_space<semaphore_mem>>) {add = true}
      %sub3A_164 = arith.constant 1 : i32
      %sub3A_165 = arith.subi %add3A_151, %sub3A_164 : i32
      %ge3A_166 = arith.constant 0 : i32
      %ge3A_167 = arith.cmpi sge, %sub3A_165, %ge3A_166 : i32
      %add3A_168 = arith.constant 3 : i32
      %add3A_169 = arith.addi %add3A_151, %add3A_168 : i32
      %lt3A_170 = arith.constant 40 : i32
      %lt3A_171 = arith.cmpi slt, %add3A_169, %lt3A_170 : i32
      %and3A_172 = arith.andi %ge3A_167, %lt3A_171 : i1
      %convert_element_type3A_173 = arith.extui %and3A_172 : i1 to i32
      %cond3A_174 = arith.constant 0 : i32
      %cond3A_175 = arith.cmpi ne, %convert_element_type3A_173, %cond3A_174 : i32
      scf.if %cond3A_175 {
        %sub3A_232 = arith.constant 1 : i32
        %sub3A_233 = arith.subi %add3A_151, %sub3A_232 : i32
        %dma_wait3A_234 = arith.constant 0 : i32
        %dma_wait3A_235 = tpu.memref_slice %arg10[%sub3A_233, %dma_wait3A_234] : memref<40x128xi32, #tpu.memory_space<vmem>> -> memref<1x128xi32, #tpu.memory_space<vmem>>
        %dma_wait3A_236 = tpu.memref_squeeze %dma_wait3A_235 : memref<1x128xi32, #tpu.memory_space<vmem>> -> memref<128xi32, #tpu.memory_space<vmem>>
        %dma_wait3A_237 = arith.constant 0 : i32
        %dma_wait3A_238 = arith.constant 0 : i32
        %dma_wait3A_239 = tpu.memref_slice %arg15[%dma_wait3A_237, %dma_wait3A_238] : memref<10112x16xf32, #tpu.memory_space<vmem_shared>> -> memref<10112x16xf32, #tpu.memory_space<vmem_shared>>
        tpu.wait_indirect_dma semaphore(%arg21 : memref<!tpu.dma_semaphore, #tpu.memory_space<semaphore_mem>>) src(%arg11 : memref<128x16xf32, #tpu.memory_space<vmem>>) dst(%dma_wait3A_239 : memref<10112x16xf32, #tpu.memory_space<vmem_shared>>)
        %add3A_240 = arith.constant 3 : i32
        %add3A_241 = arith.addi %add3A_151, %add3A_240 : i32
        %dma_start3A_242 = arith.constant 0 : i32
        %dma_start3A_243 = tpu.memref_slice %arg9[%add3A_241, %dma_start3A_242] : memref<40x128xi32, #tpu.memory_space<vmem>> -> memref<1x128xi32, #tpu.memory_space<vmem>>
        %dma_start3A_244 = tpu.memref_squeeze %dma_start3A_243 : memref<1x128xi32, #tpu.memory_space<vmem>> -> memref<128xi32, #tpu.memory_space<vmem>>
        %dma_start3A_245 = arith.constant 0 : i32
        %dma_start3A_246 = arith.constant 0 : i32
        %dma_start3A_247 = tpu.memref_slice %arg2[%dma_start3A_245, %dma_start3A_246] : memref<10000x16xf32, #tpu.memory_space<hbm>> -> memref<10000x16xf32, #tpu.memory_space<hbm>>
        tpu.enqueue_indirect_dma source(%dma_start3A_247 : memref<10000x16xf32, #tpu.memory_space<hbm>>) target(%arg11 : memref<128x16xf32, #tpu.memory_space<vmem>>) offsets(%dma_start3A_244 : memref<128xi32, #tpu.memory_space<vmem>>) semaphore(%arg17 : memref<!tpu.dma_semaphore, #tpu.memory_space<semaphore_mem>>)
      } else {
      }
      %mul3A_176 = arith.constant 4 : i32
      %mul3A_177 = arith.muli %mul3A_176, %scan3A_125 : i32
      %add3A_178 = arith.constant 2 : i32
      %add3A_179 = arith.addi %mul3A_177, %add3A_178 : i32
      %dma_wait3A_180 = arith.constant 0 : i32
      %dma_wait3A_181 = tpu.memref_slice %arg9[%add3A_179, %dma_wait3A_180] : memref<40x128xi32, #tpu.memory_space<vmem>> -> memref<1x128xi32, #tpu.memory_space<vmem>>
      %dma_wait3A_182 = tpu.memref_squeeze %dma_wait3A_181 : memref<1x128xi32, #tpu.memory_space<vmem>> -> memref<128xi32, #tpu.memory_space<vmem>>
      %dma_wait3A_183 = arith.constant 0 : i32
      %dma_wait3A_184 = arith.constant 0 : i32
      %dma_wait3A_185 = tpu.memref_slice %arg2[%dma_wait3A_183, %dma_wait3A_184] : memref<10000x16xf32, #tpu.memory_space<hbm>> -> memref<10000x16xf32, #tpu.memory_space<hbm>>
      tpu.wait_indirect_dma semaphore(%arg19 : memref<!tpu.dma_semaphore, #tpu.memory_space<semaphore_mem>>) src(%dma_wait3A_185 : memref<10000x16xf32, #tpu.memory_space<hbm>>) dst(%arg13 : memref<128x16xf32, #tpu.memory_space<vmem>>)
      %dma_start3A_186 = arith.constant 0 : i32
      %dma_start3A_187 = tpu.memref_slice %arg10[%add3A_179, %dma_start3A_186] : memref<40x128xi32, #tpu.memory_space<vmem>> -> memref<1x128xi32, #tpu.memory_space<vmem>>
      %dma_start3A_188 = tpu.memref_squeeze %dma_start3A_187 : memref<1x128xi32, #tpu.memory_space<vmem>> -> memref<128xi32, #tpu.memory_space<vmem>>
      %dma_start3A_189 = arith.constant 0 : i32
      %dma_start3A_190 = arith.constant 0 : i32
      %dma_start3A_191 = tpu.memref_slice %arg15[%dma_start3A_189, %dma_start3A_190] : memref<10112x16xf32, #tpu.memory_space<vmem_shared>> -> memref<10112x16xf32, #tpu.memory_space<vmem_shared>>
      tpu.enqueue_indirect_dma source(%arg13 : memref<128x16xf32, #tpu.memory_space<vmem>>) target(%dma_start3A_191 : memref<10112x16xf32, #tpu.memory_space<vmem_shared>>) offsets(%dma_start3A_188 : memref<128xi32, #tpu.memory_space<vmem>>) semaphore(%arg23 : memref<!tpu.dma_semaphore, #tpu.memory_space<semaphore_mem>>) {add = true}
      %sub3A_192 = arith.constant 1 : i32
      %sub3A_193 = arith.subi %add3A_179, %sub3A_192 : i32
      %ge3A_194 = arith.constant 0 : i32
      %ge3A_195 = arith.cmpi sge, %sub3A_193, %ge3A_194 : i32
      %add3A_196 = arith.constant 3 : i32
      %add3A_197 = arith.addi %add3A_179, %add3A_196 : i32
      %lt3A_198 = arith.constant 40 : i32
      %lt3A_199 = arith.cmpi slt, %add3A_197, %lt3A_198 : i32
      %and3A_200 = arith.andi %ge3A_195, %lt3A_199 : i1
      %convert_element_type3A_201 = arith.extui %and3A_200 : i1 to i32
      %cond3A_202 = arith.constant 0 : i32
      %cond3A_203 = arith.cmpi ne, %convert_element_type3A_201, %cond3A_202 : i32
      scf.if %cond3A_203 {
        %sub3A_232 = arith.constant 1 : i32
        %sub3A_233 = arith.subi %add3A_179, %sub3A_232 : i32
        %dma_wait3A_234 = arith.constant 0 : i32
        %dma_wait3A_235 = tpu.memref_slice %arg10[%sub3A_233, %dma_wait3A_234] : memref<40x128xi32, #tpu.memory_space<vmem>> -> memref<1x128xi32, #tpu.memory_space<vmem>>
        %dma_wait3A_236 = tpu.memref_squeeze %dma_wait3A_235 : memref<1x128xi32, #tpu.memory_space<vmem>> -> memref<128xi32, #tpu.memory_space<vmem>>
        %dma_wait3A_237 = arith.constant 0 : i32
        %dma_wait3A_238 = arith.constant 0 : i32
        %dma_wait3A_239 = tpu.memref_slice %arg15[%dma_wait3A_237, %dma_wait3A_238] : memref<10112x16xf32, #tpu.memory_space<vmem_shared>> -> memref<10112x16xf32, #tpu.memory_space<vmem_shared>>
        tpu.wait_indirect_dma semaphore(%arg22 : memref<!tpu.dma_semaphore, #tpu.memory_space<semaphore_mem>>) src(%arg12 : memref<128x16xf32, #tpu.memory_space<vmem>>) dst(%dma_wait3A_239 : memref<10112x16xf32, #tpu.memory_space<vmem_shared>>)
        %add3A_240 = arith.constant 3 : i32
        %add3A_241 = arith.addi %add3A_179, %add3A_240 : i32
        %dma_start3A_242 = arith.constant 0 : i32
        %dma_start3A_243 = tpu.memref_slice %arg9[%add3A_241, %dma_start3A_242] : memref<40x128xi32, #tpu.memory_space<vmem>> -> memref<1x128xi32, #tpu.memory_space<vmem>>
        %dma_start3A_244 = tpu.memref_squeeze %dma_start3A_243 : memref<1x128xi32, #tpu.memory_space<vmem>> -> memref<128xi32, #tpu.memory_space<vmem>>
        %dma_start3A_245 = arith.constant 0 : i32
        %dma_start3A_246 = arith.constant 0 : i32
        %dma_start3A_247 = tpu.memref_slice %arg2[%dma_start3A_245, %dma_start3A_246] : memref<10000x16xf32, #tpu.memory_space<hbm>> -> memref<10000x16xf32, #tpu.memory_space<hbm>>
        tpu.enqueue_indirect_dma source(%dma_start3A_247 : memref<10000x16xf32, #tpu.memory_space<hbm>>) target(%arg12 : memref<128x16xf32, #tpu.memory_space<vmem>>) offsets(%dma_start3A_244 : memref<128xi32, #tpu.memory_space<vmem>>) semaphore(%arg18 : memref<!tpu.dma_semaphore, #tpu.memory_space<semaphore_mem>>)
      } else {
      }
      %mul3A_204 = arith.constant 4 : i32
      %mul3A_205 = arith.muli %mul3A_204, %scan3A_125 : i32
      %add3A_206 = arith.constant 3 : i32
      %add3A_207 = arith.addi %mul3A_205, %add3A_206 : i32
      %dma_wait3A_208 = arith.constant 0 : i32
      %dma_wait3A_209 = tpu.memref_slice %arg9[%add3A_207, %dma_wait3A_208] : memref<40x128xi32, #tpu.memory_space<vmem>> -> memref<1x128xi32, #tpu.memory_space<vmem>>
      %dma_wait3A_210 = tpu.memref_squeeze %dma_wait3A_209 : memref<1x128xi32, #tpu.memory_space<vmem>> -> memref<128xi32, #tpu.memory_space<vmem>>
      %dma_wait3A_211 = arith.constant 0 : i32
      %dma_wait3A_212 = arith.constant 0 : i32
      %dma_wait3A_213 = tpu.memref_slice %arg2[%dma_wait3A_211, %dma_wait3A_212] : memref<10000x16xf32, #tpu.memory_space<hbm>> -> memref<10000x16xf32, #tpu.memory_space<hbm>>
      tpu.wait_indirect_dma semaphore(%arg20 : memref<!tpu.dma_semaphore, #tpu.memory_space<semaphore_mem>>) src(%dma_wait3A_213 : memref<10000x16xf32, #tpu.memory_space<hbm>>) dst(%arg14 : memref<128x16xf32, #tpu.memory_space<vmem>>)
      %dma_start3A_214 = arith.constant 0 : i32
      %dma_start3A_215 = tpu.memref_slice %arg10[%add3A_207, %dma_start3A_214] : memref<40x128xi32, #tpu.memory_space<vmem>> -> memref<1x128xi32, #tpu.memory_space<vmem>>
      %dma_start3A_216 = tpu.memref_squeeze %dma_start3A_215 : memref<1x128xi32, #tpu.memory_space<vmem>> -> memref<128xi32, #tpu.memory_space<vmem>>
      %dma_start3A_217 = arith.constant 0 : i32
      %dma_start3A_218 = arith.constant 0 : i32
      %dma_start3A_219 = tpu.memref_slice %arg15[%dma_start3A_217, %dma_start3A_218] : memref<10112x16xf32, #tpu.memory_space<vmem_shared>> -> memref<10112x16xf32, #tpu.memory_space<vmem_shared>>
      tpu.enqueue_indirect_dma source(%arg14 : memref<128x16xf32, #tpu.memory_space<vmem>>) target(%dma_start3A_219 : memref<10112x16xf32, #tpu.memory_space<vmem_shared>>) offsets(%dma_start3A_216 : memref<128xi32, #tpu.memory_space<vmem>>) semaphore(%arg24 : memref<!tpu.dma_semaphore, #tpu.memory_space<semaphore_mem>>) {add = true}
      %sub3A_220 = arith.constant 1 : i32
      %sub3A_221 = arith.subi %add3A_207, %sub3A_220 : i32
      %ge3A_222 = arith.constant 0 : i32
      %ge3A_223 = arith.cmpi sge, %sub3A_221, %ge3A_222 : i32
      %add3A_224 = arith.constant 3 : i32
      %add3A_225 = arith.addi %add3A_207, %add3A_224 : i32
      %lt3A_226 = arith.constant 40 : i32
      %lt3A_227 = arith.cmpi slt, %add3A_225, %lt3A_226 : i32
      %and3A_228 = arith.andi %ge3A_223, %lt3A_227 : i1
      %convert_element_type3A_229 = arith.extui %and3A_228 : i1 to i32
      %cond3A_230 = arith.constant 0 : i32
      %cond3A_231 = arith.cmpi ne, %convert_element_type3A_229, %cond3A_230 : i32
      scf.if %cond3A_231 {
        %sub3A_232 = arith.constant 1 : i32
        %sub3A_233 = arith.subi %add3A_207, %sub3A_232 : i32
        %dma_wait3A_234 = arith.constant 0 : i32
        %dma_wait3A_235 = tpu.memref_slice %arg10[%sub3A_233, %dma_wait3A_234] : memref<40x128xi32, #tpu.memory_space<vmem>> -> memref<1x128xi32, #tpu.memory_space<vmem>>
        %dma_wait3A_236 = tpu.memref_squeeze %dma_wait3A_235 : memref<1x128xi32, #tpu.memory_space<vmem>> -> memref<128xi32, #tpu.memory_space<vmem>>
        %dma_wait3A_237 = arith.constant 0 : i32
        %dma_wait3A_238 = arith.constant 0 : i32
        %dma_wait3A_239 = tpu.memref_slice %arg15[%dma_wait3A_237, %dma_wait3A_238] : memref<10112x16xf32, #tpu.memory_space<vmem_shared>> -> memref<10112x16xf32, #tpu.memory_space<vmem_shared>>
        tpu.wait_indirect_dma semaphore(%arg23 : memref<!tpu.dma_semaphore, #tpu.memory_space<semaphore_mem>>) src(%arg13 : memref<128x16xf32, #tpu.memory_space<vmem>>) dst(%dma_wait3A_239 : memref<10112x16xf32, #tpu.memory_space<vmem_shared>>)
        %add3A_240 = arith.constant 3 : i32
        %add3A_241 = arith.addi %add3A_207, %add3A_240 : i32
        %dma_start3A_242 = arith.constant 0 : i32
        %dma_start3A_243 = tpu.memref_slice %arg9[%add3A_241, %dma_start3A_242] : memref<40x128xi32, #tpu.memory_space<vmem>> -> memref<1x128xi32, #tpu.memory_space<vmem>>
        %dma_start3A_244 = tpu.memref_squeeze %dma_start3A_243 : memref<1x128xi32, #tpu.memory_space<vmem>> -> memref<128xi32, #tpu.memory_space<vmem>>
        %dma_start3A_245 = arith.constant 0 : i32
        %dma_start3A_246 = arith.constant 0 : i32
        %dma_start3A_247 = tpu.memref_slice %arg2[%dma_start3A_245, %dma_start3A_246] : memref<10000x16xf32, #tpu.memory_space<hbm>> -> memref<10000x16xf32, #tpu.memory_space<hbm>>
        tpu.enqueue_indirect_dma source(%dma_start3A_247 : memref<10000x16xf32, #tpu.memory_space<hbm>>) target(%arg13 : memref<128x16xf32, #tpu.memory_space<vmem>>) offsets(%dma_start3A_244 : memref<128xi32, #tpu.memory_space<vmem>>) semaphore(%arg19 : memref<!tpu.dma_semaphore, #tpu.memory_space<semaphore_mem>>)
      } else {
      }
    }
    %scan3A_34 = arith.constant 10 : i32
    %dma_wait3A = arith.constant 36 : i32
    %dma_wait3A_35 = arith.constant 0 : i32
    %dma_wait3A_36 = tpu.memref_slice %arg10[%dma_wait3A, %dma_wait3A_35] : memref<40x128xi32, #tpu.memory_space<vmem>> -> memref<1x128xi32, #tpu.memory_space<vmem>>
    %dma_wait3A_37 = tpu.memref_squeeze %dma_wait3A_36 : memref<1x128xi32, #tpu.memory_space<vmem>> -> memref<128xi32, #tpu.memory_space<vmem>>
    %dma_wait3A_38 = arith.constant 0 : i32
    %dma_wait3A_39 = arith.constant 0 : i32
    %dma_wait3A_40 = tpu.memref_slice %arg15[%dma_wait3A_38, %dma_wait3A_39] : memref<10112x16xf32, #tpu.memory_space<vmem_shared>> -> memref<10112x16xf32, #tpu.memory_space<vmem_shared>>
    tpu.wait_indirect_dma semaphore(%arg21 : memref<!tpu.dma_semaphore, #tpu.memory_space<semaphore_mem>>) src(%arg11 : memref<128x16xf32, #tpu.memory_space<vmem>>) dst(%dma_wait3A_40 : memref<10112x16xf32, #tpu.memory_space<vmem_shared>>)
    %dma_wait3A_41 = arith.constant 37 : i32
    %dma_wait3A_42 = arith.constant 0 : i32
    %dma_wait3A_43 = tpu.memref_slice %arg10[%dma_wait3A_41, %dma_wait3A_42] : memref<40x128xi32, #tpu.memory_space<vmem>> -> memref<1x128xi32, #tpu.memory_space<vmem>>
    %dma_wait3A_44 = tpu.memref_squeeze %dma_wait3A_43 : memref<1x128xi32, #tpu.memory_space<vmem>> -> memref<128xi32, #tpu.memory_space<vmem>>
    %dma_wait3A_45 = arith.constant 0 : i32
    %dma_wait3A_46 = arith.constant 0 : i32
    %dma_wait3A_47 = tpu.memref_slice %arg15[%dma_wait3A_45, %dma_wait3A_46] : memref<10112x16xf32, #tpu.memory_space<vmem_shared>> -> memref<10112x16xf32, #tpu.memory_space<vmem_shared>>
    tpu.wait_indirect_dma semaphore(%arg22 : memref<!tpu.dma_semaphore, #tpu.memory_space<semaphore_mem>>) src(%arg12 : memref<128x16xf32, #tpu.memory_space<vmem>>) dst(%dma_wait3A_47 : memref<10112x16xf32, #tpu.memory_space<vmem_shared>>)
    %dma_wait3A_48 = arith.constant 38 : i32
    %dma_wait3A_49 = arith.constant 0 : i32
    %dma_wait3A_50 = tpu.memref_slice %arg10[%dma_wait3A_48, %dma_wait3A_49] : memref<40x128xi32, #tpu.memory_space<vmem>> -> memref<1x128xi32, #tpu.memory_space<vmem>>
    %dma_wait3A_51 = tpu.memref_squeeze %dma_wait3A_50 : memref<1x128xi32, #tpu.memory_space<vmem>> -> memref<128xi32, #tpu.memory_space<vmem>>
    %dma_wait3A_52 = arith.constant 0 : i32
    %dma_wait3A_53 = arith.constant 0 : i32
    %dma_wait3A_54 = tpu.memref_slice %arg15[%dma_wait3A_52, %dma_wait3A_53] : memref<10112x16xf32, #tpu.memory_space<vmem_shared>> -> memref<10112x16xf32, #tpu.memory_space<vmem_shared>>
    tpu.wait_indirect_dma semaphore(%arg23 : memref<!tpu.dma_semaphore, #tpu.memory_space<semaphore_mem>>) src(%arg13 : memref<128x16xf32, #tpu.memory_space<vmem>>) dst(%dma_wait3A_54 : memref<10112x16xf32, #tpu.memory_space<vmem_shared>>)
    %dma_wait3A_55 = arith.constant 39 : i32
    %dma_wait3A_56 = arith.constant 0 : i32
    %dma_wait3A_57 = tpu.memref_slice %arg10[%dma_wait3A_55, %dma_wait3A_56] : memref<40x128xi32, #tpu.memory_space<vmem>> -> memref<1x128xi32, #tpu.memory_space<vmem>>
    %dma_wait3A_58 = tpu.memref_squeeze %dma_wait3A_57 : memref<1x128xi32, #tpu.memory_space<vmem>> -> memref<128xi32, #tpu.memory_space<vmem>>
    %dma_wait3A_59 = arith.constant 0 : i32
    %dma_wait3A_60 = arith.constant 0 : i32
    %dma_wait3A_61 = tpu.memref_slice %arg15[%dma_wait3A_59, %dma_wait3A_60] : memref<10112x16xf32, #tpu.memory_space<vmem_shared>> -> memref<10112x16xf32, #tpu.memory_space<vmem_shared>>
    tpu.wait_indirect_dma semaphore(%arg24 : memref<!tpu.dma_semaphore, #tpu.memory_space<semaphore_mem>>) src(%arg14 : memref<128x16xf32, #tpu.memory_space<vmem>>) dst(%dma_wait3A_61 : memref<10112x16xf32, #tpu.memory_space<vmem_shared>>)
    %dma_start3A_62 = arith.constant 0 : i32
    %dma_start3A_63 = arith.constant 0 : i32
    %dma_start3A_64 = tpu.memref_slice %arg9[%dma_start3A_62, %dma_start3A_63] : memref<40x128xi32, #tpu.memory_space<vmem>> -> memref<1x128xi32, #tpu.memory_space<vmem>>
    %dma_start3A_65 = tpu.memref_squeeze %dma_start3A_64 : memref<1x128xi32, #tpu.memory_space<vmem>> -> memref<128xi32, #tpu.memory_space<vmem>>
    %dma_start3A_66 = arith.constant 0 : i32
    %dma_start3A_67 = arith.constant 0 : i32
    %dma_start3A_68 = tpu.memref_slice %arg3[%dma_start3A_66, %dma_start3A_67] : memref<10000x16xf32, #tpu.memory_space<hbm>> -> memref<10000x16xf32, #tpu.memory_space<hbm>>
    tpu.enqueue_indirect_dma source(%dma_start3A_68 : memref<10000x16xf32, #tpu.memory_space<hbm>>) target(%arg11 : memref<128x16xf32, #tpu.memory_space<vmem>>) offsets(%dma_start3A_65 : memref<128xi32, #tpu.memory_space<vmem>>) semaphore(%arg17 : memref<!tpu.dma_semaphore, #tpu.memory_space<semaphore_mem>>)
    %dma_start3A_69 = arith.constant 1 : i32
    %dma_start3A_70 = arith.constant 0 : i32
    %dma_start3A_71 = tpu.memref_slice %arg9[%dma_start3A_69, %dma_start3A_70] : memref<40x128xi32, #tpu.memory_space<vmem>> -> memref<1x128xi32, #tpu.memory_space<vmem>>
    %dma_start3A_72 = tpu.memref_squeeze %dma_start3A_71 : memref<1x128xi32, #tpu.memory_space<vmem>> -> memref<128xi32, #tpu.memory_space<vmem>>
    %dma_start3A_73 = arith.constant 0 : i32
    %dma_start3A_74 = arith.constant 0 : i32
    %dma_start3A_75 = tpu.memref_slice %arg3[%dma_start3A_73, %dma_start3A_74] : memref<10000x16xf32, #tpu.memory_space<hbm>> -> memref<10000x16xf32, #tpu.memory_space<hbm>>
    tpu.enqueue_indirect_dma source(%dma_start3A_75 : memref<10000x16xf32, #tpu.memory_space<hbm>>) target(%arg12 : memref<128x16xf32, #tpu.memory_space<vmem>>) offsets(%dma_start3A_72 : memref<128xi32, #tpu.memory_space<vmem>>) semaphore(%arg18 : memref<!tpu.dma_semaphore, #tpu.memory_space<semaphore_mem>>)
    %dma_start3A_76 = arith.constant 2 : i32
    %dma_start3A_77 = arith.constant 0 : i32
    %dma_start3A_78 = tpu.memref_slice %arg9[%dma_start3A_76, %dma_start3A_77] : memref<40x128xi32, #tpu.memory_space<vmem>> -> memref<1x128xi32, #tpu.memory_space<vmem>>
    %dma_start3A_79 = tpu.memref_squeeze %dma_start3A_78 : memref<1x128xi32, #tpu.memory_space<vmem>> -> memref<128xi32, #tpu.memory_space<vmem>>
    %dma_start3A_80 = arith.constant 0 : i32
    %dma_start3A_81 = arith.constant 0 : i32
    %dma_start3A_82 = tpu.memref_slice %arg3[%dma_start3A_80, %dma_start3A_81] : memref<10000x16xf32, #tpu.memory_space<hbm>> -> memref<10000x16xf32, #tpu.memory_space<hbm>>
    tpu.enqueue_indirect_dma source(%dma_start3A_82 : memref<10000x16xf32, #tpu.memory_space<hbm>>) target(%arg13 : memref<128x16xf32, #tpu.memory_space<vmem>>) offsets(%dma_start3A_79 : memref<128xi32, #tpu.memory_space<vmem>>) semaphore(%arg19 : memref<!tpu.dma_semaphore, #tpu.memory_space<semaphore_mem>>)
    %dma_start3A_83 = arith.constant 3 : i32
    %dma_start3A_84 = arith.constant 0 : i32
    %dma_start3A_85 = tpu.memref_slice %arg9[%dma_start3A_83, %dma_start3A_84] : memref<40x128xi32, #tpu.memory_space<vmem>> -> memref<1x128xi32, #tpu.memory_space<vmem>>
    %dma_start3A_86 = tpu.memref_squeeze %dma_start3A_85 : memref<1x128xi32, #tpu.memory_space<vmem>> -> memref<128xi32, #tpu.memory_space<vmem>>
    %dma_start3A_87 = arith.constant 0 : i32
    %dma_start3A_88 = arith.constant 0 : i32
    %dma_start3A_89 = tpu.memref_slice %arg3[%dma_start3A_87, %dma_start3A_88] : memref<10000x16xf32, #tpu.memory_space<hbm>> -> memref<10000x16xf32, #tpu.memory_space<hbm>>
    tpu.enqueue_indirect_dma source(%dma_start3A_89 : memref<10000x16xf32, #tpu.memory_space<hbm>>) target(%arg14 : memref<128x16xf32, #tpu.memory_space<vmem>>) offsets(%dma_start3A_86 : memref<128xi32, #tpu.memory_space<vmem>>) semaphore(%arg20 : memref<!tpu.dma_semaphore, #tpu.memory_space<semaphore_mem>>)
    %scan3A_90 = arith.constant 0 : i32
    %scan3A_91 = arith.constant 0 : i32
    %scan3A_92 = arith.constant 10 : i32
    %scan3A_93 = arith.addi %scan3A_91, %scan3A_92 : i32
    %scan3A_94 = arith.constant 1 : i32
    scf.for %scan3A_125 = %scan3A_91 to %scan3A_93 step %scan3A_94  : i32 {
      %mul3A_126 = arith.constant 4 : i32
      %mul3A_127 = arith.muli %mul3A_126, %scan3A_125 : i32
      %add3A_128 = arith.constant 0 : i32
      %add3A_129 = arith.addi %mul3A_127, %add3A_128 : i32
      %dma_wait3A_130 = arith.constant 0 : i32
      %dma_wait3A_131 = tpu.memref_slice %arg9[%add3A_129, %dma_wait3A_130] : memref<40x128xi32, #tpu.memory_space<vmem>> -> memref<1x128xi32, #tpu.memory_space<vmem>>
      %dma_wait3A_132 = tpu.memref_squeeze %dma_wait3A_131 : memref<1x128xi32, #tpu.memory_space<vmem>> -> memref<128xi32, #tpu.memory_space<vmem>>
      %dma_wait3A_133 = arith.constant 0 : i32
      %dma_wait3A_134 = arith.constant 0 : i32
      %dma_wait3A_135 = tpu.memref_slice %arg3[%dma_wait3A_133, %dma_wait3A_134] : memref<10000x16xf32, #tpu.memory_space<hbm>> -> memref<10000x16xf32, #tpu.memory_space<hbm>>
      tpu.wait_indirect_dma semaphore(%arg17 : memref<!tpu.dma_semaphore, #tpu.memory_space<semaphore_mem>>) src(%dma_wait3A_135 : memref<10000x16xf32, #tpu.memory_space<hbm>>) dst(%arg11 : memref<128x16xf32, #tpu.memory_space<vmem>>)
      %dma_start3A_136 = arith.constant 0 : i32
      %dma_start3A_137 = tpu.memref_slice %arg10[%add3A_129, %dma_start3A_136] : memref<40x128xi32, #tpu.memory_space<vmem>> -> memref<1x128xi32, #tpu.memory_space<vmem>>
      %dma_start3A_138 = tpu.memref_squeeze %dma_start3A_137 : memref<1x128xi32, #tpu.memory_space<vmem>> -> memref<128xi32, #tpu.memory_space<vmem>>
      %dma_start3A_139 = arith.constant 0 : i32
      %dma_start3A_140 = arith.constant 0 : i32
      %dma_start3A_141 = tpu.memref_slice %arg16[%dma_start3A_139, %dma_start3A_140] : memref<10112x16xf32, #tpu.memory_space<vmem_shared>> -> memref<10112x16xf32, #tpu.memory_space<vmem_shared>>
      tpu.enqueue_indirect_dma source(%arg11 : memref<128x16xf32, #tpu.memory_space<vmem>>) target(%dma_start3A_141 : memref<10112x16xf32, #tpu.memory_space<vmem_shared>>) offsets(%dma_start3A_138 : memref<128xi32, #tpu.memory_space<vmem>>) semaphore(%arg21 : memref<!tpu.dma_semaphore, #tpu.memory_space<semaphore_mem>>) {add = true}
      %sub3A = arith.constant 1 : i32
      %sub3A_142 = arith.subi %add3A_129, %sub3A : i32
      %ge3A = arith.constant 0 : i32
      %ge3A_143 = arith.cmpi sge, %sub3A_142, %ge3A : i32
      %add3A_144 = arith.constant 3 : i32
      %add3A_145 = arith.addi %add3A_129, %add3A_144 : i32
      %lt3A = arith.constant 40 : i32
      %lt3A_146 = arith.cmpi slt, %add3A_145, %lt3A : i32
      %and3A = arith.andi %ge3A_143, %lt3A_146 : i1
      %convert_element_type3A = arith.extui %and3A : i1 to i32
      %cond3A = arith.constant 0 : i32
      %cond3A_147 = arith.cmpi ne, %convert_element_type3A, %cond3A : i32
      scf.if %cond3A_147 {
        %sub3A_232 = arith.constant 1 : i32
        %sub3A_233 = arith.subi %add3A_129, %sub3A_232 : i32
        %dma_wait3A_234 = arith.constant 0 : i32
        %dma_wait3A_235 = tpu.memref_slice %arg10[%sub3A_233, %dma_wait3A_234] : memref<40x128xi32, #tpu.memory_space<vmem>> -> memref<1x128xi32, #tpu.memory_space<vmem>>
        %dma_wait3A_236 = tpu.memref_squeeze %dma_wait3A_235 : memref<1x128xi32, #tpu.memory_space<vmem>> -> memref<128xi32, #tpu.memory_space<vmem>>
        %dma_wait3A_237 = arith.constant 0 : i32
        %dma_wait3A_238 = arith.constant 0 : i32
        %dma_wait3A_239 = tpu.memref_slice %arg16[%dma_wait3A_237, %dma_wait3A_238] : memref<10112x16xf32, #tpu.memory_space<vmem_shared>> -> memref<10112x16xf32, #tpu.memory_space<vmem_shared>>
        tpu.wait_indirect_dma semaphore(%arg24 : memref<!tpu.dma_semaphore, #tpu.memory_space<semaphore_mem>>) src(%arg14 : memref<128x16xf32, #tpu.memory_space<vmem>>) dst(%dma_wait3A_239 : memref<10112x16xf32, #tpu.memory_space<vmem_shared>>)
        %add3A_240 = arith.constant 3 : i32
        %add3A_241 = arith.addi %add3A_129, %add3A_240 : i32
        %dma_start3A_242 = arith.constant 0 : i32
        %dma_start3A_243 = tpu.memref_slice %arg9[%add3A_241, %dma_start3A_242] : memref<40x128xi32, #tpu.memory_space<vmem>> -> memref<1x128xi32, #tpu.memory_space<vmem>>
        %dma_start3A_244 = tpu.memref_squeeze %dma_start3A_243 : memref<1x128xi32, #tpu.memory_space<vmem>> -> memref<128xi32, #tpu.memory_space<vmem>>
        %dma_start3A_245 = arith.constant 0 : i32
        %dma_start3A_246 = arith.constant 0 : i32
        %dma_start3A_247 = tpu.memref_slice %arg3[%dma_start3A_245, %dma_start3A_246] : memref<10000x16xf32, #tpu.memory_space<hbm>> -> memref<10000x16xf32, #tpu.memory_space<hbm>>
        tpu.enqueue_indirect_dma source(%dma_start3A_247 : memref<10000x16xf32, #tpu.memory_space<hbm>>) target(%arg14 : memref<128x16xf32, #tpu.memory_space<vmem>>) offsets(%dma_start3A_244 : memref<128xi32, #tpu.memory_space<vmem>>) semaphore(%arg20 : memref<!tpu.dma_semaphore, #tpu.memory_space<semaphore_mem>>)
      } else {
      }
      %mul3A_148 = arith.constant 4 : i32
      %mul3A_149 = arith.muli %mul3A_148, %scan3A_125 : i32
      %add3A_150 = arith.constant 1 : i32
      %add3A_151 = arith.addi %mul3A_149, %add3A_150 : i32
      %dma_wait3A_152 = arith.constant 0 : i32
      %dma_wait3A_153 = tpu.memref_slice %arg9[%add3A_151, %dma_wait3A_152] : memref<40x128xi32, #tpu.memory_space<vmem>> -> memref<1x128xi32, #tpu.memory_space<vmem>>
      %dma_wait3A_154 = tpu.memref_squeeze %dma_wait3A_153 : memref<1x128xi32, #tpu.memory_space<vmem>> -> memref<128xi32, #tpu.memory_space<vmem>>
      %dma_wait3A_155 = arith.constant 0 : i32
      %dma_wait3A_156 = arith.constant 0 : i32
      %dma_wait3A_157 = tpu.memref_slice %arg3[%dma_wait3A_155, %dma_wait3A_156] : memref<10000x16xf32, #tpu.memory_space<hbm>> -> memref<10000x16xf32, #tpu.memory_space<hbm>>
      tpu.wait_indirect_dma semaphore(%arg18 : memref<!tpu.dma_semaphore, #tpu.memory_space<semaphore_mem>>) src(%dma_wait3A_157 : memref<10000x16xf32, #tpu.memory_space<hbm>>) dst(%arg12 : memref<128x16xf32, #tpu.memory_space<vmem>>)
      %dma_start3A_158 = arith.constant 0 : i32
      %dma_start3A_159 = tpu.memref_slice %arg10[%add3A_151, %dma_start3A_158] : memref<40x128xi32, #tpu.memory_space<vmem>> -> memref<1x128xi32, #tpu.memory_space<vmem>>
      %dma_start3A_160 = tpu.memref_squeeze %dma_start3A_159 : memref<1x128xi32, #tpu.memory_space<vmem>> -> memref<128xi32, #tpu.memory_space<vmem>>
      %dma_start3A_161 = arith.constant 0 : i32
      %dma_start3A_162 = arith.constant 0 : i32
      %dma_start3A_163 = tpu.memref_slice %arg16[%dma_start3A_161, %dma_start3A_162] : memref<10112x16xf32, #tpu.memory_space<vmem_shared>> -> memref<10112x16xf32, #tpu.memory_space<vmem_shared>>
      tpu.enqueue_indirect_dma source(%arg12 : memref<128x16xf32, #tpu.memory_space<vmem>>) target(%dma_start3A_163 : memref<10112x16xf32, #tpu.memory_space<vmem_shared>>) offsets(%dma_start3A_160 : memref<128xi32, #tpu.memory_space<vmem>>) semaphore(%arg22 : memref<!tpu.dma_semaphore, #tpu.memory_space<semaphore_mem>>) {add = true}
      %sub3A_164 = arith.constant 1 : i32
      %sub3A_165 = arith.subi %add3A_151, %sub3A_164 : i32
      %ge3A_166 = arith.constant 0 : i32
      %ge3A_167 = arith.cmpi sge, %sub3A_165, %ge3A_166 : i32
      %add3A_168 = arith.constant 3 : i32
      %add3A_169 = arith.addi %add3A_151, %add3A_168 : i32
      %lt3A_170 = arith.constant 40 : i32
      %lt3A_171 = arith.cmpi slt, %add3A_169, %lt3A_170 : i32
      %and3A_172 = arith.andi %ge3A_167, %lt3A_171 : i1
      %convert_element_type3A_173 = arith.extui %and3A_172 : i1 to i32
      %cond3A_174 = arith.constant 0 : i32
      %cond3A_175 = arith.cmpi ne, %convert_element_type3A_173, %cond3A_174 : i32
      scf.if %cond3A_175 {
        %sub3A_232 = arith.constant 1 : i32
        %sub3A_233 = arith.subi %add3A_151, %sub3A_232 : i32
        %dma_wait3A_234 = arith.constant 0 : i32
        %dma_wait3A_235 = tpu.memref_slice %arg10[%sub3A_233, %dma_wait3A_234] : memref<40x128xi32, #tpu.memory_space<vmem>> -> memref<1x128xi32, #tpu.memory_space<vmem>>
        %dma_wait3A_236 = tpu.memref_squeeze %dma_wait3A_235 : memref<1x128xi32, #tpu.memory_space<vmem>> -> memref<128xi32, #tpu.memory_space<vmem>>
        %dma_wait3A_237 = arith.constant 0 : i32
        %dma_wait3A_238 = arith.constant 0 : i32
        %dma_wait3A_239 = tpu.memref_slice %arg16[%dma_wait3A_237, %dma_wait3A_238] : memref<10112x16xf32, #tpu.memory_space<vmem_shared>> -> memref<10112x16xf32, #tpu.memory_space<vmem_shared>>
        tpu.wait_indirect_dma semaphore(%arg21 : memref<!tpu.dma_semaphore, #tpu.memory_space<semaphore_mem>>) src(%arg11 : memref<128x16xf32, #tpu.memory_space<vmem>>) dst(%dma_wait3A_239 : memref<10112x16xf32, #tpu.memory_space<vmem_shared>>)
        %add3A_240 = arith.constant 3 : i32
        %add3A_241 = arith.addi %add3A_151, %add3A_240 : i32
        %dma_start3A_242 = arith.constant 0 : i32
        %dma_start3A_243 = tpu.memref_slice %arg9[%add3A_241, %dma_start3A_242] : memref<40x128xi32, #tpu.memory_space<vmem>> -> memref<1x128xi32, #tpu.memory_space<vmem>>
        %dma_start3A_244 = tpu.memref_squeeze %dma_start3A_243 : memref<1x128xi32, #tpu.memory_space<vmem>> -> memref<128xi32, #tpu.memory_space<vmem>>
        %dma_start3A_245 = arith.constant 0 : i32
        %dma_start3A_246 = arith.constant 0 : i32
        %dma_start3A_247 = tpu.memref_slice %arg3[%dma_start3A_245, %dma_start3A_246] : memref<10000x16xf32, #tpu.memory_space<hbm>> -> memref<10000x16xf32, #tpu.memory_space<hbm>>
        tpu.enqueue_indirect_dma source(%dma_start3A_247 : memref<10000x16xf32, #tpu.memory_space<hbm>>) target(%arg11 : memref<128x16xf32, #tpu.memory_space<vmem>>) offsets(%dma_start3A_244 : memref<128xi32, #tpu.memory_space<vmem>>) semaphore(%arg17 : memref<!tpu.dma_semaphore, #tpu.memory_space<semaphore_mem>>)
      } else {
      }
      %mul3A_176 = arith.constant 4 : i32
      %mul3A_177 = arith.muli %mul3A_176, %scan3A_125 : i32
      %add3A_178 = arith.constant 2 : i32
      %add3A_179 = arith.addi %mul3A_177, %add3A_178 : i32
      %dma_wait3A_180 = arith.constant 0 : i32
      %dma_wait3A_181 = tpu.memref_slice %arg9[%add3A_179, %dma_wait3A_180] : memref<40x128xi32, #tpu.memory_space<vmem>> -> memref<1x128xi32, #tpu.memory_space<vmem>>
      %dma_wait3A_182 = tpu.memref_squeeze %dma_wait3A_181 : memref<1x128xi32, #tpu.memory_space<vmem>> -> memref<128xi32, #tpu.memory_space<vmem>>
      %dma_wait3A_183 = arith.constant 0 : i32
      %dma_wait3A_184 = arith.constant 0 : i32
      %dma_wait3A_185 = tpu.memref_slice %arg3[%dma_wait3A_183, %dma_wait3A_184] : memref<10000x16xf32, #tpu.memory_space<hbm>> -> memref<10000x16xf32, #tpu.memory_space<hbm>>
      tpu.wait_indirect_dma semaphore(%arg19 : memref<!tpu.dma_semaphore, #tpu.memory_space<semaphore_mem>>) src(%dma_wait3A_185 : memref<10000x16xf32, #tpu.memory_space<hbm>>) dst(%arg13 : memref<128x16xf32, #tpu.memory_space<vmem>>)
      %dma_start3A_186 = arith.constant 0 : i32
      %dma_start3A_187 = tpu.memref_slice %arg10[%add3A_179, %dma_start3A_186] : memref<40x128xi32, #tpu.memory_space<vmem>> -> memref<1x128xi32, #tpu.memory_space<vmem>>
      %dma_start3A_188 = tpu.memref_squeeze %dma_start3A_187 : memref<1x128xi32, #tpu.memory_space<vmem>> -> memref<128xi32, #tpu.memory_space<vmem>>
      %dma_start3A_189 = arith.constant 0 : i32
      %dma_start3A_190 = arith.constant 0 : i32
      %dma_start3A_191 = tpu.memref_slice %arg16[%dma_start3A_189, %dma_start3A_190] : memref<10112x16xf32, #tpu.memory_space<vmem_shared>> -> memref<10112x16xf32, #tpu.memory_space<vmem_shared>>
      tpu.enqueue_indirect_dma source(%arg13 : memref<128x16xf32, #tpu.memory_space<vmem>>) target(%dma_start3A_191 : memref<10112x16xf32, #tpu.memory_space<vmem_shared>>) offsets(%dma_start3A_188 : memref<128xi32, #tpu.memory_space<vmem>>) semaphore(%arg23 : memref<!tpu.dma_semaphore, #tpu.memory_space<semaphore_mem>>) {add = true}
      %sub3A_192 = arith.constant 1 : i32
      %sub3A_193 = arith.subi %add3A_179, %sub3A_192 : i32
      %ge3A_194 = arith.constant 0 : i32
      %ge3A_195 = arith.cmpi sge, %sub3A_193, %ge3A_194 : i32
      %add3A_196 = arith.constant 3 : i32
      %add3A_197 = arith.addi %add3A_179, %add3A_196 : i32
      %lt3A_198 = arith.constant 40 : i32
      %lt3A_199 = arith.cmpi slt, %add3A_197, %lt3A_198 : i32
      %and3A_200 = arith.andi %ge3A_195, %lt3A_199 : i1
      %convert_element_type3A_201 = arith.extui %and3A_200 : i1 to i32
      %cond3A_202 = arith.constant 0 : i32
      %cond3A_203 = arith.cmpi ne, %convert_element_type3A_201, %cond3A_202 : i32
      scf.if %cond3A_203 {
        %sub3A_232 = arith.constant 1 : i32
        %sub3A_233 = arith.subi %add3A_179, %sub3A_232 : i32
        %dma_wait3A_234 = arith.constant 0 : i32
        %dma_wait3A_235 = tpu.memref_slice %arg10[%sub3A_233, %dma_wait3A_234] : memref<40x128xi32, #tpu.memory_space<vmem>> -> memref<1x128xi32, #tpu.memory_space<vmem>>
        %dma_wait3A_236 = tpu.memref_squeeze %dma_wait3A_235 : memref<1x128xi32, #tpu.memory_space<vmem>> -> memref<128xi32, #tpu.memory_space<vmem>>
        %dma_wait3A_237 = arith.constant 0 : i32
        %dma_wait3A_238 = arith.constant 0 : i32
        %dma_wait3A_239 = tpu.memref_slice %arg16[%dma_wait3A_237, %dma_wait3A_238] : memref<10112x16xf32, #tpu.memory_space<vmem_shared>> -> memref<10112x16xf32, #tpu.memory_space<vmem_shared>>
        tpu.wait_indirect_dma semaphore(%arg22 : memref<!tpu.dma_semaphore, #tpu.memory_space<semaphore_mem>>) src(%arg12 : memref<128x16xf32, #tpu.memory_space<vmem>>) dst(%dma_wait3A_239 : memref<10112x16xf32, #tpu.memory_space<vmem_shared>>)
        %add3A_240 = arith.constant 3 : i32
        %add3A_241 = arith.addi %add3A_179, %add3A_240 : i32
        %dma_start3A_242 = arith.constant 0 : i32
        %dma_start3A_243 = tpu.memref_slice %arg9[%add3A_241, %dma_start3A_242] : memref<40x128xi32, #tpu.memory_space<vmem>> -> memref<1x128xi32, #tpu.memory_space<vmem>>
        %dma_start3A_244 = tpu.memref_squeeze %dma_start3A_243 : memref<1x128xi32, #tpu.memory_space<vmem>> -> memref<128xi32, #tpu.memory_space<vmem>>
        %dma_start3A_245 = arith.constant 0 : i32
        %dma_start3A_246 = arith.constant 0 : i32
        %dma_start3A_247 = tpu.memref_slice %arg3[%dma_start3A_245, %dma_start3A_246] : memref<10000x16xf32, #tpu.memory_space<hbm>> -> memref<10000x16xf32, #tpu.memory_space<hbm>>
        tpu.enqueue_indirect_dma source(%dma_start3A_247 : memref<10000x16xf32, #tpu.memory_space<hbm>>) target(%arg12 : memref<128x16xf32, #tpu.memory_space<vmem>>) offsets(%dma_start3A_244 : memref<128xi32, #tpu.memory_space<vmem>>) semaphore(%arg18 : memref<!tpu.dma_semaphore, #tpu.memory_space<semaphore_mem>>)
      } else {
      }
      %mul3A_204 = arith.constant 4 : i32
      %mul3A_205 = arith.muli %mul3A_204, %scan3A_125 : i32
      %add3A_206 = arith.constant 3 : i32
      %add3A_207 = arith.addi %mul3A_205, %add3A_206 : i32
      %dma_wait3A_208 = arith.constant 0 : i32
      %dma_wait3A_209 = tpu.memref_slice %arg9[%add3A_207, %dma_wait3A_208] : memref<40x128xi32, #tpu.memory_space<vmem>> -> memref<1x128xi32, #tpu.memory_space<vmem>>
      %dma_wait3A_210 = tpu.memref_squeeze %dma_wait3A_209 : memref<1x128xi32, #tpu.memory_space<vmem>> -> memref<128xi32, #tpu.memory_space<vmem>>
      %dma_wait3A_211 = arith.constant 0 : i32
      %dma_wait3A_212 = arith.constant 0 : i32
      %dma_wait3A_213 = tpu.memref_slice %arg3[%dma_wait3A_211, %dma_wait3A_212] : memref<10000x16xf32, #tpu.memory_space<hbm>> -> memref<10000x16xf32, #tpu.memory_space<hbm>>
      tpu.wait_indirect_dma semaphore(%arg20 : memref<!tpu.dma_semaphore, #tpu.memory_space<semaphore_mem>>) src(%dma_wait3A_213 : memref<10000x16xf32, #tpu.memory_space<hbm>>) dst(%arg14 : memref<128x16xf32, #tpu.memory_space<vmem>>)
      %dma_start3A_214 = arith.constant 0 : i32
      %dma_start3A_215 = tpu.memref_slice %arg10[%add3A_207, %dma_start3A_214] : memref<40x128xi32, #tpu.memory_space<vmem>> -> memref<1x128xi32, #tpu.memory_space<vmem>>
      %dma_start3A_216 = tpu.memref_squeeze %dma_start3A_215 : memref<1x128xi32, #tpu.memory_space<vmem>> -> memref<128xi32, #tpu.memory_space<vmem>>
      %dma_start3A_217 = arith.constant 0 : i32
      %dma_start3A_218 = arith.constant 0 : i32
      %dma_start3A_219 = tpu.memref_slice %arg16[%dma_start3A_217, %dma_start3A_218] : memref<10112x16xf32, #tpu.memory_space<vmem_shared>> -> memref<10112x16xf32, #tpu.memory_space<vmem_shared>>
      tpu.enqueue_indirect_dma source(%arg14 : memref<128x16xf32, #tpu.memory_space<vmem>>) target(%dma_start3A_219 : memref<10112x16xf32, #tpu.memory_space<vmem_shared>>) offsets(%dma_start3A_216 : memref<128xi32, #tpu.memory_space<vmem>>) semaphore(%arg24 : memref<!tpu.dma_semaphore, #tpu.memory_space<semaphore_mem>>) {add = true}
      %sub3A_220 = arith.constant 1 : i32
      %sub3A_221 = arith.subi %add3A_207, %sub3A_220 : i32
      %ge3A_222 = arith.constant 0 : i32
      %ge3A_223 = arith.cmpi sge, %sub3A_221, %ge3A_222 : i32
      %add3A_224 = arith.constant 3 : i32
      %add3A_225 = arith.addi %add3A_207, %add3A_224 : i32
      %lt3A_226 = arith.constant 40 : i32
      %lt3A_227 = arith.cmpi slt, %add3A_225, %lt3A_226 : i32
      %and3A_228 = arith.andi %ge3A_223, %lt3A_227 : i1
      %convert_element_type3A_229 = arith.extui %and3A_228 : i1 to i32
      %cond3A_230 = arith.constant 0 : i32
      %cond3A_231 = arith.cmpi ne, %convert_element_type3A_229, %cond3A_230 : i32
      scf.if %cond3A_231 {
        %sub3A_232 = arith.constant 1 : i32
        %sub3A_233 = arith.subi %add3A_207, %sub3A_232 : i32
        %dma_wait3A_234 = arith.constant 0 : i32
        %dma_wait3A_235 = tpu.memref_slice %arg10[%sub3A_233, %dma_wait3A_234] : memref<40x128xi32, #tpu.memory_space<vmem>> -> memref<1x128xi32, #tpu.memory_space<vmem>>
        %dma_wait3A_236 = tpu.memref_squeeze %dma_wait3A_235 : memref<1x128xi32, #tpu.memory_space<vmem>> -> memref<128xi32, #tpu.memory_space<vmem>>
        %dma_wait3A_237 = arith.constant 0 : i32
        %dma_wait3A_238 = arith.constant 0 : i32
        %dma_wait3A_239 = tpu.memref_slice %arg16[%dma_wait3A_237, %dma_wait3A_238] : memref<10112x16xf32, #tpu.memory_space<vmem_shared>> -> memref<10112x16xf32, #tpu.memory_space<vmem_shared>>
        tpu.wait_indirect_dma semaphore(%arg23 : memref<!tpu.dma_semaphore, #tpu.memory_space<semaphore_mem>>) src(%arg13 : memref<128x16xf32, #tpu.memory_space<vmem>>) dst(%dma_wait3A_239 : memref<10112x16xf32, #tpu.memory_space<vmem_shared>>)
        %add3A_240 = arith.constant 3 : i32
        %add3A_241 = arith.addi %add3A_207, %add3A_240 : i32
        %dma_start3A_242 = arith.constant 0 : i32
        %dma_start3A_243 = tpu.memref_slice %arg9[%add3A_241, %dma_start3A_242] : memref<40x128xi32, #tpu.memory_space<vmem>> -> memref<1x128xi32, #tpu.memory_space<vmem>>
        %dma_start3A_244 = tpu.memref_squeeze %dma_start3A_243 : memref<1x128xi32, #tpu.memory_space<vmem>> -> memref<128xi32, #tpu.memory_space<vmem>>
        %dma_start3A_245 = arith.constant 0 : i32
        %dma_start3A_246 = arith.constant 0 : i32
        %dma_start3A_247 = tpu.memref_slice %arg3[%dma_start3A_245, %dma_start3A_246] : memref<10000x16xf32, #tpu.memory_space<hbm>> -> memref<10000x16xf32, #tpu.memory_space<hbm>>
        tpu.enqueue_indirect_dma source(%dma_start3A_247 : memref<10000x16xf32, #tpu.memory_space<hbm>>) target(%arg13 : memref<128x16xf32, #tpu.memory_space<vmem>>) offsets(%dma_start3A_244 : memref<128xi32, #tpu.memory_space<vmem>>) semaphore(%arg19 : memref<!tpu.dma_semaphore, #tpu.memory_space<semaphore_mem>>)
      } else {
      }
    }
    %scan3A_95 = arith.constant 10 : i32
    %dma_wait3A_96 = arith.constant 36 : i32
    %dma_wait3A_97 = arith.constant 0 : i32
    %dma_wait3A_98 = tpu.memref_slice %arg10[%dma_wait3A_96, %dma_wait3A_97] : memref<40x128xi32, #tpu.memory_space<vmem>> -> memref<1x128xi32, #tpu.memory_space<vmem>>
    %dma_wait3A_99 = tpu.memref_squeeze %dma_wait3A_98 : memref<1x128xi32, #tpu.memory_space<vmem>> -> memref<128xi32, #tpu.memory_space<vmem>>
    %dma_wait3A_100 = arith.constant 0 : i32
    %dma_wait3A_101 = arith.constant 0 : i32
    %dma_wait3A_102 = tpu.memref_slice %arg16[%dma_wait3A_100, %dma_wait3A_101] : memref<10112x16xf32, #tpu.memory_space<vmem_shared>> -> memref<10112x16xf32, #tpu.memory_space<vmem_shared>>
    tpu.wait_indirect_dma semaphore(%arg21 : memref<!tpu.dma_semaphore, #tpu.memory_space<semaphore_mem>>) src(%arg11 : memref<128x16xf32, #tpu.memory_space<vmem>>) dst(%dma_wait3A_102 : memref<10112x16xf32, #tpu.memory_space<vmem_shared>>)
    %dma_wait3A_103 = arith.constant 37 : i32
    %dma_wait3A_104 = arith.constant 0 : i32
    %dma_wait3A_105 = tpu.memref_slice %arg10[%dma_wait3A_103, %dma_wait3A_104] : memref<40x128xi32, #tpu.memory_space<vmem>> -> memref<1x128xi32, #tpu.memory_space<vmem>>
    %dma_wait3A_106 = tpu.memref_squeeze %dma_wait3A_105 : memref<1x128xi32, #tpu.memory_space<vmem>> -> memref<128xi32, #tpu.memory_space<vmem>>
    %dma_wait3A_107 = arith.constant 0 : i32
    %dma_wait3A_108 = arith.constant 0 : i32
    %dma_wait3A_109 = tpu.memref_slice %arg16[%dma_wait3A_107, %dma_wait3A_108] : memref<10112x16xf32, #tpu.memory_space<vmem_shared>> -> memref<10112x16xf32, #tpu.memory_space<vmem_shared>>
    tpu.wait_indirect_dma semaphore(%arg22 : memref<!tpu.dma_semaphore, #tpu.memory_space<semaphore_mem>>) src(%arg12 : memref<128x16xf32, #tpu.memory_space<vmem>>) dst(%dma_wait3A_109 : memref<10112x16xf32, #tpu.memory_space<vmem_shared>>)
    %dma_wait3A_110 = arith.constant 38 : i32
    %dma_wait3A_111 = arith.constant 0 : i32
    %dma_wait3A_112 = tpu.memref_slice %arg10[%dma_wait3A_110, %dma_wait3A_111] : memref<40x128xi32, #tpu.memory_space<vmem>> -> memref<1x128xi32, #tpu.memory_space<vmem>>
    %dma_wait3A_113 = tpu.memref_squeeze %dma_wait3A_112 : memref<1x128xi32, #tpu.memory_space<vmem>> -> memref<128xi32, #tpu.memory_space<vmem>>
    %dma_wait3A_114 = arith.constant 0 : i32
    %dma_wait3A_115 = arith.constant 0 : i32
    %dma_wait3A_116 = tpu.memref_slice %arg16[%dma_wait3A_114, %dma_wait3A_115] : memref<10112x16xf32, #tpu.memory_space<vmem_shared>> -> memref<10112x16xf32, #tpu.memory_space<vmem_shared>>
    tpu.wait_indirect_dma semaphore(%arg23 : memref<!tpu.dma_semaphore, #tpu.memory_space<semaphore_mem>>) src(%arg13 : memref<128x16xf32, #tpu.memory_space<vmem>>) dst(%dma_wait3A_116 : memref<10112x16xf32, #tpu.memory_space<vmem_shared>>)
    %dma_wait3A_117 = arith.constant 39 : i32
    %dma_wait3A_118 = arith.constant 0 : i32
    %dma_wait3A_119 = tpu.memref_slice %arg10[%dma_wait3A_117, %dma_wait3A_118] : memref<40x128xi32, #tpu.memory_space<vmem>> -> memref<1x128xi32, #tpu.memory_space<vmem>>
    %dma_wait3A_120 = tpu.memref_squeeze %dma_wait3A_119 : memref<1x128xi32, #tpu.memory_space<vmem>> -> memref<128xi32, #tpu.memory_space<vmem>>
    %dma_wait3A_121 = arith.constant 0 : i32
    %dma_wait3A_122 = arith.constant 0 : i32
    %dma_wait3A_123 = tpu.memref_slice %arg16[%dma_wait3A_121, %dma_wait3A_122] : memref<10112x16xf32, #tpu.memory_space<vmem_shared>> -> memref<10112x16xf32, #tpu.memory_space<vmem_shared>>
    tpu.wait_indirect_dma semaphore(%arg24 : memref<!tpu.dma_semaphore, #tpu.memory_space<semaphore_mem>>) src(%arg14 : memref<128x16xf32, #tpu.memory_space<vmem>>) dst(%dma_wait3A_123 : memref<10112x16xf32, #tpu.memory_space<vmem_shared>>)
    %barrier3A_124 = arith.constant 0 : index
    tpu.barrier barrier_id(%barrier3A_124)
    "tpu.region"() ({
      %run_scoped3A = tpu.sem_alloc : memref<!tpu.dma_semaphore, #tpu.memory_space<semaphore_mem>>
      %dma_start3A_125 = arith.constant 0 : i32
      %dma_start3A_126 = arith.constant 0 : i32
      %dma_start3A_127 = tpu.memref_slice %arg7[%arg0, %dma_start3A_125, %dma_start3A_126] : memref<2x10112x16xf32, #tpu.memory_space<hbm>> -> memref<1x10112x16xf32, #tpu.memory_space<hbm>>
      %dma_start3A_128 = tpu.memref_squeeze %dma_start3A_127 : memref<1x10112x16xf32, #tpu.memory_space<hbm>> -> memref<10112x16xf32, #tpu.memory_space<hbm>>
      %dma_start3A_129 = arith.constant 0 : i32
      %dma_start3A_130 = tpu.memref_slice %dma_start3A_128[%mul3A_2, %dma_start3A_129] : memref<10112x16xf32, #tpu.memory_space<hbm>> -> memref<632x16xf32, #tpu.memory_space<hbm>>
      %dma_start3A_131 = arith.constant 0 : i32
      %dma_start3A_132 = tpu.memref_slice %arg15[%mul3A_2, %dma_start3A_131] : memref<10112x16xf32, #tpu.memory_space<vmem_shared>> -> memref<632x16xf32, #tpu.memory_space<vmem_shared>>
      tpu.enqueue_dma source(%dma_start3A_132 : memref<632x16xf32, #tpu.memory_space<vmem_shared>>) target(%dma_start3A_130 : memref<632x16xf32, #tpu.memory_space<hbm>>) target_semaphore(%run_scoped3A : memref<!tpu.dma_semaphore, #tpu.memory_space<semaphore_mem>>)
      %dma_wait3A_133 = arith.constant 0 : i32
      %dma_wait3A_134 = arith.constant 0 : i32
      %dma_wait3A_135 = tpu.memref_slice %arg7[%arg0, %dma_wait3A_133, %dma_wait3A_134] : memref<2x10112x16xf32, #tpu.memory_space<hbm>> -> memref<1x10112x16xf32, #tpu.memory_space<hbm>>
      %dma_wait3A_136 = tpu.memref_squeeze %dma_wait3A_135 : memref<1x10112x16xf32, #tpu.memory_space<hbm>> -> memref<10112x16xf32, #tpu.memory_space<hbm>>
      %dma_wait3A_137 = arith.constant 0 : i32
      %dma_wait3A_138 = tpu.memref_slice %dma_wait3A_136[%mul3A_2, %dma_wait3A_137] : memref<10112x16xf32, #tpu.memory_space<hbm>> -> memref<632x16xf32, #tpu.memory_space<hbm>>
      %dma_wait3A_139 = arith.constant 0 : i32
      %dma_wait3A_140 = tpu.memref_slice %arg15[%mul3A_2, %dma_wait3A_139] : memref<10112x16xf32, #tpu.memory_space<vmem_shared>> -> memref<632x16xf32, #tpu.memory_space<vmem_shared>>
      tpu.wait_dma2 semaphore(%run_scoped3A : memref<!tpu.dma_semaphore, #tpu.memory_space<semaphore_mem>>) src(%dma_wait3A_140 : memref<632x16xf32, #tpu.memory_space<vmem_shared>>) dst(%dma_wait3A_138 : memref<632x16xf32, #tpu.memory_space<hbm>>)
      tpu.yield
    }) : () -> ()
    "tpu.region"() ({
      %run_scoped3A = tpu.sem_alloc : memref<!tpu.dma_semaphore, #tpu.memory_space<semaphore_mem>>
      %dma_start3A_125 = arith.constant 0 : i32
      %dma_start3A_126 = arith.constant 0 : i32
      %dma_start3A_127 = tpu.memref_slice %arg8[%arg0, %dma_start3A_125, %dma_start3A_126] : memref<2x10112x16xf32, #tpu.memory_space<hbm>> -> memref<1x10112x16xf32, #tpu.memory_space<hbm>>
      %dma_start3A_128 = tpu.memref_squeeze %dma_start3A_127 : memref<1x10112x16xf32, #tpu.memory_space<hbm>> -> memref<10112x16xf32, #tpu.memory_space<hbm>>
      %dma_start3A_129 = arith.constant 0 : i32
      %dma_start3A_130 = tpu.memref_slice %dma_start3A_128[%mul3A_2, %dma_start3A_129] : memref<10112x16xf32, #tpu.memory_space<hbm>> -> memref<632x16xf32, #tpu.memory_space<hbm>>
      %dma_start3A_131 = arith.constant 0 : i32
      %dma_start3A_132 = tpu.memref_slice %arg16[%mul3A_2, %dma_start3A_131] : memref<10112x16xf32, #tpu.memory_space<vmem_shared>> -> memref<632x16xf32, #tpu.memory_space<vmem_shared>>
      tpu.enqueue_dma source(%dma_start3A_132 : memref<632x16xf32, #tpu.memory_space<vmem_shared>>) target(%dma_start3A_130 : memref<632x16xf32, #tpu.memory_space<hbm>>) target_semaphore(%run_scoped3A : memref<!tpu.dma_semaphore, #tpu.memory_space<semaphore_mem>>)
      %dma_wait3A_133 = arith.constant 0 : i32
      %dma_wait3A_134 = arith.constant 0 : i32
      %dma_wait3A_135 = tpu.memref_slice %arg8[%arg0, %dma_wait3A_133, %dma_wait3A_134] : memref<2x10112x16xf32, #tpu.memory_space<hbm>> -> memref<1x10112x16xf32, #tpu.memory_space<hbm>>
      %dma_wait3A_136 = tpu.memref_squeeze %dma_wait3A_135 : memref<1x10112x16xf32, #tpu.memory_space<hbm>> -> memref<10112x16xf32, #tpu.memory_space<hbm>>
      %dma_wait3A_137 = arith.constant 0 : i32
      %dma_wait3A_138 = tpu.memref_slice %dma_wait3A_136[%mul3A_2, %dma_wait3A_137] : memref<10112x16xf32, #tpu.memory_space<hbm>> -> memref<632x16xf32, #tpu.memory_space<hbm>>
      %dma_wait3A_139 = arith.constant 0 : i32
      %dma_wait3A_140 = tpu.memref_slice %arg16[%mul3A_2, %dma_wait3A_139] : memref<10112x16xf32, #tpu.memory_space<vmem_shared>> -> memref<632x16xf32, #tpu.memory_space<vmem_shared>>
      tpu.wait_dma2 semaphore(%run_scoped3A : memref<!tpu.dma_semaphore, #tpu.memory_space<semaphore_mem>>) src(%dma_wait3A_140 : memref<632x16xf32, #tpu.memory_space<vmem_shared>>) dst(%dma_wait3A_138 : memref<632x16xf32, #tpu.memory_space<hbm>>)
      tpu.yield
    }) : () -> ()
    return
  }
}

module attributes {stable_mosaic.version = 14 : i64} {
  func.func @_mm_body(%arg0: i32, %arg1: memref<1000x128xf32, #tpu.memory_space<vmem>>, %arg2: memref<128x20xf32, #tpu.memory_space<vmem>>, %arg3: memref<1000x20xf32, #tpu.memory_space<vmem>>) attributes {dimension_semantics = [#tpu.dimension_semantics<arbitrary>], iteration_bounds = array<i64: 20>, scalar_prefetch = 0 : i64, scratch_operands = 0 : i64, tpu.core_type = #tpu.core_type<tc>, window_params = [{transform_indices = @transform_0, window_bounds = array<i64: 1000, 128>}, {pipeline_mode = #tpu.pipeline_mode<synchronous>, transform_indices = @transform_1, window_bounds = array<i64: 128, 20>}, {transform_indices = @transform_2, window_bounds = array<i64: 1000, 20>}]} {
    %get3A = arith.constant 0 : index
    %get3A_0 = arith.constant 0 : index
    %get3A_1 = vector.load %arg1[%get3A, %get3A_0] : memref<1000x128xf32, #tpu.memory_space<vmem>>, vector<1000x128xf32>
    %get3A_2 = arith.constant 0 : index
    %get3A_3 = arith.constant 0 : index
    %get3A_4 = vector.load %arg2[%get3A_2, %get3A_3] : memref<128x20xf32, #tpu.memory_space<vmem>>, vector<128x20xf32>
    %dot_general3A = arith.constant dense<0.000000e+00> : vector<1000x20xf32>
    %dot_general3A_5 = tpu.matmul %get3A_1, %get3A_4, %dot_general3A {dimension_numbers = #tpu.dot_dimension_numbers<[1], [0], [0], [1], [0, 0, 1, 1], [], []>, transpose_lhs_hint = false} : vector<1000x128xf32>, vector<128x20xf32>, vector<1000x20xf32> -> vector<1000x20xf32>
    %swap3A = arith.constant 0 : index
    %swap3A_6 = arith.constant 0 : index
    %swap3A_7 = vector.load %arg3[%swap3A, %swap3A_6] : memref<1000x20xf32, #tpu.memory_space<vmem>>, vector<1000x20xf32>
    tpu.vector_store %arg3[%swap3A, %swap3A_6], %dot_general3A_5 {strides = array<i32>} : memref<1000x20xf32, #tpu.memory_space<vmem>>, vector<1000x20xf32>,
    return
  }
  func.func @transform_0(%arg0: i32) -> (i32, i32) {
    %c0_i32 = arith.constant 0 : i32
    %c0_i32_0 = arith.constant 0 : i32
    return %arg0, %c0_i32 : i32, i32
  }
  func.func @transform_1(%arg0: i32) -> (i32, i32) {
    %c0_i32 = arith.constant 0 : i32
    %c0_i32_0 = arith.constant 0 : i32
    %c0_i32_1 = arith.constant 0 : i32
    return %c0_i32, %c0_i32_0 : i32, i32
  }
  func.func @transform_2(%arg0: i32) -> (i32, i32) {
    %c0_i32 = arith.constant 0 : i32
    %c0_i32_0 = arith.constant 0 : i32
    return %arg0, %c0_i32 : i32, i32
  }
}

module attributes {stable_mosaic.version = 14 : i64} {
  func.func @_post_body(%arg0: i32, %arg1: memref<2x1000x128xf32, #tpu.memory_space<vmem>>, %arg2: memref<2x1000x20xf32, #tpu.memory_space<vmem>>, %arg3: memref<1000x128xf32, #tpu.memory_space<vmem>>, %arg4: memref<1000x128xf32, #tpu.memory_space<vmem>>, %arg5: memref<1000x128xf32, #tpu.memory_space<vmem>>, %arg6: memref<1000x128xf32, #tpu.memory_space<vmem>>, %arg7: memref<128x10xf32, #tpu.memory_space<vmem>>, %arg8: memref<128x10xf32, #tpu.memory_space<vmem>>, %arg9: memref<1x10xf32, #tpu.memory_space<vmem>>, %arg10: memref<1x10xf32, #tpu.memory_space<vmem>>, %arg11: memref<2x1000x16xf32, #tpu.memory_space<vmem>>, %arg12: memref<2x10xf32, #tpu.memory_space<vmem>>, %arg13: memref<2x10xf32, #tpu.memory_space<vmem>>, %arg14: memref<2x10x128xf32, #tpu.memory_space<vmem>>) attributes {dimension_semantics = [#tpu.dimension_semantics<arbitrary>], iteration_bounds = array<i64: 10>, scalar_prefetch = 0 : i64, scratch_operands = 0 : i64, tpu.core_type = #tpu.core_type<tc>, window_params = [{transform_indices = @transform_0, window_bounds = array<i64: 2, 1000, 128>}, {transform_indices = @transform_1, window_bounds = array<i64: 2, 1000, 20>}, {transform_indices = @transform_2, window_bounds = array<i64: 1000, 128>}, {transform_indices = @transform_3, window_bounds = array<i64: 1000, 128>}, {transform_indices = @transform_4, window_bounds = array<i64: 1000, 128>}, {transform_indices = @transform_5, window_bounds = array<i64: 1000, 128>}, {pipeline_mode = #tpu.pipeline_mode<synchronous>, transform_indices = @transform_6, window_bounds = array<i64: 128, 10>}, {pipeline_mode = #tpu.pipeline_mode<synchronous>, transform_indices = @transform_7, window_bounds = array<i64: 128, 10>}, {pipeline_mode = #tpu.pipeline_mode<synchronous>, transform_indices = @transform_8, window_bounds = array<i64: 1, 10>}, {pipeline_mode = #tpu.pipeline_mode<synchronous>, transform_indices = @transform_9, window_bounds = array<i64: 1, 10>}, {transform_indices = @transform_10, window_bounds = array<i64: 2, 1000, 16>}, {pipeline_mode = #tpu.pipeline_mode<synchronous>, transform_indices = @transform_11, window_bounds = array<i64: 2, 10>}, {pipeline_mode = #tpu.pipeline_mode<synchronous>, transform_indices = @transform_12, window_bounds = array<i64: 2, 10>}, {pipeline_mode = #tpu.pipeline_mode<synchronous>, transform_indices = @transform_13, window_bounds = array<i64: 2, 10, 128>}]} {
    %eq3A = arith.constant 0 : i32
    %eq3A_0 = arith.cmpi eq, %arg0, %eq3A : i32
    %convert_element_type3A = arith.extui %eq3A_0 : i1 to i32
    %cond3A = arith.constant 0 : i32
    %cond3A_1 = arith.cmpi ne, %convert_element_type3A, %cond3A : i32
    scf.if %cond3A_1 {
      %broadcast_in_dim3A_232 = arith.constant 0.000000e+00 : f32
      %broadcast_in_dim3A_233 = vector.broadcast %broadcast_in_dim3A_232 : f32 to vector<2x10xf32>
      %swap3A_234 = arith.constant 0 : index
      %swap3A_235 = arith.constant 0 : index
      %swap3A_236 = vector.load %arg12[%swap3A_234, %swap3A_235] : memref<2x10xf32, #tpu.memory_space<vmem>>, vector<2x10xf32>
      tpu.vector_store %arg12[%swap3A_234, %swap3A_235], %broadcast_in_dim3A_233 {strides = array<i32>} : memref<2x10xf32, #tpu.memory_space<vmem>>, vector<2x10xf32>,
      %broadcast_in_dim3A_237 = arith.constant 0.000000e+00 : f32
      %broadcast_in_dim3A_238 = vector.broadcast %broadcast_in_dim3A_237 : f32 to vector<2x10xf32>
      %swap3A_239 = arith.constant 0 : index
      %swap3A_240 = arith.constant 0 : index
      %swap3A_241 = vector.load %arg13[%swap3A_239, %swap3A_240] : memref<2x10xf32, #tpu.memory_space<vmem>>, vector<2x10xf32>
      tpu.vector_store %arg13[%swap3A_239, %swap3A_240], %broadcast_in_dim3A_238 {strides = array<i32>} : memref<2x10xf32, #tpu.memory_space<vmem>>, vector<2x10xf32>,
      %broadcast_in_dim3A_242 = arith.constant 0.000000e+00 : f32
      %broadcast_in_dim3A_243 = vector.broadcast %broadcast_in_dim3A_242 : f32 to vector<2x10x128xf32>
      %swap3A_244 = arith.constant 0 : index
      %swap3A_245 = arith.constant 0 : index
      %swap3A_246 = arith.constant 0 : index
      %swap3A_247 = vector.load %arg14[%swap3A_244, %swap3A_245, %swap3A_246] : memref<2x10x128xf32, #tpu.memory_space<vmem>>, vector<2x10x128xf32>
      tpu.vector_store %arg14[%swap3A_244, %swap3A_245, %swap3A_246], %broadcast_in_dim3A_243 {strides = array<i32>} : memref<2x10x128xf32, #tpu.memory_space<vmem>>, vector<2x10x128xf32>,
    } else {
    }
    %get3A = arith.constant 0 : index
    %get3A_2 = arith.constant 0 : index
    %get3A_3 = vector.load %arg3[%get3A, %get3A_2] : memref<1000x128xf32, #tpu.memory_space<vmem>>, vector<1000x128xf32>
    %get3A_4 = arith.constant 0 : index
    %get3A_5 = arith.constant 0 : index
    %get3A_6 = vector.load %arg4[%get3A_4, %get3A_5] : memref<1000x128xf32, #tpu.memory_space<vmem>>, vector<1000x128xf32>
    %add3A = arith.addf %get3A_3, %get3A_6 : vector<1000x128xf32>
    %get3A_7 = arith.constant 0 : index
    %get3A_8 = arith.constant 0 : index
    %get3A_9 = vector.load %arg5[%get3A_7, %get3A_8] : memref<1000x128xf32, #tpu.memory_space<vmem>>, vector<1000x128xf32>
    %get3A_10 = arith.constant 0 : index
    %get3A_11 = arith.constant 0 : index
    %get3A_12 = vector.load %arg6[%get3A_10, %get3A_11] : memref<1000x128xf32, #tpu.memory_space<vmem>>, vector<1000x128xf32>
    %add3A_13 = arith.addf %get3A_9, %get3A_12 : vector<1000x128xf32>
    %get3A_14 = arith.constant 0 : index
    %get3A_15 = arith.constant 0 : index
    %get3A_16 = arith.constant 0 : index
    %get3A_17 = vector.load %arg2[%get3A_14, %get3A_15, %get3A_16] : memref<2x1000x20xf32, #tpu.memory_space<vmem>>, vector<1x1000x20xf32>
    %get3A_18 = vector.shape_cast %get3A_17 : vector<1x1000x20xf32> to vector<1000x20xf32>
    %get3A_19 = arith.constant 0 : index
    %get3A_20 = arith.constant 0 : index
    %get3A_21 = vector.load %arg7[%get3A_19, %get3A_20] : memref<128x10xf32, #tpu.memory_space<vmem>>, vector<128x10xf32>
    %dot_general3A = arith.constant dense<0.000000e+00> : vector<1000x10xf32>
    %dot_general3A_22 = tpu.matmul %add3A, %get3A_21, %dot_general3A {dimension_numbers = #tpu.dot_dimension_numbers<[1], [0], [0], [1], [0, 0, 1, 1], [], []>, transpose_lhs_hint = false} : vector<1000x128xf32>, vector<128x10xf32>, vector<1000x10xf32> -> vector<1000x10xf32>
    %get3A_23 = arith.constant 0 : index
    %get3A_24 = arith.constant 0 : index
    %get3A_25 = vector.load %arg8[%get3A_23, %get3A_24] : memref<128x10xf32, #tpu.memory_space<vmem>>, vector<128x10xf32>
    %dot_general3A_26 = arith.constant dense<0.000000e+00> : vector<1000x10xf32>
    %dot_general3A_27 = tpu.matmul %add3A, %get3A_25, %dot_general3A_26 {dimension_numbers = #tpu.dot_dimension_numbers<[1], [0], [0], [1], [0, 0, 1, 1], [], []>, transpose_lhs_hint = false} : vector<1000x128xf32>, vector<128x10xf32>, vector<1000x10xf32> -> vector<1000x10xf32>
    %slice3A = vector.extract_strided_slice %get3A_18 {offsets = [0, 0], sizes = [1000, 10], strides = [1, 1]} : vector<1000x20xf32> to vector<1000x10xf32>
    %add3A_28 = arith.addf %slice3A, %dot_general3A_22 : vector<1000x10xf32>
    %get3A_29 = arith.constant 0 : index
    %get3A_30 = arith.constant 0 : index
    %get3A_31 = vector.load %arg9[%get3A_29, %get3A_30] : memref<1x10xf32, #tpu.memory_space<vmem>>, vector<1x10xf32>
    %add3A_32 = vector.broadcast %get3A_31 : vector<1x10xf32> to vector<1000x10xf32>
    %add3A_33 = arith.addf %add3A_28, %add3A_32 : vector<1000x10xf32>
    %reduce_max3A = arith.constant dense<0xFF800000> : vector<1000xf32>
    %reduce_max3A_34 = vector.multi_reduction <maximumf>, %add3A_33, %reduce_max3A [1] : vector<1000x10xf32> to vector<1000xf32>
    %broadcast_in_dim3A = vector.shape_cast %reduce_max3A_34 : vector<1000xf32> to vector<1000x1xf32>
    %sub3A = vector.broadcast %broadcast_in_dim3A : vector<1000x1xf32> to vector<1000x10xf32>
    %sub3A_35 = arith.subf %add3A_33, %sub3A : vector<1000x10xf32>
    %exp3A = math.exp %sub3A_35 : vector<1000x10xf32>
    %reduce_sum3A = arith.constant dense<0.000000e+00> : vector<1000xf32>
    %reduce_sum3A_36 = vector.multi_reduction <add>, %exp3A, %reduce_sum3A [1] : vector<1000x10xf32> to vector<1000xf32>
    %broadcast_in_dim3A_37 = vector.shape_cast %reduce_sum3A_36 : vector<1000xf32> to vector<1000x1xf32>
    %div3A = vector.broadcast %broadcast_in_dim3A_37 : vector<1000x1xf32> to vector<1000x10xf32>
    %div3A_38 = arith.divf %exp3A, %div3A : vector<1000x10xf32>
    %ge3A = arith.constant 1.000000e-01 : f32
    %ge3A_39 = vector.broadcast %ge3A : f32 to vector<1000x10xf32>
    %ge3A_40 = arith.cmpf oge, %div3A_38, %ge3A_39 : vector<1000x10xf32>
    %broadcast_in_dim3A_41 = arith.constant 0.000000e+00 : f32
    %broadcast_in_dim3A_42 = vector.broadcast %broadcast_in_dim3A_41 : f32 to vector<1000x10xf32>
    %select_n3A = arith.select %ge3A_40, %div3A_38, %broadcast_in_dim3A_42 : vector<1000x10xi1>, vector<1000x10xf32>
    %slice3A_43 = vector.extract_strided_slice %get3A_18 {offsets = [0, 10], sizes = [1000, 10], strides = [1, 1]} : vector<1000x20xf32> to vector<1000x10xf32>
    %add3A_44 = arith.addf %slice3A_43, %dot_general3A_27 : vector<1000x10xf32>
    %get3A_45 = arith.constant 0 : index
    %get3A_46 = arith.constant 0 : index
    %get3A_47 = vector.load %arg10[%get3A_45, %get3A_46] : memref<1x10xf32, #tpu.memory_space<vmem>>, vector<1x10xf32>
    %add3A_48 = vector.broadcast %get3A_47 : vector<1x10xf32> to vector<1000x10xf32>
    %add3A_49 = arith.addf %add3A_44, %add3A_48 : vector<1000x10xf32>
    %reduce_max3A_50 = arith.constant dense<0xFF800000> : vector<1000xf32>
    %reduce_max3A_51 = vector.multi_reduction <maximumf>, %add3A_49, %reduce_max3A_50 [1] : vector<1000x10xf32> to vector<1000xf32>
    %broadcast_in_dim3A_52 = vector.shape_cast %reduce_max3A_51 : vector<1000xf32> to vector<1000x1xf32>
    %sub3A_53 = vector.broadcast %broadcast_in_dim3A_52 : vector<1000x1xf32> to vector<1000x10xf32>
    %sub3A_54 = arith.subf %add3A_49, %sub3A_53 : vector<1000x10xf32>
    %exp3A_55 = math.exp %sub3A_54 : vector<1000x10xf32>
    %reduce_sum3A_56 = arith.constant dense<0.000000e+00> : vector<1000xf32>
    %reduce_sum3A_57 = vector.multi_reduction <add>, %exp3A_55, %reduce_sum3A_56 [1] : vector<1000x10xf32> to vector<1000xf32>
    %broadcast_in_dim3A_58 = vector.shape_cast %reduce_sum3A_57 : vector<1000xf32> to vector<1000x1xf32>
    %div3A_59 = vector.broadcast %broadcast_in_dim3A_58 : vector<1000x1xf32> to vector<1000x10xf32>
    %div3A_60 = arith.divf %exp3A_55, %div3A_59 : vector<1000x10xf32>
    %ge3A_61 = arith.constant 1.000000e-01 : f32
    %ge3A_62 = vector.broadcast %ge3A_61 : f32 to vector<1000x10xf32>
    %ge3A_63 = arith.cmpf oge, %div3A_60, %ge3A_62 : vector<1000x10xf32>
    %broadcast_in_dim3A_64 = arith.constant 0.000000e+00 : f32
    %broadcast_in_dim3A_65 = vector.broadcast %broadcast_in_dim3A_64 : f32 to vector<1000x10xf32>
    %select_n3A_66 = arith.select %ge3A_63, %div3A_60, %broadcast_in_dim3A_65 : vector<1000x10xi1>, vector<1000x10xf32>
    %broadcast_in_dim3A_67 = arith.constant 0.000000e+00 : f32
    %broadcast_in_dim3A_68 = vector.broadcast %broadcast_in_dim3A_67 : f32 to vector<1000x6xf32>
    %concatenate3A = tpu.concatenate %select_n3A_66, %broadcast_in_dim3A_68 in 1 : vector<1000x10xf32>, vector<1000x6xf32> -> vector<1000x16xf32>
    %swap3A = arith.constant 0 : index
    %swap3A_69 = arith.constant 0 : index
    %swap3A_70 = arith.constant 0 : index
    %swap3A_71 = vector.load %arg11[%swap3A, %swap3A_69, %swap3A_70] : memref<2x1000x16xf32, #tpu.memory_space<vmem>>, vector<1x1000x16xf32>
    %swap3A_72 = vector.shape_cast %swap3A_71 : vector<1x1000x16xf32> to vector<1000x16xf32>
    %swap3A_73 = vector.shape_cast %concatenate3A : vector<1000x16xf32> to vector<1x1000x16xf32>
    tpu.vector_store %arg11[%swap3A, %swap3A_69, %swap3A_70], %swap3A_73 {strides = array<i32>} : memref<2x1000x16xf32, #tpu.memory_space<vmem>>, vector<1x1000x16xf32>,
    %get3A_74 = arith.constant 0 : index
    %get3A_75 = arith.constant 0 : index
    %get3A_76 = vector.load %arg12[%get3A_74, %get3A_75] : memref<2x10xf32, #tpu.memory_space<vmem>>, vector<1x10xf32>
    %get3A_77 = vector.shape_cast %get3A_76 : vector<1x10xf32> to vector<10xf32>
    %reduce_sum3A_78 = arith.constant dense<0.000000e+00> : vector<10xf32>
    %reduce_sum3A_79 = vector.multi_reduction <add>, %select_n3A, %reduce_sum3A_78 [0] : vector<1000x10xf32> to vector<10xf32>
    %add3A_80 = arith.addf %get3A_77, %reduce_sum3A_79 : vector<10xf32>
    %swap3A_81 = arith.constant 0 : index
    %swap3A_82 = arith.constant 0 : index
    %swap3A_83 = vector.load %arg12[%swap3A_81, %swap3A_82] : memref<2x10xf32, #tpu.memory_space<vmem>>, vector<1x10xf32>
    %swap3A_84 = vector.shape_cast %swap3A_83 : vector<1x10xf32> to vector<10xf32>
    %swap3A_85 = vector.shape_cast %add3A_80 : vector<10xf32> to vector<1x10xf32>
    tpu.vector_store %arg12[%swap3A_81, %swap3A_82], %swap3A_85 {strides = array<i32>} : memref<2x10xf32, #tpu.memory_space<vmem>>, vector<1x10xf32>,
    %get3A_86 = arith.constant 0 : index
    %get3A_87 = arith.constant 0 : index
    %get3A_88 = vector.load %arg13[%get3A_86, %get3A_87] : memref<2x10xf32, #tpu.memory_space<vmem>>, vector<1x10xf32>
    %get3A_89 = vector.shape_cast %get3A_88 : vector<1x10xf32> to vector<10xf32>
    %reduce_sum3A_90 = arith.constant dense<0.000000e+00> : vector<10xf32>
    %reduce_sum3A_91 = vector.multi_reduction <add>, %select_n3A_66, %reduce_sum3A_90 [0] : vector<1000x10xf32> to vector<10xf32>
    %add3A_92 = arith.addf %get3A_89, %reduce_sum3A_91 : vector<10xf32>
    %swap3A_93 = arith.constant 0 : index
    %swap3A_94 = arith.constant 0 : index
    %swap3A_95 = vector.load %arg13[%swap3A_93, %swap3A_94] : memref<2x10xf32, #tpu.memory_space<vmem>>, vector<1x10xf32>
    %swap3A_96 = vector.shape_cast %swap3A_95 : vector<1x10xf32> to vector<10xf32>
    %swap3A_97 = vector.shape_cast %add3A_92 : vector<10xf32> to vector<1x10xf32>
    tpu.vector_store %arg13[%swap3A_93, %swap3A_94], %swap3A_97 {strides = array<i32>} : memref<2x10xf32, #tpu.memory_space<vmem>>, vector<1x10xf32>,
    %get3A_98 = arith.constant 0 : index
    %get3A_99 = arith.constant 0 : index
    %get3A_100 = arith.constant 0 : index
    %get3A_101 = vector.load %arg14[%get3A_98, %get3A_99, %get3A_100] : memref<2x10x128xf32, #tpu.memory_space<vmem>>, vector<1x10x128xf32>
    %get3A_102 = vector.shape_cast %get3A_101 : vector<1x10x128xf32> to vector<10x128xf32>
    %get3A_103 = arith.constant 0 : index
    %get3A_104 = arith.constant 0 : index
    %get3A_105 = arith.constant 0 : index
    %get3A_106 = vector.load %arg1[%get3A_103, %get3A_104, %get3A_105] : memref<2x1000x128xf32, #tpu.memory_space<vmem>>, vector<1x1000x128xf32>
    %get3A_107 = vector.shape_cast %get3A_106 : vector<1x1000x128xf32> to vector<1000x128xf32>
    %dot_general3A_108 = arith.constant dense<0.000000e+00> : vector<10x128xf32>
    %dot_general3A_109 = tpu.matmul %select_n3A_66, %get3A_107, %dot_general3A_108 {dimension_numbers = #tpu.dot_dimension_numbers<[0], [0], [1], [1], [0, 1, 1, 1], [], []>, transpose_lhs_hint = false} : vector<1000x10xf32>, vector<1000x128xf32>, vector<10x128xf32> -> vector<10x128xf32>
    %add3A_110 = arith.addf %get3A_102, %dot_general3A_109 : vector<10x128xf32>
    %swap3A_111 = arith.constant 0 : index
    %swap3A_112 = arith.constant 0 : index
    %swap3A_113 = arith.constant 0 : index
    %swap3A_114 = vector.load %arg14[%swap3A_111, %swap3A_112, %swap3A_113] : memref<2x10x128xf32, #tpu.memory_space<vmem>>, vector<1x10x128xf32>
    %swap3A_115 = vector.shape_cast %swap3A_114 : vector<1x10x128xf32> to vector<10x128xf32>
    %swap3A_116 = vector.shape_cast %add3A_110 : vector<10x128xf32> to vector<1x10x128xf32>
    tpu.vector_store %arg14[%swap3A_111, %swap3A_112, %swap3A_113], %swap3A_116 {strides = array<i32>} : memref<2x10x128xf32, #tpu.memory_space<vmem>>, vector<1x10x128xf32>,
    %get3A_117 = arith.constant 1 : index
    %get3A_118 = arith.constant 0 : index
    %get3A_119 = arith.constant 0 : index
    %get3A_120 = vector.load %arg2[%get3A_117, %get3A_118, %get3A_119] : memref<2x1000x20xf32, #tpu.memory_space<vmem>>, vector<1x1000x20xf32>
    %get3A_121 = vector.shape_cast %get3A_120 : vector<1x1000x20xf32> to vector<1000x20xf32>
    %get3A_122 = arith.constant 0 : index
    %get3A_123 = arith.constant 0 : index
    %get3A_124 = vector.load %arg7[%get3A_122, %get3A_123] : memref<128x10xf32, #tpu.memory_space<vmem>>, vector<128x10xf32>
    %dot_general3A_125 = arith.constant dense<0.000000e+00> : vector<1000x10xf32>
    %dot_general3A_126 = tpu.matmul %add3A_13, %get3A_124, %dot_general3A_125 {dimension_numbers = #tpu.dot_dimension_numbers<[1], [0], [0], [1], [0, 0, 1, 1], [], []>, transpose_lhs_hint = false} : vector<1000x128xf32>, vector<128x10xf32>, vector<1000x10xf32> -> vector<1000x10xf32>
    %get3A_127 = arith.constant 0 : index
    %get3A_128 = arith.constant 0 : index
    %get3A_129 = vector.load %arg8[%get3A_127, %get3A_128] : memref<128x10xf32, #tpu.memory_space<vmem>>, vector<128x10xf32>
    %dot_general3A_130 = arith.constant dense<0.000000e+00> : vector<1000x10xf32>
    %dot_general3A_131 = tpu.matmul %add3A_13, %get3A_129, %dot_general3A_130 {dimension_numbers = #tpu.dot_dimension_numbers<[1], [0], [0], [1], [0, 0, 1, 1], [], []>, transpose_lhs_hint = false} : vector<1000x128xf32>, vector<128x10xf32>, vector<1000x10xf32> -> vector<1000x10xf32>
    %slice3A_132 = vector.extract_strided_slice %get3A_121 {offsets = [0, 0], sizes = [1000, 10], strides = [1, 1]} : vector<1000x20xf32> to vector<1000x10xf32>
    %add3A_133 = arith.addf %slice3A_132, %dot_general3A_126 : vector<1000x10xf32>
    %get3A_134 = arith.constant 0 : index
    %get3A_135 = arith.constant 0 : index
    %get3A_136 = vector.load %arg9[%get3A_134, %get3A_135] : memref<1x10xf32, #tpu.memory_space<vmem>>, vector<1x10xf32>
    %add3A_137 = vector.broadcast %get3A_136 : vector<1x10xf32> to vector<1000x10xf32>
    %add3A_138 = arith.addf %add3A_133, %add3A_137 : vector<1000x10xf32>
    %reduce_max3A_139 = arith.constant dense<0xFF800000> : vector<1000xf32>
    %reduce_max3A_140 = vector.multi_reduction <maximumf>, %add3A_138, %reduce_max3A_139 [1] : vector<1000x10xf32> to vector<1000xf32>
    %broadcast_in_dim3A_141 = vector.shape_cast %reduce_max3A_140 : vector<1000xf32> to vector<1000x1xf32>
    %sub3A_142 = vector.broadcast %broadcast_in_dim3A_141 : vector<1000x1xf32> to vector<1000x10xf32>
    %sub3A_143 = arith.subf %add3A_138, %sub3A_142 : vector<1000x10xf32>
    %exp3A_144 = math.exp %sub3A_143 : vector<1000x10xf32>
    %reduce_sum3A_145 = arith.constant dense<0.000000e+00> : vector<1000xf32>
    %reduce_sum3A_146 = vector.multi_reduction <add>, %exp3A_144, %reduce_sum3A_145 [1] : vector<1000x10xf32> to vector<1000xf32>
    %broadcast_in_dim3A_147 = vector.shape_cast %reduce_sum3A_146 : vector<1000xf32> to vector<1000x1xf32>
    %div3A_148 = vector.broadcast %broadcast_in_dim3A_147 : vector<1000x1xf32> to vector<1000x10xf32>
    %div3A_149 = arith.divf %exp3A_144, %div3A_148 : vector<1000x10xf32>
    %ge3A_150 = arith.constant 1.000000e-01 : f32
    %ge3A_151 = vector.broadcast %ge3A_150 : f32 to vector<1000x10xf32>
    %ge3A_152 = arith.cmpf oge, %div3A_149, %ge3A_151 : vector<1000x10xf32>
    %broadcast_in_dim3A_153 = arith.constant 0.000000e+00 : f32
    %broadcast_in_dim3A_154 = vector.broadcast %broadcast_in_dim3A_153 : f32 to vector<1000x10xf32>
    %select_n3A_155 = arith.select %ge3A_152, %div3A_149, %broadcast_in_dim3A_154 : vector<1000x10xi1>, vector<1000x10xf32>
    %slice3A_156 = vector.extract_strided_slice %get3A_121 {offsets = [0, 10], sizes = [1000, 10], strides = [1, 1]} : vector<1000x20xf32> to vector<1000x10xf32>
    %add3A_157 = arith.addf %slice3A_156, %dot_general3A_131 : vector<1000x10xf32>
    %get3A_158 = arith.constant 0 : index
    %get3A_159 = arith.constant 0 : index
    %get3A_160 = vector.load %arg10[%get3A_158, %get3A_159] : memref<1x10xf32, #tpu.memory_space<vmem>>, vector<1x10xf32>
    %add3A_161 = vector.broadcast %get3A_160 : vector<1x10xf32> to vector<1000x10xf32>
    %add3A_162 = arith.addf %add3A_157, %add3A_161 : vector<1000x10xf32>
    %reduce_max3A_163 = arith.constant dense<0xFF800000> : vector<1000xf32>
    %reduce_max3A_164 = vector.multi_reduction <maximumf>, %add3A_162, %reduce_max3A_163 [1] : vector<1000x10xf32> to vector<1000xf32>
    %broadcast_in_dim3A_165 = vector.shape_cast %reduce_max3A_164 : vector<1000xf32> to vector<1000x1xf32>
    %sub3A_166 = vector.broadcast %broadcast_in_dim3A_165 : vector<1000x1xf32> to vector<1000x10xf32>
    %sub3A_167 = arith.subf %add3A_162, %sub3A_166 : vector<1000x10xf32>
    %exp3A_168 = math.exp %sub3A_167 : vector<1000x10xf32>
    %reduce_sum3A_169 = arith.constant dense<0.000000e+00> : vector<1000xf32>
    %reduce_sum3A_170 = vector.multi_reduction <add>, %exp3A_168, %reduce_sum3A_169 [1] : vector<1000x10xf32> to vector<1000xf32>
    %broadcast_in_dim3A_171 = vector.shape_cast %reduce_sum3A_170 : vector<1000xf32> to vector<1000x1xf32>
    %div3A_172 = vector.broadcast %broadcast_in_dim3A_171 : vector<1000x1xf32> to vector<1000x10xf32>
    %div3A_173 = arith.divf %exp3A_168, %div3A_172 : vector<1000x10xf32>
    %ge3A_174 = arith.constant 1.000000e-01 : f32
    %ge3A_175 = vector.broadcast %ge3A_174 : f32 to vector<1000x10xf32>
    %ge3A_176 = arith.cmpf oge, %div3A_173, %ge3A_175 : vector<1000x10xf32>
    %broadcast_in_dim3A_177 = arith.constant 0.000000e+00 : f32
    %broadcast_in_dim3A_178 = vector.broadcast %broadcast_in_dim3A_177 : f32 to vector<1000x10xf32>
    %select_n3A_179 = arith.select %ge3A_176, %div3A_173, %broadcast_in_dim3A_178 : vector<1000x10xi1>, vector<1000x10xf32>
    %broadcast_in_dim3A_180 = arith.constant 0.000000e+00 : f32
    %broadcast_in_dim3A_181 = vector.broadcast %broadcast_in_dim3A_180 : f32 to vector<1000x6xf32>
    %concatenate3A_182 = tpu.concatenate %select_n3A_179, %broadcast_in_dim3A_181 in 1 : vector<1000x10xf32>, vector<1000x6xf32> -> vector<1000x16xf32>
    %swap3A_183 = arith.constant 1 : index
    %swap3A_184 = arith.constant 0 : index
    %swap3A_185 = arith.constant 0 : index
    %swap3A_186 = vector.load %arg11[%swap3A_183, %swap3A_184, %swap3A_185] : memref<2x1000x16xf32, #tpu.memory_space<vmem>>, vector<1x1000x16xf32>
    %swap3A_187 = vector.shape_cast %swap3A_186 : vector<1x1000x16xf32> to vector<1000x16xf32>
    %swap3A_188 = vector.shape_cast %concatenate3A_182 : vector<1000x16xf32> to vector<1x1000x16xf32>
    tpu.vector_store %arg11[%swap3A_183, %swap3A_184, %swap3A_185], %swap3A_188 {strides = array<i32>} : memref<2x1000x16xf32, #tpu.memory_space<vmem>>, vector<1x1000x16xf32>,
    %get3A_189 = arith.constant 1 : index
    %get3A_190 = arith.constant 0 : index
    %get3A_191 = vector.load %arg12[%get3A_189, %get3A_190] : memref<2x10xf32, #tpu.memory_space<vmem>>, vector<1x10xf32>
    %get3A_192 = vector.shape_cast %get3A_191 : vector<1x10xf32> to vector<10xf32>
    %reduce_sum3A_193 = arith.constant dense<0.000000e+00> : vector<10xf32>
    %reduce_sum3A_194 = vector.multi_reduction <add>, %select_n3A_155, %reduce_sum3A_193 [0] : vector<1000x10xf32> to vector<10xf32>
    %add3A_195 = arith.addf %get3A_192, %reduce_sum3A_194 : vector<10xf32>
    %swap3A_196 = arith.constant 1 : index
    %swap3A_197 = arith.constant 0 : index
    %swap3A_198 = vector.load %arg12[%swap3A_196, %swap3A_197] : memref<2x10xf32, #tpu.memory_space<vmem>>, vector<1x10xf32>
    %swap3A_199 = vector.shape_cast %swap3A_198 : vector<1x10xf32> to vector<10xf32>
    %swap3A_200 = vector.shape_cast %add3A_195 : vector<10xf32> to vector<1x10xf32>
    tpu.vector_store %arg12[%swap3A_196, %swap3A_197], %swap3A_200 {strides = array<i32>} : memref<2x10xf32, #tpu.memory_space<vmem>>, vector<1x10xf32>,
    %get3A_201 = arith.constant 1 : index
    %get3A_202 = arith.constant 0 : index
    %get3A_203 = vector.load %arg13[%get3A_201, %get3A_202] : memref<2x10xf32, #tpu.memory_space<vmem>>, vector<1x10xf32>
    %get3A_204 = vector.shape_cast %get3A_203 : vector<1x10xf32> to vector<10xf32>
    %reduce_sum3A_205 = arith.constant dense<0.000000e+00> : vector<10xf32>
    %reduce_sum3A_206 = vector.multi_reduction <add>, %select_n3A_179, %reduce_sum3A_205 [0] : vector<1000x10xf32> to vector<10xf32>
    %add3A_207 = arith.addf %get3A_204, %reduce_sum3A_206 : vector<10xf32>
    %swap3A_208 = arith.constant 1 : index
    %swap3A_209 = arith.constant 0 : index
    %swap3A_210 = vector.load %arg13[%swap3A_208, %swap3A_209] : memref<2x10xf32, #tpu.memory_space<vmem>>, vector<1x10xf32>
    %swap3A_211 = vector.shape_cast %swap3A_210 : vector<1x10xf32> to vector<10xf32>
    %swap3A_212 = vector.shape_cast %add3A_207 : vector<10xf32> to vector<1x10xf32>
    tpu.vector_store %arg13[%swap3A_208, %swap3A_209], %swap3A_212 {strides = array<i32>} : memref<2x10xf32, #tpu.memory_space<vmem>>, vector<1x10xf32>,
    %get3A_213 = arith.constant 1 : index
    %get3A_214 = arith.constant 0 : index
    %get3A_215 = arith.constant 0 : index
    %get3A_216 = vector.load %arg14[%get3A_213, %get3A_214, %get3A_215] : memref<2x10x128xf32, #tpu.memory_space<vmem>>, vector<1x10x128xf32>
    %get3A_217 = vector.shape_cast %get3A_216 : vector<1x10x128xf32> to vector<10x128xf32>
    %get3A_218 = arith.constant 1 : index
    %get3A_219 = arith.constant 0 : index
    %get3A_220 = arith.constant 0 : index
    %get3A_221 = vector.load %arg1[%get3A_218, %get3A_219, %get3A_220] : memref<2x1000x128xf32, #tpu.memory_space<vmem>>, vector<1x1000x128xf32>
    %get3A_222 = vector.shape_cast %get3A_221 : vector<1x1000x128xf32> to vector<1000x128xf32>
    %dot_general3A_223 = arith.constant dense<0.000000e+00> : vector<10x128xf32>
    %dot_general3A_224 = tpu.matmul %select_n3A_179, %get3A_222, %dot_general3A_223 {dimension_numbers = #tpu.dot_dimension_numbers<[0], [0], [1], [1], [0, 1, 1, 1], [], []>, transpose_lhs_hint = false} : vector<1000x10xf32>, vector<1000x128xf32>, vector<10x128xf32> -> vector<10x128xf32>
    %add3A_225 = arith.addf %get3A_217, %dot_general3A_224 : vector<10x128xf32>
    %swap3A_226 = arith.constant 1 : index
    %swap3A_227 = arith.constant 0 : index
    %swap3A_228 = arith.constant 0 : index
    %swap3A_229 = vector.load %arg14[%swap3A_226, %swap3A_227, %swap3A_228] : memref<2x10x128xf32, #tpu.memory_space<vmem>>, vector<1x10x128xf32>
    %swap3A_230 = vector.shape_cast %swap3A_229 : vector<1x10x128xf32> to vector<10x128xf32>
    %swap3A_231 = vector.shape_cast %add3A_225 : vector<10x128xf32> to vector<1x10x128xf32>
    tpu.vector_store %arg14[%swap3A_226, %swap3A_227, %swap3A_228], %swap3A_231 {strides = array<i32>} : memref<2x10x128xf32, #tpu.memory_space<vmem>>, vector<1x10x128xf32>,
    return
  }
  func.func @transform_0(%arg0: i32) -> (i32, i32, i32) {
    %c0_i32 = arith.constant 0 : i32
    %c0_i32_0 = arith.constant 0 : i32
    %c0_i32_1 = arith.constant 0 : i32
    return %c0_i32, %arg0, %c0_i32_0 : i32, i32, i32
  }
  func.func @transform_1(%arg0: i32) -> (i32, i32, i32) {
    %c0_i32 = arith.constant 0 : i32
    %c0_i32_0 = arith.constant 0 : i32
    %c0_i32_1 = arith.constant 0 : i32
    return %c0_i32, %arg0, %c0_i32_0 : i32, i32, i32
  }
  func.func @transform_2(%arg0: i32) -> (i32, i32) {
    %c0_i32 = arith.constant 0 : i32
    %c0_i32_0 = arith.constant 0 : i32
    return %arg0, %c0_i32 : i32, i32
  }
  func.func @transform_3(%arg0: i32) -> (i32, i32) {
    %c0_i32 = arith.constant 0 : i32
    %c0_i32_0 = arith.constant 0 : i32
    return %arg0, %c0_i32 : i32, i32
  }
  func.func @transform_4(%arg0: i32) -> (i32, i32) {
    %c0_i32 = arith.constant 0 : i32
    %c0_i32_0 = arith.constant 0 : i32
    return %arg0, %c0_i32 : i32, i32
  }
  func.func @transform_5(%arg0: i32) -> (i32, i32) {
    %c0_i32 = arith.constant 0 : i32
    %c0_i32_0 = arith.constant 0 : i32
    return %arg0, %c0_i32 : i32, i32
  }
  func.func @transform_6(%arg0: i32) -> (i32, i32) {
    %c0_i32 = arith.constant 0 : i32
    %c0_i32_0 = arith.constant 0 : i32
    %c0_i32_1 = arith.constant 0 : i32
    return %c0_i32, %c0_i32_0 : i32, i32
  }
  func.func @transform_7(%arg0: i32) -> (i32, i32) {
    %c0_i32 = arith.constant 0 : i32
    %c0_i32_0 = arith.constant 0 : i32
    %c0_i32_1 = arith.constant 0 : i32
    return %c0_i32, %c0_i32_0 : i32, i32
  }
  func.func @transform_8(%arg0: i32) -> (i32, i32) {
    %c0_i32 = arith.constant 0 : i32
    %c0_i32_0 = arith.constant 0 : i32
    %c0_i32_1 = arith.constant 0 : i32
    return %c0_i32, %c0_i32_0 : i32, i32
  }
  func.func @transform_9(%arg0: i32) -> (i32, i32) {
    %c0_i32 = arith.constant 0 : i32
    %c0_i32_0 = arith.constant 0 : i32
    %c0_i32_1 = arith.constant 0 : i32
    return %c0_i32, %c0_i32_0 : i32, i32
  }
  func.func @transform_10(%arg0: i32) -> (i32, i32, i32) {
    %c0_i32 = arith.constant 0 : i32
    %c0_i32_0 = arith.constant 0 : i32
    %c0_i32_1 = arith.constant 0 : i32
    return %c0_i32, %arg0, %c0_i32_0 : i32, i32, i32
  }
  func.func @transform_11(%arg0: i32) -> (i32, i32) {
    %c0_i32 = arith.constant 0 : i32
    %c0_i32_0 = arith.constant 0 : i32
    %c0_i32_1 = arith.constant 0 : i32
    return %c0_i32, %c0_i32_0 : i32, i32
  }
  func.func @transform_12(%arg0: i32) -> (i32, i32) {
    %c0_i32 = arith.constant 0 : i32
    %c0_i32_0 = arith.constant 0 : i32
    %c0_i32_1 = arith.constant 0 : i32
    return %c0_i32, %c0_i32_0 : i32, i32
  }
  func.func @transform_13(%arg0: i32) -> (i32, i32, i32) {
    %c0_i32 = arith.constant 0 : i32
    %c0_i32_0 = arith.constant 0 : i32
    %c0_i32_1 = arith.constant 0 : i32
    %c0_i32_2 = arith.constant 0 : i32
    return %c0_i32, %c0_i32_0, %c0_i32_1 : i32, i32, i32
  }
}

module attributes {stable_mosaic.version = 14 : i64} {
  func.func @_fin_body(%arg0: i32, %arg1: memref<1000x16xf32, #tpu.memory_space<vmem>>, %arg2: memref<1000x16xf32, #tpu.memory_space<vmem>>, %arg3: memref<1000x16xf32, #tpu.memory_space<vmem>>, %arg4: memref<1000x16xf32, #tpu.memory_space<vmem>>, %arg5: memref<2x1000x16xf32, #tpu.memory_space<vmem>>, %arg6: memref<2x10xf32, #tpu.memory_space<vmem>>, %arg7: memref<2x10xf32, #tpu.memory_space<vmem>>, %arg8: memref<2x10x128xf32, #tpu.memory_space<vmem>>, %arg9: memref<128x10xf32, #tpu.memory_space<vmem>>, %arg10: memref<128x10xf32, #tpu.memory_space<vmem>>, %arg11: memref<1x10xf32, #tpu.memory_space<vmem>>, %arg12: memref<30x2xf32, #tpu.memory_space<vmem>>, %arg13: memref<1x2xf32, #tpu.memory_space<vmem>>, %arg14: memref<2x10x10xf32, #tpu.memory_space<vmem>>, %arg15: memref<2x2xf32, #tpu.memory_space<vmem>>) attributes {dimension_semantics = [#tpu.dimension_semantics<arbitrary>], iteration_bounds = array<i64: 10>, scalar_prefetch = 0 : i64, scratch_operands = 0 : i64, tpu.core_type = #tpu.core_type<tc>, window_params = [{transform_indices = @transform_0, window_bounds = array<i64: 1000, 16>}, {transform_indices = @transform_1, window_bounds = array<i64: 1000, 16>}, {transform_indices = @transform_2, window_bounds = array<i64: 1000, 16>}, {transform_indices = @transform_3, window_bounds = array<i64: 1000, 16>}, {transform_indices = @transform_4, window_bounds = array<i64: 2, 1000, 16>}, {pipeline_mode = #tpu.pipeline_mode<synchronous>, transform_indices = @transform_5, window_bounds = array<i64: 2, 10>}, {pipeline_mode = #tpu.pipeline_mode<synchronous>, transform_indices = @transform_6, window_bounds = array<i64: 2, 10>}, {pipeline_mode = #tpu.pipeline_mode<synchronous>, transform_indices = @transform_7, window_bounds = array<i64: 2, 10, 128>}, {pipeline_mode = #tpu.pipeline_mode<synchronous>, transform_indices = @transform_8, window_bounds = array<i64: 128, 10>}, {pipeline_mode = #tpu.pipeline_mode<synchronous>, transform_indices = @transform_9, window_bounds = array<i64: 128, 10>}, {pipeline_mode = #tpu.pipeline_mode<synchronous>, transform_indices = @transform_10, window_bounds = array<i64: 1, 10>}, {pipeline_mode = #tpu.pipeline_mode<synchronous>, transform_indices = @transform_11, window_bounds = array<i64: 30, 2>}, {pipeline_mode = #tpu.pipeline_mode<synchronous>, transform_indices = @transform_12, window_bounds = array<i64: 1, 2>}, {pipeline_mode = #tpu.pipeline_mode<synchronous>, transform_indices = @transform_13, window_bounds = array<i64: 2, 10, 10>}, {pipeline_mode = #tpu.pipeline_mode<synchronous>, transform_indices = @transform_14, window_bounds = array<i64: 2, 2>}]} {
    %eq3A = arith.constant 0 : i32
    %eq3A_0 = arith.cmpi eq, %arg0, %eq3A : i32
    %convert_element_type3A = arith.extui %eq3A_0 : i1 to i32
    %cond3A = arith.constant 0 : i32
    %cond3A_1 = arith.cmpi ne, %convert_element_type3A, %cond3A : i32
    scf.if %cond3A_1 {
      %broadcast_in_dim3A = arith.constant 0.000000e+00 : f32
      %broadcast_in_dim3A_58 = vector.broadcast %broadcast_in_dim3A : f32 to vector<2x10x10xf32>
      %swap3A_59 = arith.constant 0 : index
      %swap3A_60 = arith.constant 0 : index
      %swap3A_61 = arith.constant 0 : index
      %swap3A_62 = vector.load %arg14[%swap3A_59, %swap3A_60, %swap3A_61] : memref<2x10x10xf32, #tpu.memory_space<vmem>>, vector<2x10x10xf32>
      tpu.vector_store %arg14[%swap3A_59, %swap3A_60, %swap3A_61], %broadcast_in_dim3A_58 {strides = array<i32>} : memref<2x10x10xf32, #tpu.memory_space<vmem>>, vector<2x10x10xf32>,
    } else {
    }
    %get3A = arith.constant 0 : index
    %get3A_2 = arith.constant 0 : index
    %get3A_3 = vector.load %arg1[%get3A, %get3A_2] : memref<1000x16xf32, #tpu.memory_space<vmem>>, vector<1000x16xf32>
    %get3A_4 = arith.constant 0 : index
    %get3A_5 = arith.constant 0 : index
    %get3A_6 = vector.load %arg2[%get3A_4, %get3A_5] : memref<1000x16xf32, #tpu.memory_space<vmem>>, vector<1000x16xf32>
    %add3A = arith.addf %get3A_3, %get3A_6 : vector<1000x16xf32>
    %get3A_7 = arith.constant 0 : index
    %get3A_8 = arith.constant 0 : index
    %get3A_9 = vector.load %arg3[%get3A_7, %get3A_8] : memref<1000x16xf32, #tpu.memory_space<vmem>>, vector<1000x16xf32>
    %get3A_10 = arith.constant 0 : index
    %get3A_11 = arith.constant 0 : index
    %get3A_12 = vector.load %arg4[%get3A_10, %get3A_11] : memref<1000x16xf32, #tpu.memory_space<vmem>>, vector<1000x16xf32>
    %add3A_13 = arith.addf %get3A_9, %get3A_12 : vector<1000x16xf32>
    %slice3A = vector.extract_strided_slice %add3A {offsets = [0, 0], sizes = [1000, 10], strides = [1, 1]} : vector<1000x16xf32> to vector<1000x10xf32>
    %get3A_14 = arith.constant 0 : index
    %get3A_15 = arith.constant 0 : index
    %get3A_16 = arith.constant 0 : index
    %get3A_17 = vector.load %arg14[%get3A_14, %get3A_15, %get3A_16] : memref<2x10x10xf32, #tpu.memory_space<vmem>>, vector<1x10x10xf32>
    %get3A_18 = vector.shape_cast %get3A_17 : vector<1x10x10xf32> to vector<10x10xf32>
    %get3A_19 = arith.constant 0 : index
    %get3A_20 = arith.constant 0 : index
    %get3A_21 = arith.constant 0 : index
    %get3A_22 = vector.load %arg5[%get3A_19, %get3A_20, %get3A_21] : memref<2x1000x16xf32, #tpu.memory_space<vmem>>, vector<1x1000x16xf32>
    %get3A_23 = vector.shape_cast %get3A_22 : vector<1x1000x16xf32> to vector<1000x16xf32>
    %slice3A_24 = vector.extract_strided_slice %get3A_23 {offsets = [0, 0], sizes = [1000, 10], strides = [1, 1]} : vector<1000x16xf32> to vector<1000x10xf32>
    %dot_general3A = arith.constant dense<0.000000e+00> : vector<10x10xf32>
    %dot_general3A_25 = tpu.matmul %slice3A, %slice3A_24, %dot_general3A {dimension_numbers = #tpu.dot_dimension_numbers<[0], [0], [1], [1], [0, 1, 1, 1], [], []>, transpose_lhs_hint = false} : vector<1000x10xf32>, vector<1000x10xf32>, vector<10x10xf32> -> vector<10x10xf32>
    %add3A_26 = arith.addf %get3A_18, %dot_general3A_25 : vector<10x10xf32>
    %swap3A = arith.constant 0 : index
    %swap3A_27 = arith.constant 0 : index
    %swap3A_28 = arith.constant 0 : index
    %swap3A_29 = vector.load %arg14[%swap3A, %swap3A_27, %swap3A_28] : memref<2x10x10xf32, #tpu.memory_space<vmem>>, vector<1x10x10xf32>
    %swap3A_30 = vector.shape_cast %swap3A_29 : vector<1x10x10xf32> to vector<10x10xf32>
    %swap3A_31 = vector.shape_cast %add3A_26 : vector<10x10xf32> to vector<1x10x10xf32>
    tpu.vector_store %arg14[%swap3A, %swap3A_27, %swap3A_28], %swap3A_31 {strides = array<i32>} : memref<2x10x10xf32, #tpu.memory_space<vmem>>, vector<1x10x10xf32>,
    %slice3A_32 = vector.extract_strided_slice %add3A_13 {offsets = [0, 0], sizes = [1000, 10], strides = [1, 1]} : vector<1000x16xf32> to vector<1000x10xf32>
    %get3A_33 = arith.constant 1 : index
    %get3A_34 = arith.constant 0 : index
    %get3A_35 = arith.constant 0 : index
    %get3A_36 = vector.load %arg14[%get3A_33, %get3A_34, %get3A_35] : memref<2x10x10xf32, #tpu.memory_space<vmem>>, vector<1x10x10xf32>
    %get3A_37 = vector.shape_cast %get3A_36 : vector<1x10x10xf32> to vector<10x10xf32>
    %get3A_38 = arith.constant 1 : index
    %get3A_39 = arith.constant 0 : index
    %get3A_40 = arith.constant 0 : index
    %get3A_41 = vector.load %arg5[%get3A_38, %get3A_39, %get3A_40] : memref<2x1000x16xf32, #tpu.memory_space<vmem>>, vector<1x1000x16xf32>
    %get3A_42 = vector.shape_cast %get3A_41 : vector<1x1000x16xf32> to vector<1000x16xf32>
    %slice3A_43 = vector.extract_strided_slice %get3A_42 {offsets = [0, 0], sizes = [1000, 10], strides = [1, 1]} : vector<1000x16xf32> to vector<1000x10xf32>
    %dot_general3A_44 = arith.constant dense<0.000000e+00> : vector<10x10xf32>
    %dot_general3A_45 = tpu.matmul %slice3A_32, %slice3A_43, %dot_general3A_44 {dimension_numbers = #tpu.dot_dimension_numbers<[0], [0], [1], [1], [0, 1, 1, 1], [], []>, transpose_lhs_hint = false} : vector<1000x10xf32>, vector<1000x10xf32>, vector<10x10xf32> -> vector<10x10xf32>
    %add3A_46 = arith.addf %get3A_37, %dot_general3A_45 : vector<10x10xf32>
    %swap3A_47 = arith.constant 1 : index
    %swap3A_48 = arith.constant 0 : index
    %swap3A_49 = arith.constant 0 : index
    %swap3A_50 = vector.load %arg14[%swap3A_47, %swap3A_48, %swap3A_49] : memref<2x10x10xf32, #tpu.memory_space<vmem>>, vector<1x10x10xf32>
    %swap3A_51 = vector.shape_cast %swap3A_50 : vector<1x10x10xf32> to vector<10x10xf32>
    %swap3A_52 = vector.shape_cast %add3A_46 : vector<10x10xf32> to vector<1x10x10xf32>
    tpu.vector_store %arg14[%swap3A_47, %swap3A_48, %swap3A_49], %swap3A_52 {strides = array<i32>} : memref<2x10x10xf32, #tpu.memory_space<vmem>>, vector<1x10x10xf32>,
    %eq3A_53 = arith.constant 9 : i32
    %eq3A_54 = arith.cmpi eq, %arg0, %eq3A_53 : i32
    %convert_element_type3A_55 = arith.extui %eq3A_54 : i1 to i32
    %cond3A_56 = arith.constant 0 : i32
    %cond3A_57 = arith.cmpi ne, %convert_element_type3A_55, %cond3A_56 : i32
    scf.if %cond3A_57 {
      %get3A_58 = arith.constant 0 : index
      %get3A_59 = arith.constant 0 : index
      %get3A_60 = vector.load %arg6[%get3A_58, %get3A_59] : memref<2x10xf32, #tpu.memory_space<vmem>>, vector<1x10xf32>
      %get3A_61 = vector.shape_cast %get3A_60 : vector<1x10xf32> to vector<10xf32>
      %reshape3A = vector.shape_cast %get3A_61 : vector<10xf32> to vector<1x10xf32>
      %mul3A = arith.constant 9.99999974E-5 : f32
      %mul3A_62 = vector.broadcast %mul3A : f32 to vector<1x10xf32>
      %mul3A_63 = arith.mulf %reshape3A, %mul3A_62 : vector<1x10xf32>
      %get3A_64 = arith.constant 0 : index
      %get3A_65 = arith.constant 0 : index
      %get3A_66 = vector.load %arg7[%get3A_64, %get3A_65] : memref<2x10xf32, #tpu.memory_space<vmem>>, vector<1x10xf32>
      %get3A_67 = vector.shape_cast %get3A_66 : vector<1x10xf32> to vector<10xf32>
      %reshape3A_68 = vector.shape_cast %get3A_67 : vector<10xf32> to vector<1x10xf32>
      %mul3A_69 = arith.constant 9.99999974E-5 : f32
      %mul3A_70 = vector.broadcast %mul3A_69 : f32 to vector<1x10xf32>
      %mul3A_71 = arith.mulf %reshape3A_68, %mul3A_70 : vector<1x10xf32>
      %get3A_72 = arith.constant 0 : index
      %get3A_73 = arith.constant 0 : index
      %get3A_74 = arith.constant 0 : index
      %get3A_75 = vector.load %arg14[%get3A_72, %get3A_73, %get3A_74] : memref<2x10x10xf32, #tpu.memory_space<vmem>>, vector<1x10x10xf32>
      %get3A_76 = vector.shape_cast %get3A_75 : vector<1x10x10xf32> to vector<10x10xf32>
      %get3A_77 = arith.constant 0 : index
      %get3A_78 = arith.constant 0 : index
      %get3A_79 = arith.constant 0 : index
      %get3A_80 = vector.load %arg8[%get3A_77, %get3A_78, %get3A_79] : memref<2x10x128xf32, #tpu.memory_space<vmem>>, vector<1x10x128xf32>
      %get3A_81 = vector.shape_cast %get3A_80 : vector<1x10x128xf32> to vector<10x128xf32>
      %dot_general3A_82 = arith.constant dense<0.000000e+00> : vector<10x128xf32>
      %dot_general3A_83 = tpu.matmul %get3A_76, %get3A_81, %dot_general3A_82 {dimension_numbers = #tpu.dot_dimension_numbers<[1], [0], [0], [1], [0, 0, 1, 1], [], []>, transpose_lhs_hint = false} : vector<10x10xf32>, vector<10x128xf32>, vector<10x128xf32> -> vector<10x128xf32>
      %get3A_84 = arith.constant 0 : index
      %get3A_85 = arith.constant 0 : index
      %get3A_86 = vector.load %arg9[%get3A_84, %get3A_85] : memref<128x10xf32, #tpu.memory_space<vmem>>, vector<128x10xf32>
      %dot_general3A_87 = arith.constant dense<0.000000e+00> : vector<10x10xf32>
      %dot_general3A_88 = tpu.matmul %get3A_81, %get3A_86, %dot_general3A_87 {dimension_numbers = #tpu.dot_dimension_numbers<[1], [0], [0], [1], [0, 0, 1, 1], [], []>, transpose_lhs_hint = false} : vector<10x128xf32>, vector<128x10xf32>, vector<10x10xf32> -> vector<10x10xf32>
      %get3A_89 = arith.constant 0 : index
      %get3A_90 = arith.constant 0 : index
      %get3A_91 = vector.load %arg10[%get3A_89, %get3A_90] : memref<128x10xf32, #tpu.memory_space<vmem>>, vector<128x10xf32>
      %dot_general3A_92 = arith.constant dense<0.000000e+00> : vector<10x10xf32>
      %dot_general3A_93 = tpu.matmul %dot_general3A_83, %get3A_91, %dot_general3A_92 {dimension_numbers = #tpu.dot_dimension_numbers<[1], [0], [0], [1], [0, 0, 1, 1], [], []>, transpose_lhs_hint = false} : vector<10x128xf32>, vector<128x10xf32>, vector<10x10xf32> -> vector<10x10xf32>
      %add3A_94 = arith.addf %dot_general3A_88, %dot_general3A_93 : vector<10x10xf32>
      %get3A_95 = arith.constant 0 : index
      %get3A_96 = arith.constant 0 : index
      %get3A_97 = vector.load %arg11[%get3A_95, %get3A_96] : memref<1x10xf32, #tpu.memory_space<vmem>>, vector<1x10xf32>
      %add3A_98 = vector.broadcast %get3A_97 : vector<1x10xf32> to vector<10x10xf32>
      %add3A_99 = arith.addf %add3A_94, %add3A_98 : vector<10x10xf32>
      %reduce_max3A = arith.constant dense<0xFF800000> : vector<10xf32>
      %reduce_max3A_100 = vector.multi_reduction <maximumf>, %add3A_99, %reduce_max3A [1] : vector<10x10xf32> to vector<10xf32>
      %broadcast_in_dim3A = vector.shape_cast %reduce_max3A_100 : vector<10xf32> to vector<10x1xf32>
      %sub3A = vector.broadcast %broadcast_in_dim3A : vector<10x1xf32> to vector<10x10xf32>
      %sub3A_101 = arith.subf %add3A_99, %sub3A : vector<10x10xf32>
      %exp3A = math.exp %sub3A_101 : vector<10x10xf32>
      %reduce_sum3A = arith.constant dense<0.000000e+00> : vector<10xf32>
      %reduce_sum3A_102 = vector.multi_reduction <add>, %exp3A, %reduce_sum3A [1] : vector<10x10xf32> to vector<10xf32>
      %broadcast_in_dim3A_103 = vector.shape_cast %reduce_sum3A_102 : vector<10xf32> to vector<10x1xf32>
      %div3A = vector.broadcast %broadcast_in_dim3A_103 : vector<10x1xf32> to vector<10x10xf32>
      %div3A_104 = arith.divf %exp3A, %div3A : vector<10x10xf32>
      %ge3A = arith.constant 1.000000e-01 : f32
      %ge3A_105 = vector.broadcast %ge3A : f32 to vector<10x10xf32>
      %ge3A_106 = arith.cmpf oge, %div3A_104, %ge3A_105 : vector<10x10xf32>
      %broadcast_in_dim3A_107 = arith.constant 0.000000e+00 : f32
      %broadcast_in_dim3A_108 = vector.broadcast %broadcast_in_dim3A_107 : f32 to vector<10x10xf32>
      %select_n3A = arith.select %ge3A_106, %div3A_104, %broadcast_in_dim3A_108 : vector<10x10xi1>, vector<10x10xf32>
      %reduce_sum3A_109 = arith.constant dense<0.000000e+00> : vector<10xf32>
      %reduce_sum3A_110 = vector.multi_reduction <add>, %select_n3A, %reduce_sum3A_109 [0] : vector<10x10xf32> to vector<10xf32>
      %broadcast_in_dim3A_111 = vector.shape_cast %reduce_sum3A_110 : vector<10xf32> to vector<1x10xf32>
      %mul3A_112 = arith.constant 1.000000e-01 : f32
      %mul3A_113 = vector.broadcast %mul3A_112 : f32 to vector<1x10xf32>
      %mul3A_114 = arith.mulf %broadcast_in_dim3A_111, %mul3A_113 : vector<1x10xf32>
      %concatenate3A = tpu.concatenate %mul3A_63, %mul3A_71, %mul3A_114 in 1 : vector<1x10xf32>, vector<1x10xf32>, vector<1x10xf32> -> vector<1x30xf32>
      %get3A_115 = arith.constant 0 : index
      %get3A_116 = arith.constant 0 : index
      %get3A_117 = vector.load %arg12[%get3A_115, %get3A_116] : memref<30x2xf32, #tpu.memory_space<vmem>>, vector<30x2xf32>
      %dot_general3A_118 = arith.constant dense<0.000000e+00> : vector<1x2xf32>
      %dot_general3A_119 = tpu.matmul %concatenate3A, %get3A_117, %dot_general3A_118 {dimension_numbers = #tpu.dot_dimension_numbers<[1], [0], [0], [1], [0, 0, 1, 1], [], []>, transpose_lhs_hint = false} : vector<1x30xf32>, vector<30x2xf32>, vector<1x2xf32> -> vector<1x2xf32>
      %get3A_120 = arith.constant 0 : index
      %get3A_121 = arith.constant 0 : index
      %get3A_122 = vector.load %arg13[%get3A_120, %get3A_121] : memref<1x2xf32, #tpu.memory_space<vmem>>, vector<1x2xf32>
      %add3A_123 = arith.addf %dot_general3A_119, %get3A_122 : vector<1x2xf32>
      %get3A_124 = arith.constant 1 : index
      %get3A_125 = arith.constant 0 : index
      %get3A_126 = vector.load %arg6[%get3A_124, %get3A_125] : memref<2x10xf32, #tpu.memory_space<vmem>>, vector<1x10xf32>
      %get3A_127 = vector.shape_cast %get3A_126 : vector<1x10xf32> to vector<10xf32>
      %reshape3A_128 = vector.shape_cast %get3A_127 : vector<10xf32> to vector<1x10xf32>
      %mul3A_129 = arith.constant 9.99999974E-5 : f32
      %mul3A_130 = vector.broadcast %mul3A_129 : f32 to vector<1x10xf32>
      %mul3A_131 = arith.mulf %reshape3A_128, %mul3A_130 : vector<1x10xf32>
      %get3A_132 = arith.constant 1 : index
      %get3A_133 = arith.constant 0 : index
      %get3A_134 = vector.load %arg7[%get3A_132, %get3A_133] : memref<2x10xf32, #tpu.memory_space<vmem>>, vector<1x10xf32>
      %get3A_135 = vector.shape_cast %get3A_134 : vector<1x10xf32> to vector<10xf32>
      %reshape3A_136 = vector.shape_cast %get3A_135 : vector<10xf32> to vector<1x10xf32>
      %mul3A_137 = arith.constant 9.99999974E-5 : f32
      %mul3A_138 = vector.broadcast %mul3A_137 : f32 to vector<1x10xf32>
      %mul3A_139 = arith.mulf %reshape3A_136, %mul3A_138 : vector<1x10xf32>
      %get3A_140 = arith.constant 1 : index
      %get3A_141 = arith.constant 0 : index
      %get3A_142 = arith.constant 0 : index
      %get3A_143 = vector.load %arg14[%get3A_140, %get3A_141, %get3A_142] : memref<2x10x10xf32, #tpu.memory_space<vmem>>, vector<1x10x10xf32>
      %get3A_144 = vector.shape_cast %get3A_143 : vector<1x10x10xf32> to vector<10x10xf32>
      %get3A_145 = arith.constant 1 : index
      %get3A_146 = arith.constant 0 : index
      %get3A_147 = arith.constant 0 : index
      %get3A_148 = vector.load %arg8[%get3A_145, %get3A_146, %get3A_147] : memref<2x10x128xf32, #tpu.memory_space<vmem>>, vector<1x10x128xf32>
      %get3A_149 = vector.shape_cast %get3A_148 : vector<1x10x128xf32> to vector<10x128xf32>
      %dot_general3A_150 = arith.constant dense<0.000000e+00> : vector<10x128xf32>
      %dot_general3A_151 = tpu.matmul %get3A_144, %get3A_149, %dot_general3A_150 {dimension_numbers = #tpu.dot_dimension_numbers<[1], [0], [0], [1], [0, 0, 1, 1], [], []>, transpose_lhs_hint = false} : vector<10x10xf32>, vector<10x128xf32>, vector<10x128xf32> -> vector<10x128xf32>
      %get3A_152 = arith.constant 0 : index
      %get3A_153 = arith.constant 0 : index
      %get3A_154 = vector.load %arg9[%get3A_152, %get3A_153] : memref<128x10xf32, #tpu.memory_space<vmem>>, vector<128x10xf32>
      %dot_general3A_155 = arith.constant dense<0.000000e+00> : vector<10x10xf32>
      %dot_general3A_156 = tpu.matmul %get3A_149, %get3A_154, %dot_general3A_155 {dimension_numbers = #tpu.dot_dimension_numbers<[1], [0], [0], [1], [0, 0, 1, 1], [], []>, transpose_lhs_hint = false} : vector<10x128xf32>, vector<128x10xf32>, vector<10x10xf32> -> vector<10x10xf32>
      %get3A_157 = arith.constant 0 : index
      %get3A_158 = arith.constant 0 : index
      %get3A_159 = vector.load %arg10[%get3A_157, %get3A_158] : memref<128x10xf32, #tpu.memory_space<vmem>>, vector<128x10xf32>
      %dot_general3A_160 = arith.constant dense<0.000000e+00> : vector<10x10xf32>
      %dot_general3A_161 = tpu.matmul %dot_general3A_151, %get3A_159, %dot_general3A_160 {dimension_numbers = #tpu.dot_dimension_numbers<[1], [0], [0], [1], [0, 0, 1, 1], [], []>, transpose_lhs_hint = false} : vector<10x128xf32>, vector<128x10xf32>, vector<10x10xf32> -> vector<10x10xf32>
      %add3A_162 = arith.addf %dot_general3A_156, %dot_general3A_161 : vector<10x10xf32>
      %get3A_163 = arith.constant 0 : index
      %get3A_164 = arith.constant 0 : index
      %get3A_165 = vector.load %arg11[%get3A_163, %get3A_164] : memref<1x10xf32, #tpu.memory_space<vmem>>, vector<1x10xf32>
      %add3A_166 = vector.broadcast %get3A_165 : vector<1x10xf32> to vector<10x10xf32>
      %add3A_167 = arith.addf %add3A_162, %add3A_166 : vector<10x10xf32>
      %reduce_max3A_168 = arith.constant dense<0xFF800000> : vector<10xf32>
      %reduce_max3A_169 = vector.multi_reduction <maximumf>, %add3A_167, %reduce_max3A_168 [1] : vector<10x10xf32> to vector<10xf32>
      %broadcast_in_dim3A_170 = vector.shape_cast %reduce_max3A_169 : vector<10xf32> to vector<10x1xf32>
      %sub3A_171 = vector.broadcast %broadcast_in_dim3A_170 : vector<10x1xf32> to vector<10x10xf32>
      %sub3A_172 = arith.subf %add3A_167, %sub3A_171 : vector<10x10xf32>
      %exp3A_173 = math.exp %sub3A_172 : vector<10x10xf32>
      %reduce_sum3A_174 = arith.constant dense<0.000000e+00> : vector<10xf32>
      %reduce_sum3A_175 = vector.multi_reduction <add>, %exp3A_173, %reduce_sum3A_174 [1] : vector<10x10xf32> to vector<10xf32>
      %broadcast_in_dim3A_176 = vector.shape_cast %reduce_sum3A_175 : vector<10xf32> to vector<10x1xf32>
      %div3A_177 = vector.broadcast %broadcast_in_dim3A_176 : vector<10x1xf32> to vector<10x10xf32>
      %div3A_178 = arith.divf %exp3A_173, %div3A_177 : vector<10x10xf32>
      %ge3A_179 = arith.constant 1.000000e-01 : f32
      %ge3A_180 = vector.broadcast %ge3A_179 : f32 to vector<10x10xf32>
      %ge3A_181 = arith.cmpf oge, %div3A_178, %ge3A_180 : vector<10x10xf32>
      %broadcast_in_dim3A_182 = arith.constant 0.000000e+00 : f32
      %broadcast_in_dim3A_183 = vector.broadcast %broadcast_in_dim3A_182 : f32 to vector<10x10xf32>
      %select_n3A_184 = arith.select %ge3A_181, %div3A_178, %broadcast_in_dim3A_183 : vector<10x10xi1>, vector<10x10xf32>
      %reduce_sum3A_185 = arith.constant dense<0.000000e+00> : vector<10xf32>
      %reduce_sum3A_186 = vector.multi_reduction <add>, %select_n3A_184, %reduce_sum3A_185 [0] : vector<10x10xf32> to vector<10xf32>
      %broadcast_in_dim3A_187 = vector.shape_cast %reduce_sum3A_186 : vector<10xf32> to vector<1x10xf32>
      %mul3A_188 = arith.constant 1.000000e-01 : f32
      %mul3A_189 = vector.broadcast %mul3A_188 : f32 to vector<1x10xf32>
      %mul3A_190 = arith.mulf %broadcast_in_dim3A_187, %mul3A_189 : vector<1x10xf32>
      %concatenate3A_191 = tpu.concatenate %mul3A_131, %mul3A_139, %mul3A_190 in 1 : vector<1x10xf32>, vector<1x10xf32>, vector<1x10xf32> -> vector<1x30xf32>
      %get3A_192 = arith.constant 0 : index
      %get3A_193 = arith.constant 0 : index
      %get3A_194 = vector.load %arg12[%get3A_192, %get3A_193] : memref<30x2xf32, #tpu.memory_space<vmem>>, vector<30x2xf32>
      %dot_general3A_195 = arith.constant dense<0.000000e+00> : vector<1x2xf32>
      %dot_general3A_196 = tpu.matmul %concatenate3A_191, %get3A_194, %dot_general3A_195 {dimension_numbers = #tpu.dot_dimension_numbers<[1], [0], [0], [1], [0, 0, 1, 1], [], []>, transpose_lhs_hint = false} : vector<1x30xf32>, vector<30x2xf32>, vector<1x2xf32> -> vector<1x2xf32>
      %get3A_197 = arith.constant 0 : index
      %get3A_198 = arith.constant 0 : index
      %get3A_199 = vector.load %arg13[%get3A_197, %get3A_198] : memref<1x2xf32, #tpu.memory_space<vmem>>, vector<1x2xf32>
      %add3A_200 = arith.addf %dot_general3A_196, %get3A_199 : vector<1x2xf32>
      %concatenate3A_201 = tpu.concatenate %add3A_123, %add3A_200 in 0 : vector<1x2xf32>, vector<1x2xf32> -> vector<2x2xf32>
      %swap3A_202 = arith.constant 0 : index
      %swap3A_203 = arith.constant 0 : index
      %swap3A_204 = vector.load %arg15[%swap3A_202, %swap3A_203] : memref<2x2xf32, #tpu.memory_space<vmem>>, vector<2x2xf32>
      tpu.vector_store %arg15[%swap3A_202, %swap3A_203], %concatenate3A_201 {strides = array<i32>} : memref<2x2xf32, #tpu.memory_space<vmem>>, vector<2x2xf32>,
    } else {
    }
    return
  }
  func.func @transform_0(%arg0: i32) -> (i32, i32) {
    %c0_i32 = arith.constant 0 : i32
    %c0_i32_0 = arith.constant 0 : i32
    return %arg0, %c0_i32 : i32, i32
  }
  func.func @transform_1(%arg0: i32) -> (i32, i32) {
    %c0_i32 = arith.constant 0 : i32
    %c0_i32_0 = arith.constant 0 : i32
    return %arg0, %c0_i32 : i32, i32
  }
  func.func @transform_2(%arg0: i32) -> (i32, i32) {
    %c0_i32 = arith.constant 0 : i32
    %c0_i32_0 = arith.constant 0 : i32
    return %arg0, %c0_i32 : i32, i32
  }
  func.func @transform_3(%arg0: i32) -> (i32, i32) {
    %c0_i32 = arith.constant 0 : i32
    %c0_i32_0 = arith.constant 0 : i32
    return %arg0, %c0_i32 : i32, i32
  }
  func.func @transform_4(%arg0: i32) -> (i32, i32, i32) {
    %c0_i32 = arith.constant 0 : i32
    %c0_i32_0 = arith.constant 0 : i32
    %c0_i32_1 = arith.constant 0 : i32
    return %c0_i32, %arg0, %c0_i32_0 : i32, i32, i32
  }
  func.func @transform_5(%arg0: i32) -> (i32, i32) {
    %c0_i32 = arith.constant 0 : i32
    %c0_i32_0 = arith.constant 0 : i32
    %c0_i32_1 = arith.constant 0 : i32
    return %c0_i32, %c0_i32_0 : i32, i32
  }
  func.func @transform_6(%arg0: i32) -> (i32, i32) {
    %c0_i32 = arith.constant 0 : i32
    %c0_i32_0 = arith.constant 0 : i32
    %c0_i32_1 = arith.constant 0 : i32
    return %c0_i32, %c0_i32_0 : i32, i32
  }
  func.func @transform_7(%arg0: i32) -> (i32, i32, i32) {
    %c0_i32 = arith.constant 0 : i32
    %c0_i32_0 = arith.constant 0 : i32
    %c0_i32_1 = arith.constant 0 : i32
    %c0_i32_2 = arith.constant 0 : i32
    return %c0_i32, %c0_i32_0, %c0_i32_1 : i32, i32, i32
  }
  func.func @transform_8(%arg0: i32) -> (i32, i32) {
    %c0_i32 = arith.constant 0 : i32
    %c0_i32_0 = arith.constant 0 : i32
    %c0_i32_1 = arith.constant 0 : i32
    return %c0_i32, %c0_i32_0 : i32, i32
  }
  func.func @transform_9(%arg0: i32) -> (i32, i32) {
    %c0_i32 = arith.constant 0 : i32
    %c0_i32_0 = arith.constant 0 : i32
    %c0_i32_1 = arith.constant 0 : i32
    return %c0_i32, %c0_i32_0 : i32, i32
  }
  func.func @transform_10(%arg0: i32) -> (i32, i32) {
    %c0_i32 = arith.constant 0 : i32
    %c0_i32_0 = arith.constant 0 : i32
    %c0_i32_1 = arith.constant 0 : i32
    return %c0_i32, %c0_i32_0 : i32, i32
  }
  func.func @transform_11(%arg0: i32) -> (i32, i32) {
    %c0_i32 = arith.constant 0 : i32
    %c0_i32_0 = arith.constant 0 : i32
    %c0_i32_1 = arith.constant 0 : i32
    return %c0_i32, %c0_i32_0 : i32, i32
  }
  func.func @transform_12(%arg0: i32) -> (i32, i32) {
    %c0_i32 = arith.constant 0 : i32
    %c0_i32_0 = arith.constant 0 : i32
    %c0_i32_1 = arith.constant 0 : i32
    return %c0_i32, %c0_i32_0 : i32, i32
  }
  func.func @transform_13(%arg0: i32) -> (i32, i32, i32) {
    %c0_i32 = arith.constant 0 : i32
    %c0_i32_0 = arith.constant 0 : i32
    %c0_i32_1 = arith.constant 0 : i32
    %c0_i32_2 = arith.constant 0 : i32
    return %c0_i32, %c0_i32_0, %c0_i32_1 : i32, i32, i32
  }
  func.func @transform_14(%arg0: i32) -> (i32, i32) {
    %c0_i32 = arith.constant 0 : i32
    %c0_i32_0 = arith.constant 0 : i32
    %c0_i32_1 = arith.constant 0 : i32
    return %c0_i32, %c0_i32_0 : i32, i32
  }
}

</mosaic_0001>

<sc_bundles>
// kernel: kernel.10.cloned.1.call-start
scs
__scs_entry_jumppad:
0x0: {  	(pc) =	sbr.rel $0x88, $3  }
0x1: {  	(tag) =	ssettag $0x0;
	lr =	simm.s32 $0x1  }
0x2: {  	[smem:$0x3F94] =	sst lr;
	_ =	strace $0xD0000000  }
0x3: {  	_ = 	snop  }
0x4: {  	_ = 	snop  }
0x5: {  	_ = 	snop  }
0x6: {  	_ = 	snop  }
0x7: {  	_ = 	snop  }
__scs_overlays_trampoline_lowered:
0x8: {  	[smem:$0x3FA3] =	sst s0  }
0x9: {  	[smem:$0x3FA4] =	sst s1  }
0xa: {  	[smem:$0x3FA5] =	sst s2  }
0xb: {  	[smem:$0x3FA6] =	sst s3  }
0xc: {  	[smem:$0x3FA7] =	sst s4  }
0xd: {  	[smem:$0x3FA8] =	sst s5  }
0xe: {  	[smem:$0x3FA9] =	sst s6  }
0xf: {  	[smem:$0x3FAA] =	sst s7  }
0x10: {  	[smem:$0x3FAB] =	sst s8  }
0x11: {  	[smem:$0x3FAC] =	sst s9;
	s0 =	simm.s32 @!p0 $0x0  }
0x12: {  	s1 =	sld [smem:$0x3F92];
	s0 =	simm.s32 @p0 $0x1  }
0x13: {  	[smem:$0x3FAD] =	sst s0;
	s0 =	simm.s32 @!p1 $0x0  }
0x14: {  	s2 =	sld [smem:$0x3F91];
	s0 =	simm.s32 @p1 $0x1  }
0x15: {  	[smem:$0x3FAE] =	sst s0;
	s0 =	simm.s32 @!p2 $0x0  }
0x16: {  	s3 =	sld [smem:$0x3FDB];
	s0 =	simm.s32 @p2 $0x1  }
0x17: {  	s4 =	simm.s32 $0x1BF5;
	[smem:$0x3FB0] =	sst s0  }
0x18: {  	s0 =	sld [smem:$0x3F93];
	_ =	swait.ge [sflag:s4], $0x0  }
0x19: {  	s7 =	sld [smem:$0x3F94]  }
0x1a: {  	s8 =	sadd.s32 $0xFFFFE003, lr  }
0x1b: {  	s9 =	sadd.s32 $0xFFFFFEF7, lr;
	s5 =	simm.s32 $0xFFFFFFFF;
	p2 =	slt.u32 s8, $0xFFFFF086  }
0x1c: {  	p1 =	slt.u32 s9, $0xF7A;
	s5 =	simm.s32 @!p2 $0x0  }
0x1d: {  	s5 =	simm.s32 @p1 $0x1;
	p0 =	seq.s32 s7, s2  }
0x1e: {  	s7 =	smul.u32 @!p0 $0xF7A, s2;
	p2 =	seq.s32 @!p0 s5, $0x0  }
0x1f: {  	s9 =	smul.u32 $0xF7A, s1;
	s8 =	simm.s32 @!p0 $0x1BF5;
	p2 =	por !p2, p0  }
0x20: {  	[sflag:s8] =	ssyncset.s32 @!p0 $0xFFFFF086;
	s6 =	sadd.s32 @!p0 s3, s7;
	s7 =	simm.s32 @!p0 $0x108  }
0x21: {  	s3 =	sadd.s32 s3, s9;
	s6 =	sadd.s32 @!p0 $0x88, s6;
	s7 =	simm.s32 @p2 $0x1082  }
0x22: {  	[simem:s7], [sflag:s8] =	dma.local @!p0 [hbm:s6], $0xF7A  }
0x23: {  	s9 =	sor.u32 $0xD0000000, s2;
	s6 =	simm.s32 $0x108;
	_ =	swait.ge @!p0 [sflag:s8], $0x0  }
0x24: {  	s3 =	sadd.s32 $0x88, s3;
	s6 =	simm.s32 @!p1 $0x1082;
	[sflag:s4] =	ssyncset.s32 $0xFFFFF086  }
0x25: {  	[simem:s6], [sflag:s4] =	dma.local [hbm:s3], $0xF7A  }
0x26: {  	[smem:$0x3F94] =	sst s1;
	(tag) =	ssettag s2;
	_ =	strace s9  }
0x27: {  	s1 =	sld [smem:$0x3FA4]  }
0x28: {  	s2 =	sld [smem:$0x3FA5]  }
0x29: {  	s4 =	sld [smem:$0x3FA7]  }
0x2a: {  	p0 =	seq.s32 s5, $0x0;
	s5 =	sld [smem:$0x3FA8]  }
0x2b: {  	s6 =	sld [smem:$0x3FA9]  }
0x2c: {  	s7 =	sld [smem:$0x3FAA]  }
0x2d: {  	s3 =	simm.s32 $0x108;
	s8 =	sld [smem:$0x3FAB]  }
0x2e: {  	s3 =	simm.s32 @!p0 $0x1082;
	s9 =	sld [smem:$0x3FAC]  }
0x2f: {  	lr =	sadd.s32 s0, s3;
	s0 =	sld [smem:$0x3FA3]  }
0x30: {  	s3 =	sld [smem:$0x3FA6]  }
0x31: {  	[smem:$0x3FAF] =	sst s10  }
0x32: {  	s10 =	sld [smem:$0x3FAD];
	_ =	sdelay $0x3  }
0x33: {  	p0 =	seq.s32 s10, $0x1;
	s10 =	sld [smem:$0x3FAF];
	_ =	sdelay $0x3  }
0x34: {  	[smem:$0x3FAF] =	sst s10  }
0x35: {  	s10 =	sld [smem:$0x3FAE];
	_ =	sdelay $0x3  }
0x36: {  	p1 =	seq.s32 s10, $0x1;
	s10 =	sld [smem:$0x3FAF];
	_ =	sdelay $0x3  }
0x37: {  	[smem:$0x3FAF] =	sst s10  }
0x38: {  	s10 =	sld [smem:$0x3FB0]  }
0x39: {  	_ = 	snop;
	(pc) =	sbr.ind lr, $3  }
0x3a: {  	_ = 	snop  }
0x3b: {  	_ = 	snop  }
0x3c: {  	p2 =	seq.s32 s10, $0x1;
	s10 =	sld [smem:$0x3FAF]  }
0x3d: {  	_ =	shalt  }
0x3e: {  	_ =	shalt  }
0x3f: {  	_ =	shalt  }
0x40: {  	_ =	shalt  }
0x41: {  	_ =	shalt  }
0x42: {  	_ =	shalt  }
0x43: {  	_ =	shalt  }
0x44: {  	_ =	shalt  }
0x45: {  	_ =	shalt  }
0x46: {  	_ =	shalt  }
0x47: {  	_ =	shalt  }
0x48: {  	_ =	shalt  }
0x49: {  	_ =	shalt  }
0x4a: {  	_ =	shalt  }
0x4b: {  	_ =	shalt  }
0x4c: {  	_ =	shalt  }
0x4d: {  	_ =	shalt  }
0x4e: {  	_ =	shalt  }
0x4f: {  	_ =	shalt  }
0x50: {  	_ =	shalt  }
0x51: {  	_ =	shalt  }
0x52: {  	_ =	shalt  }
0x53: {  	_ =	shalt  }
0x54: {  	_ =	shalt  }
0x55: {  	_ =	shalt  }
0x56: {  	_ =	shalt  }
0x57: {  	_ =	shalt  }
0x58: {  	_ =	shalt  }
0x59: {  	_ =	shalt  }
0x5a: {  	_ =	shalt  }
0x5b: {  	_ =	shalt  }
0x5c: {  	_ =	shalt  }
0x5d: {  	_ =	shalt  }
0x5e: {  	_ =	shalt  }
0x5f: {  	_ =	shalt  }
0x60: {  	_ =	shalt  }
0x61: {  	_ =	shalt  }
0x62: {  	_ =	shalt  }
0x63: {  	_ =	shalt  }
0x64: {  	_ =	shalt  }
0x65: {  	_ =	shalt  }
0x66: {  	_ =	shalt  }
0x67: {  	_ =	shalt  }
0x68: {  	_ =	shalt  }
0x69: {  	_ =	shalt  }
0x6a: {  	_ =	shalt  }
0x6b: {  	_ =	shalt  }
0x6c: {  	_ =	shalt  }
0x6d: {  	_ =	shalt  }
0x6e: {  	_ =	shalt  }
0x6f: {  	_ =	shalt  }
0x70: {  	_ =	shalt  }
0x71: {  	_ =	shalt  }
0x72: {  	_ =	shalt  }
0x73: {  	_ =	shalt  }
0x74: {  	_ =	shalt  }
0x75: {  	_ =	shalt  }
0x76: {  	_ =	shalt  }
0x77: {  	_ =	shalt  }
0x78: {  	_ =	shalt  }
0x79: {  	_ =	shalt  }
0x7a: {  	_ =	shalt  }
0x7b: {  	_ =	shalt  }
0x7c: {  	_ =	shalt  }
0x7d: {  	_ =	shalt  }
0x7e: {  	_ =	shalt  }
0x7f: {  	_ =	shalt  }
0x80: {  	_ =	shalt  }
0x81: {  	_ =	shalt  }
0x82: {  	_ =	shalt  }
0x83: {  	_ =	shalt  }
0x84: {  	_ =	shalt  }
0x85: {  	_ =	shalt  }
0x86: {  	_ =	shalt  }
0x87: {  	_ =	shalt  }
.Lfunc_end0:
.L_simem_size_0:
called_computation.1_lowered:
.L_overlay_start_0:
0x88: {  	s2 =	sld [smem:$0x3FD9]  }
0x89: {  	s3 =	sld [smem:$0x3FFE];
	_ =	sdelay $0x1  }
0x8a: {  	s1 =	srdreg.scid  }
0x8b: {  	s0 =	sand.u32 $0x1, s1  }
0x8c: {  	s16 =	sshll.u32 s0, $0xA;
	s2 =	sadd.s32 s3, s2  }
0x8d: {  	s2 =	sadd.s32 s2, s16  }
0x8e: {  	[smem:$0x3FBB] =	sst s2  }
0x8f: {  	_ = 	snop  }
0x90: {  	(tm) =	ssettm $0x1  }
0x91: {  	s17 =	sld [smem:$0x3FFB];
	_ =	sdelay $0x3  }
0x92: {  	_ =	strace s17  }
0x93: {  	s2 =	sld [smem:$0x3FFC];
	_ =	sdelay $0x3  }
0x94: {  	_ =	strace s2  }
0x95: {  	s2 =	sld [smem:$0x3FFD];
	_ =	sdelay $0x3  }
0x96: {  	_ =	strace s2  }
0x97: {  	_ =	strace $0x8FFFFFFF  }
0x98: {  	s18 =	sld [smem:$0x3FDB];
	_ =	sdelay $0x1  }
0x99: {  	s19 =	simm.s32 $_scs_section_size  }
0x9a: {  	s4 =	simm.s32 $_size__tile_overlayer_lowered;
	s5 =	simm.s32 $_tile_overlayer_lowered  }
0x9b: {  	s22 =	simm.s32 $0x1BFF;
	s21 =	sshll.u32 s5, $0x1;
	s2 =	sadd.s32 s19, s18  }
0x9c: {  	s6 =	simm.s32 $0x0;
	s20 =	sshll.u32 s4, $0x1;
	s4 =	sadd.s32 s21, s2  }
0x9d: {  	[timem:s6], [sflag:s22] =	dma.local [hbm:s4], s20  }
0x9e: {  	_ =	swait.ge [sflag:s22], s20  }
0x9f: {  	s3 =	ssub.s32 $0x0, s20;
	[sflag:s22] =	ssyncset.done $0x0  }
0xa0: {  	[sflag:s22] =	ssyncadd.s32 s3;
	_ =	sdelay $0x1  }
0xa1: {  	s23 =	simm.s32 $0x1B8B  }
0xa2: {  	_ =	swait.ge [sflag:s23], $0x1  }
0xa3: {  	[sflag:s23] =	ssyncset.done $0x0  }
0xa4: {  	s25 =	simm.s32 $0x1B8E;
	s24 =	sld [smem:$0x3FFE];
	[sflag:s23] =	ssyncadd.s32 $0xFFFFFFFF  }
0xa5: {  	s26 =	simm.s32 $execute0_lowered;
	[smem:$0x3FD2] =	sst s25  }
0xa6: {  	s4 =	sshll.u32 s26, $0x1;
	_ =	strace $0x80000049;
	[dreg:$0x1] =	wrdreg $0xFFFFFFFF  }
0xa7: {  	s28 =	simm.s32 $_size_execute0_lowered;
	s2 =	sadd.s32 s2, s4;
	[dreg:$0x0] =	wrdreg $0x0  }
0xa8: {  	s4 =	sshll.u32 s28, $0x1;
	[dreg:$0x2] =	wrdreg s2  }
0xa9: {  	[dreg:$0x3] =	wrdreg s4  }
0xaa: {  	[dreg:$0x4] =	wrdreg $0xC0  }
0xab: {  	_ =	task [dreg:s6], $0x5FFFF  }
0xac: {  	[dreg:$0x1] =	wrdreg $0xFFFFFFFF  }
0xad: {  	[dreg:$0x0] =	wrdreg $0x60  }
0xae: {  	[dreg:$0x2] =	wrdreg s24  }
0xaf: {  	[dreg:$0x3] =	wrdreg $0x48000  }
0xb0: {  	[dreg:$0x4] =	wrdreg $0x6F800  }
0xb1: {  	[dreg:$0x5] =	wrdreg $0x9  }
0xb2: {  	_ =	task.clear_ibuf [dreg:s6], $0x6FFFF;
	_ =	strace $0x90000049  }
0xb3: {  	s29 =	simm.s32 $0x9;
	_ =	strace $0x8000004B  }
0xb4: {  	_ =	swait.ge [sflag:s29], $0x1  }
0xb5: {  	[sflag:s29] =	ssyncadd.s32 $0xFFFFFFFF  }
0xb6: {  	_ =	strace $0x9000004B  }
0xb7: {  	_ =	sfence  }
0xb8: {  	s30 =	sld [smem:$0x0];
	_ =	sdelay $0x2  }
0xb9: {  	s31 =	sshll.u32 s1, $0xD;
	s1 =	sshrl.u32 s1, $0x2  }
0xba: {  	s3 =	sand.u32 $0x4000, s31;
	s1 =	sadd.s32 s1, s30  }
0xbb: {  	s0 =	sor.u32 s3, s0;
	s1 =	sshll.u32 s1, $0x11  }
0xbc: {  	s0 =	sor.u32 s1, s0  }
0xbd: {  	s0 =	sadd.s32 $0x8F2B, s0  }
0xbe: {  	[sflag:s0] =	ssyncadd.remote.s32 $0x1  }
0xbf: {  	_ =	sfence.sel $0xFFFF  }
0xc0: {  	[dreg:$0x0] =	wrdreg $0xFFFFFFFF;
	(pc) =	sbr.abs _section_cstart, $3  }
0xc1: {  	[dreg:$0x1] =	wrdreg $0xFFFFFFFF  }
0xc2: {  	_ =	task.clear_ibuf [dreg:s6], $0x2FFFF;
	_ =	strace $0x9FFFFFFF  }
0xc3: {  	(tm) =	ssettm $0x7FFFFFFF  }
tec
execute0_lowered:
.L_overlay_start_1:
0x0: {  	(tag) =	ssettag $0x1  }
0x1: {  	s0 =	rddreg [dreg:$0x0]  }
0x2: {  	s1 =	srdreg.scid;
	s2 =	rddreg [dreg:$0x1]  }
0x3: {  	s3 =	rddreg [dreg:$0x2];
	s13 =	stileid.u32  }
0x4: {  	s4 =	simm.s32 $0x0;
	s15 =	simm.s32 $0x1400;
	s16 =	simm.s32 $0x80  }
0x5: {  	s17 =	simm.s32 $0x2800;
	s18 =	simm.s32 $0x3000;
	s20 =	simm.s32 $0x3800  }
0x6: {  	s29 =	simm.s32 $0x5;
	s31 =	simm.s32 $0x3;
	s19 =	simm.s32 $0x7  }
0x7: {  	s28 =	simm.s32 $0x8;
	s1 =	sand.u32 $0x1, s1;
	[smem:$0x7FF] =	sst s4  }
0x8: {  	s9 =	smul.u32 $0x2780, s13;
	s6 =	sadd.s32 $0x5C000, s0;
	s24 =	sshll.u32 s13, $0x6  }
0x9: {  	s5 =	sshll.u32 s1, $0x4;
	_ =	strace $0x8000004A;
	s8 =	smul.u32 $0x4F00, s1  }
0xa: {  	s1 =	ssub.s32 $0x2, s1;
	s5 =	sor.u32 s13, s5;
	s11 =	sshrl.u32 s9, $0x3  }
0xb: {  	s23 =	sshrl.u32 s1, $0x1;
	s12 =	sadd.s32 s9, s2;
	s9 =	sadd.s32 s9, s3  }
0xc: {  	s13 =	simm.s32 $0x9;
	s7 =	smul.u32 $0x280, s5;
	s5 =	sadd.s32 $0x61000, s0  }
0xd: {  	s22 =	sadd.s32 s11, s0;
	s1 =	ssub.s32 s1, s23;
	s12 =	sshrl.u32 s12, $0x3  }
0xe: {  	s14 =	sshrl.u32 s9, $0x3;
	s23 =	simm.s32 $0x0;
	s1 =	smax.u32 s1, $0x1  }
0xf: {  	s10 =	sadd.s32 s7, s0;
	s0 =	sadd.s32 s8, s0;
	s7 =	sadd.s32 $0x66000, s22  }
0x10: {  	s8 =	sor.u32 $0x1C09, s24;
	[dreg:$0x6] =	wrdreg s1;
	s22 =	simm.s32 $0x4000  }
.Ltmp0:
0x11: {  	s1 =	simm.s32 $0x6;
	s25 =	sadd.s32 $0x57000, s10;
	(pc) =	sbr.rel .LBB2_1-.Ltmp0, $4  }
0x12: {  	s10 =	sadd.s32 $0x52000, s10;
	s26 =	sadd.s32 $0x74E00, s0;
	[dreg:$0x4] =	wrdreg s25  }
0x13: {  	s0 =	sadd.s32 $0x6B000, s0;
	[dreg:$0x5] =	wrdreg s10;
	s30 =	sadd.s32 s11, s26  }
0x14: {  	s0 =	sadd.s32 s11, s0;
	s25 =	simm.s32 $0x1;
	[dreg:$0x7] =	wrdreg s30  }
0x15: {  	s26 =	simm.s32 $0x2;
	s10 =	simm.s32 $0x4;
	[dreg:$0x8] =	wrdreg s0  }
.LBB2_7:
0x16: {  	_ =	swait.ge [sflag:s29], $0x800  }
0x17: {  	[sflag:s29] =	ssyncset.done $0x0  }
0x18: {  	[sflag:s29] =	ssyncadd.s32 $0xFFFFF800  }
0x19: {  	_ =	swait.ge [sflag:s1], $0x800  }
0x1a: {  	[sflag:s1] =	ssyncset.done $0x0  }
0x1b: {  	[sflag:s1] =	ssyncadd.s32 $0xFFFFF800  }
0x1c: {  	_ =	swait.ge [sflag:s19], $0x800  }
0x1d: {  	[sflag:s19] =	ssyncset.done $0x0  }
0x1e: {  	[sflag:s19] =	ssyncadd.s32 $0xFFFFF800  }
0x1f: {  	_ =	swait.ge [sflag:s28], $0x800  }
0x20: {  	[sflag:s28] =	ssyncset.done $0x0  }
0x21: {  	[sflag:s28] =	ssyncadd.s32 $0xFFFFF800  }
0x22: {  	[bflag:$0x0] =	sbarrier.arrive $0xFFFF  }
0x23: {  	s0 =	rddreg [dreg:$0x7]  }
0x24: {  	[hbm:s0], [sflag:s8] =	dma.local [spmem:s12], $0x4F0  }
0x25: {  	_ =	swait.ge [sflag:s13], $0x4F0  }
0x26: {  	[sflag:s13] =	ssyncset.done $0x0  }
0x27: {  	s24 =	rddreg [dreg:$0x8];
	[sflag:s13] =	ssyncadd.s32 $0xFFFFFB10  }
0x28: {  	[hbm:s24], [sflag:s8] =	dma.local [spmem:s14], $0x4F0  }
0x29: {  	_ =	swait.ge [sflag:s13], $0x4F0  }
0x2a: {  	s23 =	sadd.s32 $0x1, s23;
	s30 =	rddreg [dreg:$0x6]  }
0x2b: {  	p0 =	sne.s32 s23, s30  }
.Ltmp1:
0x2c: {  	_ = 	snop;
	(pc) =	sbr.rel @!p0 .LBB2_8-.Ltmp1, $3  }
0x2d: {  	_ =	sdelay $0x1  }
0x2e: {  	[sflag:s13] =	ssyncset.done $0x0  }
0x2f: {  	[sflag:s13] =	ssyncadd.s32 $0xFFFFFB10  }
.LBB2_1:
0x30: {  	[spmem:s12], [sflag:s8] =	dma.local [hbm:s7], $0x4F0  }
0x31: {  	_ =	swait.ge [sflag:s13], $0x4F0  }
0x32: {  	[sflag:s13] =	ssyncset.done $0x0  }
0x33: {  	[sflag:s13] =	ssyncadd.s32 $0xFFFFFB10  }
0x34: {  	[spmem:s14], [sflag:s8] =	dma.local [hbm:s7], $0x4F0  }
0x35: {  	_ =	swait.ge [sflag:s13], $0x4F0  }
0x36: {  	[sflag:s13] =	ssyncset.done $0x0  }
0x37: {  	s0 =	rddreg [dreg:$0x4];
	[sflag:s13] =	ssyncadd.s32 $0xFFFFFB10  }
0x38: {  	[tilespmem:s4], [sflag:$0x9] =	stream.linear.gather [hbm4b:s0+s4], $0x1400, $0x38;
	[tilespmem:$0x9700] =	vst v63  }
0x39: {  	_ =	swait.ge [sflag:s13], $0x1400  }
0x3a: {  	[sflag:s13] =	ssyncset.done $0x0  }
0x3b: {  	s11 =	rddreg [dreg:$0x5];
	[sflag:s13] =	ssyncadd.s32 $0xFFFFEC00  }
0x3c: {  	[tilespmem:s15], [sflag:$0x9] =	stream.linear.gather [hbm4b:s11+s4], $0x1400, $0x38;
	[tilespmem:$0x9700] =	vst v63  }
0x3d: {  	_ =	swait.ge [sflag:s13], $0x1400  }
0x3e: {  	[sflag:s13] =	ssyncset.done $0x0  }
0x3f: {  	[sflag:s13] =	ssyncadd.s32 $0xFFFFEC00  }
0x40: {  	[bflag:$0x0] =	sbarrier.arrive $0xFFFF  }
0x41: {  	[tilespmem:s17], [sflag:$0x1] =	stream.indirect.gather [hbm4b:s5+s16], $0x10, s4, s16, $0xb8;
	[tilespmem:$0x9700] =	vst v63  }
0x42: {  	_ = 	snop  }
0x43: {  	[tilespmem:s18], [sflag:$0x2] =	stream.indirect.gather [hbm4b:s5+s16], $0x10, s16, s16, $0xb8;
	[tilespmem:$0x9700] =	vst v63  }
0x44: {  	s21 =	simm.s32 $0x100  }
0x45: {  	[tilespmem:s20], [sflag:$0x3] =	stream.indirect.gather [hbm4b:s5+s16], $0x10, s21, s16, $0xb8;
	[tilespmem:$0x9700] =	vst v63  }
0x46: {  	s24 =	simm.s32 $0x180  }
0x47: {  	[tilespmem:s22], [sflag:$0x4] =	stream.indirect.gather [hbm4b:s5+s16], $0x10, s24, s16, $0xb8;
	[tilespmem:$0x9700] =	vst v63  }
0x48: {  	_ =	swait.ge [sflag:s25], $0x800  }
0x49: {  	[sflag:s25] =	ssyncset.done $0x0  }
0x4a: {  	[sflag:s25] =	ssyncadd.s32 $0xFFFFF800  }
0x4b: {  	[spmem:s2] =	stream.indirect.scatter.add.f32 [tilespmem:s17], [sflag:$0x5], $0x10, s15, s16, $0xb8;
	[tilespmem:$0x9700] =	vst v63  }
0x4c: {  	_ =	swait.ge [sflag:s26], $0x800  }
0x4d: {  	[sflag:s26] =	ssyncset.done $0x0  }
0x4e: {  	s30 =	simm.s32 $0x1480;
	[sflag:s26] =	ssyncadd.s32 $0xFFFFF800  }
0x4f: {  	[spmem:s2] =	stream.indirect.scatter.add.f32 [tilespmem:s18], [sflag:$0x6], $0x10, s30, s16, $0xb8;
	[tilespmem:$0x9700] =	vst v63  }
0x50: {  	_ =	swait.ge [sflag:s29], $0x800  }
0x51: {  	[sflag:s29] =	ssyncset.done $0x0  }
0x52: {  	s9 =	simm.s32 $0x200;
	[sflag:s29] =	ssyncadd.s32 $0xFFFFF800  }
0x53: {  	[tilespmem:s17], [sflag:$0x1] =	stream.indirect.gather [hbm4b:s5+s16], $0x10, s9, s16, $0xb8;
	[tilespmem:$0x9700] =	vst v63  }
0x54: {  	_ =	swait.ge [sflag:s31], $0x800  }
0x55: {  	[sflag:s31] =	ssyncset.done $0x0  }
0x56: {  	s11 =	simm.s32 $0x1500;
	[sflag:s31] =	ssyncadd.s32 $0xFFFFF800  }
0x57: {  	[spmem:s2] =	stream.indirect.scatter.add.f32 [tilespmem:s20], [sflag:$0x7], $0x10, s11, s16, $0xb8;
	[tilespmem:$0x9700] =	vst v63  }
0x58: {  	_ =	swait.ge [sflag:s1], $0x800  }
0x59: {  	[sflag:s1] =	ssyncset.done $0x0  }
0x5a: {  	s21 =	simm.s32 $0x280;
	[sflag:s1] =	ssyncadd.s32 $0xFFFFF800  }
0x5b: {  	[tilespmem:s18], [sflag:$0x2] =	stream.indirect.gather [hbm4b:s5+s16], $0x10, s21, s16, $0xb8;
	[tilespmem:$0x9700] =	vst v63  }
0x5c: {  	_ =	swait.ge [sflag:s10], $0x800  }
0x5d: {  	[sflag:s10] =	ssyncset.done $0x0  }
0x5e: {  	s24 =	simm.s32 $0x1580;
	[sflag:s10] =	ssyncadd.s32 $0xFFFFF800  }
0x5f: {  	[spmem:s2] =	stream.indirect.scatter.add.f32 [tilespmem:s22], [sflag:$0x8], $0x10, s24, s16, $0xb8;
	[tilespmem:$0x9700] =	vst v63  }
0x60: {  	_ =	swait.ge [sflag:s19], $0x800  }
0x61: {  	[sflag:s19] =	ssyncset.done $0x0  }
0x62: {  	s30 =	simm.s32 $0x300;
	s24 =	simm.s32 $0x0;
	[sflag:s19] =	ssyncadd.s32 $0xFFFFF800  }
0x63: {  	[tilespmem:s20], [sflag:$0x3] =	stream.indirect.gather [hbm4b:s5+s16], $0x10, s30, s16, $0xb8;
	[tilespmem:$0x9700] =	vst v63  }
.LBB2_2:
0x64: {  	_ =	swait.ge [sflag:s25], $0x800  }
0x65: {  	s30 =	sshra.s32 s24, $0x2;
	[sflag:s25] =	ssyncset.done $0x0  }
0x66: {  	s0 =	sadd.s32 $0x1600, s30;
	[sflag:s25] =	ssyncadd.s32 $0xFFFFF800  }
0x67: {  	[spmem:s2] =	stream.indirect.scatter.add.f32 [tilespmem:s17], [sflag:$0x5], $0x10, s0, s16, $0xb8;
	[tilespmem:$0x9700] =	vst v63  }
0x68: {  	_ =	swait.ge [sflag:s28], $0x800  }
0x69: {  	[sflag:s28] =	ssyncset.done $0x0  }
0x6a: {  	s9 =	sadd.s32 $0x380, s30;
	[sflag:s28] =	ssyncadd.s32 $0xFFFFF800  }
0x6b: {  	[tilespmem:s22], [sflag:$0x4] =	stream.indirect.gather [hbm4b:s5+s16], $0x10, s9, s16, $0xb8;
	[tilespmem:$0x9700] =	vst v63  }
0x6c: {  	_ =	swait.ge [sflag:s26], $0x800  }
0x6d: {  	p0 =	seq.s32 s24, $0x4000;
	[sflag:s26] =	ssyncset.done $0x0  }
0x6e: {  	s11 =	sadd.s32 $0x1680, s30;
	s0 =	simm.s32 @p0 $0x3;
	[sflag:s26] =	ssyncadd.s32 $0xFFFFF800  }
0x6f: {  	[spmem:s2] =	stream.indirect.scatter.add.f32 [tilespmem:s18], [sflag:$0x6], $0x10, s11, s16, $0xb8;
	[tilespmem:$0x9700] =	vst v63  }
0x70: {  	_ =	swait.ge @p0 [sflag:s0], $0x800  }
0x71: {  	[sflag:s0] =	ssyncset.done @p0 $0x0  }
0x72: {  	[sflag:s0] =	ssyncadd.s32 @p0 $0xFFFFF800;
	s0 =	sshra.s32 @p0 s24, $0x2  }
0x73: {  	s9 =	simm.s32 @p0 $0x80;
	s11 =	simm.s32 @p0 $0x3800;
	s0 =	sadd.s32 @p0 $0x1700, s0  }
0x74: {  	[spmem:s2] =	stream.indirect.scatter.add.f32 @p0 [tilespmem:s11], [sflag:$0x7], $0x10, s0, s9, $0xb8;
	[tilespmem:$0x9700] =	vst v63  }
0x75: {  	s0 =	simm.s32 @!p0 $0x5  }
0x76: {  	_ =	swait.ge @!p0 [sflag:s0], $0x800  }
0x77: {  	[sflag:s0] =	ssyncset.done @!p0 $0x0  }
0x78: {  	[sflag:s0] =	ssyncadd.s32 @!p0 $0xFFFFF800;
	s0 =	sshra.s32 @!p0 s24, $0x2  }
0x79: {  	s21 =	simm.s32 @!p0 $0x2800;
	s11 =	simm.s32 @!p0 $0x80;
	s9 =	sadd.s32 @!p0 $0x400, s0  }
0x7a: {  	[tilespmem:s21], [sflag:$0x1] =	stream.indirect.gather @!p0 [hbm4b:s5+s11], $0x10, s9, s11, $0xb8;
	[tilespmem:$0x9700] =	vst v63  }
0x7b: {  	s9 =	simm.s32 @!p0 $0x3  }
0x7c: {  	_ =	swait.ge @!p0 [sflag:s9], $0x800  }
0x7d: {  	[sflag:s9] =	ssyncset.done @!p0 $0x0  }
0x7e: {  	s21 =	simm.s32 @!p0 $0x3800;
	[sflag:s9] =	ssyncadd.s32 @!p0 $0xFFFFF800;
	s9 =	sadd.s32 @!p0 $0x1700, s0  }
0x7f: {  	[spmem:s2] =	stream.indirect.scatter.add.f32 @!p0 [tilespmem:s21], [sflag:$0x7], $0x10, s9, s11, $0xb8;
	[tilespmem:$0x9700] =	vst v63  }
0x80: {  	s9 =	simm.s32 @!p0 $0x6  }
0x81: {  	_ =	swait.ge @!p0 [sflag:s9], $0x800  }
0x82: {  	[sflag:s9] =	ssyncset.done @!p0 $0x0  }
0x83: {  	s0 =	sadd.s32 @!p0 $0x480, s0;
	[sflag:s9] =	ssyncadd.s32 @!p0 $0xFFFFF800;
	s9 =	simm.s32 @!p0 $0x3000  }
0x84: {  	[tilespmem:s9], [sflag:$0x2] =	stream.indirect.gather @!p0 [hbm4b:s5+s11], $0x10, s0, s11, $0xb8;
	[tilespmem:$0x9700] =	vst v63  }
.Ltmp2:
0x85: {  	_ = 	snop;
	(pc) =	sbr.rel @p0 .LBB2_4-.Ltmp2, $4  }
0x86: {  	_ =	swait.ge [sflag:s10], $0x800  }
0x87: {  	[sflag:s10] =	ssyncset.done $0x0  }
0x88: {  	s21 =	sadd.s32 $0x1780, s30;
	[sflag:s10] =	ssyncadd.s32 $0xFFFFF800  }
0x89: {  	[spmem:s2] =	stream.indirect.scatter.add.f32 [tilespmem:s22], [sflag:$0x8], $0x10, s21, s16, $0xb8;
	[tilespmem:$0x9700] =	vst v63  }
.Ltmp3:
0x8a: {  	(pc) =	sbr.rel .LBB2_2-.Ltmp3, $4  }
0x8b: {  	_ =	swait.ge [sflag:s19], $0x800  }
0x8c: {  	[sflag:s19] =	ssyncset.done $0x0  }
0x8d: {  	s0 =	sadd.s32 $0x500, s30;
	s24 =	sadd.s32 $0x800, s24;
	[sflag:s19] =	ssyncadd.s32 $0xFFFFF800  }
0x8e: {  	[tilespmem:s20], [sflag:$0x3] =	stream.indirect.gather [hbm4b:s5+s16], $0x10, s0, s16, $0xb8;
	[tilespmem:$0x9700] =	vst v63  }
.LBB2_4:
0x8f: {  	_ =	swait.ge [sflag:s29], $0x800  }
0x90: {  	[sflag:s29] =	ssyncset.done $0x0  }
0x91: {  	[sflag:s29] =	ssyncadd.s32 $0xFFFFF800  }
0x92: {  	_ =	swait.ge [sflag:s1], $0x800  }
0x93: {  	[sflag:s1] =	ssyncset.done $0x0  }
0x94: {  	[sflag:s1] =	ssyncadd.s32 $0xFFFFF800  }
0x95: {  	_ =	swait.ge [sflag:s19], $0x800  }
0x96: {  	[sflag:s19] =	ssyncset.done $0x0  }
0x97: {  	[sflag:s19] =	ssyncadd.s32 $0xFFFFF800  }
0x98: {  	_ =	swait.ge [sflag:s28], $0x800  }
0x99: {  	[sflag:s28] =	ssyncset.done $0x0  }
0x9a: {  	s24 =	simm.s32 $0x0;
	[sflag:s28] =	ssyncadd.s32 $0xFFFFF800  }
0x9b: {  	[tilespmem:s17], [sflag:$0x1] =	stream.indirect.gather [hbm4b:s6+s16], $0x10, s24, s16, $0xb8;
	[tilespmem:$0x9700] =	vst v63  }
0x9c: {  	_ = 	snop  }
0x9d: {  	[tilespmem:s18], [sflag:$0x2] =	stream.indirect.gather [hbm4b:s6+s16], $0x10, s16, s16, $0xb8;
	[tilespmem:$0x9700] =	vst v63  }
0x9e: {  	s0 =	simm.s32 $0x100  }
0x9f: {  	[tilespmem:s20], [sflag:$0x3] =	stream.indirect.gather [hbm4b:s6+s16], $0x10, s0, s16, $0xb8;
	[tilespmem:$0x9700] =	vst v63  }
0xa0: {  	s11 =	simm.s32 $0x180  }
0xa1: {  	[tilespmem:s22], [sflag:$0x4] =	stream.indirect.gather [hbm4b:s6+s16], $0x10, s11, s16, $0xb8;
	[tilespmem:$0x9700] =	vst v63  }
0xa2: {  	_ =	swait.ge [sflag:s25], $0x800  }
0xa3: {  	[sflag:s25] =	ssyncset.done $0x0  }
0xa4: {  	[sflag:s25] =	ssyncadd.s32 $0xFFFFF800  }
0xa5: {  	[spmem:s3] =	stream.indirect.scatter.add.f32 [tilespmem:s17], [sflag:$0x5], $0x10, s15, s16, $0xb8;
	[tilespmem:$0x9700] =	vst v63  }
0xa6: {  	_ =	swait.ge [sflag:s26], $0x800  }
0xa7: {  	[sflag:s26] =	ssyncset.done $0x0  }
0xa8: {  	s21 =	simm.s32 $0x1480;
	[sflag:s26] =	ssyncadd.s32 $0xFFFFF800  }
0xa9: {  	[spmem:s3] =	stream.indirect.scatter.add.f32 [tilespmem:s18], [sflag:$0x6], $0x10, s21, s16, $0xb8;
	[tilespmem:$0x9700] =	vst v63  }
0xaa: {  	_ =	swait.ge [sflag:s29], $0x800  }
0xab: {  	[sflag:s29] =	ssyncset.done $0x0  }
0xac: {  	s30 =	simm.s32 $0x200;
	[sflag:s29] =	ssyncadd.s32 $0xFFFFF800  }
0xad: {  	[tilespmem:s17], [sflag:$0x1] =	stream.indirect.gather [hbm4b:s6+s16], $0x10, s30, s16, $0xb8;
	[tilespmem:$0x9700] =	vst v63  }
0xae: {  	_ =	swait.ge [sflag:s31], $0x800  }
0xaf: {  	[sflag:s31] =	ssyncset.done $0x0  }
0xb0: {  	s9 =	simm.s32 $0x1500;
	[sflag:s31] =	ssyncadd.s32 $0xFFFFF800  }
0xb1: {  	[spmem:s3] =	stream.indirect.scatter.add.f32 [tilespmem:s20], [sflag:$0x7], $0x10, s9, s16, $0xb8;
	[tilespmem:$0x9700] =	vst v63  }
0xb2: {  	_ =	swait.ge [sflag:s1], $0x800  }
0xb3: {  	[sflag:s1] =	ssyncset.done $0x0  }
0xb4: {  	s11 =	simm.s32 $0x280;
	[sflag:s1] =	ssyncadd.s32 $0xFFFFF800  }
0xb5: {  	[tilespmem:s18], [sflag:$0x2] =	stream.indirect.gather [hbm4b:s6+s16], $0x10, s11, s16, $0xb8;
	[tilespmem:$0x9700] =	vst v63  }
0xb6: {  	_ =	swait.ge [sflag:s10], $0x800  }
0xb7: {  	[sflag:s10] =	ssyncset.done $0x0  }
0xb8: {  	s21 =	simm.s32 $0x1580;
	[sflag:s10] =	ssyncadd.s32 $0xFFFFF800  }
0xb9: {  	[spmem:s3] =	stream.indirect.scatter.add.f32 [tilespmem:s22], [sflag:$0x8], $0x10, s21, s16, $0xb8;
	[tilespmem:$0x9700] =	vst v63  }
0xba: {  	_ =	swait.ge [sflag:s19], $0x800  }
0xbb: {  	[sflag:s19] =	ssyncset.done $0x0  }
0xbc: {  	s30 =	simm.s32 $0x300;
	[sflag:s19] =	ssyncadd.s32 $0xFFFFF800  }
0xbd: {  	[tilespmem:s20], [sflag:$0x3] =	stream.indirect.gather [hbm4b:s6+s16], $0x10, s30, s16, $0xb8;
	[tilespmem:$0x9700] =	vst v63  }
.LBB2_5:
0xbe: {  	_ =	swait.ge [sflag:s25], $0x800  }
0xbf: {  	s30 =	sshra.s32 s24, $0x2;
	[sflag:s25] =	ssyncset.done $0x0  }
0xc0: {  	s0 =	sadd.s32 $0x1600, s30;
	[sflag:s25] =	ssyncadd.s32 $0xFFFFF800  }
0xc1: {  	[spmem:s3] =	stream.indirect.scatter.add.f32 [tilespmem:s17], [sflag:$0x5], $0x10, s0, s16, $0xb8;
	[tilespmem:$0x9700] =	vst v63  }
0xc2: {  	_ =	swait.ge [sflag:s28], $0x800  }
0xc3: {  	[sflag:s28] =	ssyncset.done $0x0  }
0xc4: {  	s9 =	sadd.s32 $0x380, s30;
	[sflag:s28] =	ssyncadd.s32 $0xFFFFF800  }
0xc5: {  	[tilespmem:s22], [sflag:$0x4] =	stream.indirect.gather [hbm4b:s6+s16], $0x10, s9, s16, $0xb8;
	[tilespmem:$0x9700] =	vst v63  }
0xc6: {  	_ =	swait.ge [sflag:s26], $0x800  }
0xc7: {  	p0 =	seq.s32 s24, $0x4000;
	[sflag:s26] =	ssyncset.done $0x0  }
0xc8: {  	s11 =	sadd.s32 $0x1680, s30;
	s0 =	simm.s32 @p0 $0x3;
	[sflag:s26] =	ssyncadd.s32 $0xFFFFF800  }
0xc9: {  	[spmem:s3] =	stream.indirect.scatter.add.f32 [tilespmem:s18], [sflag:$0x6], $0x10, s11, s16, $0xb8;
	[tilespmem:$0x9700] =	vst v63  }
0xca: {  	_ =	swait.ge @p0 [sflag:s0], $0x800  }
0xcb: {  	[sflag:s0] =	ssyncset.done @p0 $0x0  }
0xcc: {  	[sflag:s0] =	ssyncadd.s32 @p0 $0xFFFFF800;
	s0 =	sshra.s32 @p0 s24, $0x2  }
0xcd: {  	s9 =	simm.s32 @p0 $0x80;
	s11 =	simm.s32 @p0 $0x3800;
	s0 =	sadd.s32 @p0 $0x1700, s0  }
0xce: {  	[spmem:s3] =	stream.indirect.scatter.add.f32 @p0 [tilespmem:s11], [sflag:$0x7], $0x10, s0, s9, $0xb8;
	[tilespmem:$0x9700] =	vst v63  }
0xcf: {  	s0 =	simm.s32 @!p0 $0x5  }
0xd0: {  	_ =	swait.ge @!p0 [sflag:s0], $0x800  }
0xd1: {  	[sflag:s0] =	ssyncset.done @!p0 $0x0  }
0xd2: {  	[sflag:s0] =	ssyncadd.s32 @!p0 $0xFFFFF800;
	s0 =	sshra.s32 @!p0 s24, $0x2  }
0xd3: {  	s21 =	simm.s32 @!p0 $0x2800;
	s11 =	simm.s32 @!p0 $0x80;
	s9 =	sadd.s32 @!p0 $0x400, s0  }
0xd4: {  	[tilespmem:s21], [sflag:$0x1] =	stream.indirect.gather @!p0 [hbm4b:s6+s11], $0x10, s9, s11, $0xb8;
	[tilespmem:$0x9700] =	vst v63  }
0xd5: {  	s9 =	simm.s32 @!p0 $0x3  }
0xd6: {  	_ =	swait.ge @!p0 [sflag:s9], $0x800  }
0xd7: {  	[sflag:s9] =	ssyncset.done @!p0 $0x0  }
0xd8: {  	s21 =	simm.s32 @!p0 $0x3800;
	[sflag:s9] =	ssyncadd.s32 @!p0 $0xFFFFF800;
	s9 =	sadd.s32 @!p0 $0x1700, s0  }
0xd9: {  	[spmem:s3] =	stream.indirect.scatter.add.f32 @!p0 [tilespmem:s21], [sflag:$0x7], $0x10, s9, s11, $0xb8;
	[tilespmem:$0x9700] =	vst v63  }
0xda: {  	s9 =	simm.s32 @!p0 $0x6  }
0xdb: {  	_ =	swait.ge @!p0 [sflag:s9], $0x800  }
0xdc: {  	[sflag:s9] =	ssyncset.done @!p0 $0x0  }
0xdd: {  	s0 =	sadd.s32 @!p0 $0x480, s0;
	[sflag:s9] =	ssyncadd.s32 @!p0 $0xFFFFF800;
	s9 =	simm.s32 @!p0 $0x3000  }
0xde: {  	[tilespmem:s9], [sflag:$0x2] =	stream.indirect.gather @!p0 [hbm4b:s6+s11], $0x10, s0, s11, $0xb8;
	[tilespmem:$0x9700] =	vst v63  }
.Ltmp4:
0xdf: {  	_ = 	snop;
	(pc) =	sbr.rel @p0 .LBB2_7-.Ltmp4, $4  }
0xe0: {  	_ =	swait.ge [sflag:s10], $0x800  }
0xe1: {  	[sflag:s10] =	ssyncset.done $0x0  }
0xe2: {  	s21 =	sadd.s32 $0x1780, s30;
	[sflag:s10] =	ssyncadd.s32 $0xFFFFF800  }
0xe3: {  	[spmem:s3] =	stream.indirect.scatter.add.f32 [tilespmem:s22], [sflag:$0x8], $0x10, s21, s16, $0xb8;
	[tilespmem:$0x9700] =	vst v63  }
.Ltmp5:
0xe4: {  	(pc) =	sbr.rel .LBB2_5-.Ltmp5, $4  }
0xe5: {  	_ =	swait.ge [sflag:s19], $0x800  }
0xe6: {  	[sflag:s19] =	ssyncset.done $0x0  }
0xe7: {  	s0 =	sadd.s32 $0x500, s30;
	s24 =	sadd.s32 $0x800, s24;
	[sflag:s19] =	ssyncadd.s32 $0xFFFFF800  }
0xe8: {  	[tilespmem:s20], [sflag:$0x3] =	stream.indirect.gather [hbm4b:s6+s16], $0x10, s0, s16, $0xb8;
	[tilespmem:$0x9700] =	vst v63  }
.LBB2_8:
0xe9: {  	_ =	sfence.sel $0x180000  }
0xea: {  	[bflag:$0x0] =	sbarrier.arrive $0xFFFF  }
0xeb: {  	_ =	strace $0x9000004A  }
0xec: {  	s0 =	stileid.u32;
	[bflag:$0x2] =	sbarrier.arrive $0xFFFF  }
0xed: {  	p0 =	sne.s32 s0, $0x0;
	s0 =	rddreg [dreg:$0x3]  }
0xee: {  	s0 =	sadd.s32 @!p0 $0x100000, s0  }
0xef: {  	[sflag:s0] =	ssyncadd.tile.s32 @!p0 $0x1;
	_ =	shalt  }
.Lfunc_end2:
_tile_overlayer_lowered:
.L_overlay_start_2:
0xf0: {  	(tag) =	ssettag $0x2  }
0xf1: {  	s0 =	rddreg [dreg:$0x0];
	s2 =	stileid.u32  }
0xf2: {  	s1 =	rddreg [dreg:$0x1];
	p0 =	sne.s32 s2, $0x0  }
0xf3: {  	s3 =	rddreg [dreg:$0x2];
	[bflag:$0x3] =	sbarrier.arrive $0xFFFF;
	s2 =	simm.s32 @!p0 $0x1C09  }
0xf4: {  	[timem:s3], [sflag:s2] =	dma.local @!p0 [hbm:s0], s1  }
0xf5: {  	s0 =	simm.s32 @!p0 $0x9  }
0xf6: {  	_ =	swait.ge @!p0 [sflag:s0], s1  }
0xf7: {  	s1 =	ssub.s32 @!p0 $0x0, s1;
	[sflag:s0] =	ssyncset.done @!p0 $0x0  }
0xf8: {  	[sflag:s0] =	ssyncadd.s32 @!p0 s1  }
0xf9: {  	[bflag:$0x3] =	sbarrier.arrive $0xFFFF  }
0xfa: {  	_ =	shalt  }

// kernel: kernel.7.cloned.1.call-start
scs
__scs_entry_jumppad:
0x0: {  	(pc) =	sbr.rel $0x88, $3  }
0x1: {  	(tag) =	ssettag $0x0;
	lr =	simm.s32 $0x1  }
0x2: {  	[smem:$0x3F94] =	sst lr;
	_ =	strace $0xD0000000  }
0x3: {  	_ = 	snop  }
0x4: {  	_ = 	snop  }
0x5: {  	_ = 	snop  }
0x6: {  	_ = 	snop  }
0x7: {  	_ = 	snop  }
__scs_overlays_trampoline_lowered:
0x8: {  	[smem:$0x3FA3] =	sst s0  }
0x9: {  	[smem:$0x3FA4] =	sst s1  }
0xa: {  	[smem:$0x3FA5] =	sst s2  }
0xb: {  	[smem:$0x3FA6] =	sst s3  }
0xc: {  	[smem:$0x3FA7] =	sst s4  }
0xd: {  	[smem:$0x3FA8] =	sst s5  }
0xe: {  	[smem:$0x3FA9] =	sst s6  }
0xf: {  	[smem:$0x3FAA] =	sst s7  }
0x10: {  	[smem:$0x3FAB] =	sst s8  }
0x11: {  	[smem:$0x3FAC] =	sst s9;
	s0 =	simm.s32 @!p0 $0x0  }
0x12: {  	s1 =	sld [smem:$0x3F92];
	s0 =	simm.s32 @p0 $0x1  }
0x13: {  	[smem:$0x3FAD] =	sst s0;
	s0 =	simm.s32 @!p1 $0x0  }
0x14: {  	s2 =	sld [smem:$0x3F91];
	s0 =	simm.s32 @p1 $0x1  }
0x15: {  	[smem:$0x3FAE] =	sst s0;
	s0 =	simm.s32 @!p2 $0x0  }
0x16: {  	s3 =	sld [smem:$0x3FDB];
	s0 =	simm.s32 @p2 $0x1  }
0x17: {  	s4 =	simm.s32 $0x1BF5;
	[smem:$0x3FB0] =	sst s0  }
0x18: {  	s0 =	sld [smem:$0x3F93];
	_ =	swait.ge [sflag:s4], $0x0  }
0x19: {  	s7 =	sld [smem:$0x3F94]  }
0x1a: {  	s8 =	sadd.s32 $0xFFFFE003, lr  }
0x1b: {  	s9 =	sadd.s32 $0xFFFFFEF7, lr;
	s5 =	simm.s32 $0xFFFFFFFF;
	p2 =	slt.u32 s8, $0xFFFFF086  }
0x1c: {  	p1 =	slt.u32 s9, $0xF7A;
	s5 =	simm.s32 @!p2 $0x0  }
0x1d: {  	s5 =	simm.s32 @p1 $0x1;
	p0 =	seq.s32 s7, s2  }
0x1e: {  	s7 =	smul.u32 @!p0 $0xF7A, s2;
	p2 =	seq.s32 @!p0 s5, $0x0  }
0x1f: {  	s9 =	smul.u32 $0xF7A, s1;
	s8 =	simm.s32 @!p0 $0x1BF5;
	p2 =	por !p2, p0  }
0x20: {  	[sflag:s8] =	ssyncset.s32 @!p0 $0xFFFFF086;
	s6 =	sadd.s32 @!p0 s3, s7;
	s7 =	simm.s32 @!p0 $0x108  }
0x21: {  	s3 =	sadd.s32 s3, s9;
	s6 =	sadd.s32 @!p0 $0x88, s6;
	s7 =	simm.s32 @p2 $0x1082  }
0x22: {  	[simem:s7], [sflag:s8] =	dma.local @!p0 [hbm:s6], $0xF7A  }
0x23: {  	s9 =	sor.u32 $0xD0000000, s2;
	s6 =	simm.s32 $0x108;
	_ =	swait.ge @!p0 [sflag:s8], $0x0  }
0x24: {  	s3 =	sadd.s32 $0x88, s3;
	s6 =	simm.s32 @!p1 $0x1082;
	[sflag:s4] =	ssyncset.s32 $0xFFFFF086  }
0x25: {  	[simem:s6], [sflag:s4] =	dma.local [hbm:s3], $0xF7A  }
0x26: {  	[smem:$0x3F94] =	sst s1;
	(tag) =	ssettag s2;
	_ =	strace s9  }
0x27: {  	s1 =	sld [smem:$0x3FA4]  }
0x28: {  	s2 =	sld [smem:$0x3FA5]  }
0x29: {  	s4 =	sld [smem:$0x3FA7]  }
0x2a: {  	p0 =	seq.s32 s5, $0x0;
	s5 =	sld [smem:$0x3FA8]  }
0x2b: {  	s6 =	sld [smem:$0x3FA9]  }
0x2c: {  	s7 =	sld [smem:$0x3FAA]  }
0x2d: {  	s3 =	simm.s32 $0x108;
	s8 =	sld [smem:$0x3FAB]  }
0x2e: {  	s3 =	simm.s32 @!p0 $0x1082;
	s9 =	sld [smem:$0x3FAC]  }
0x2f: {  	lr =	sadd.s32 s0, s3;
	s0 =	sld [smem:$0x3FA3]  }
0x30: {  	s3 =	sld [smem:$0x3FA6]  }
0x31: {  	[smem:$0x3FAF] =	sst s10  }
0x32: {  	s10 =	sld [smem:$0x3FAD];
	_ =	sdelay $0x3  }
0x33: {  	p0 =	seq.s32 s10, $0x1;
	s10 =	sld [smem:$0x3FAF];
	_ =	sdelay $0x3  }
0x34: {  	[smem:$0x3FAF] =	sst s10  }
0x35: {  	s10 =	sld [smem:$0x3FAE];
	_ =	sdelay $0x3  }
0x36: {  	p1 =	seq.s32 s10, $0x1;
	s10 =	sld [smem:$0x3FAF];
	_ =	sdelay $0x3  }
0x37: {  	[smem:$0x3FAF] =	sst s10  }
0x38: {  	s10 =	sld [smem:$0x3FB0]  }
0x39: {  	_ = 	snop;
	(pc) =	sbr.ind lr, $3  }
0x3a: {  	_ = 	snop  }
0x3b: {  	_ = 	snop  }
0x3c: {  	p2 =	seq.s32 s10, $0x1;
	s10 =	sld [smem:$0x3FAF]  }
0x3d: {  	_ =	shalt  }
0x3e: {  	_ =	shalt  }
0x3f: {  	_ =	shalt  }
0x40: {  	_ =	shalt  }
0x41: {  	_ =	shalt  }
0x42: {  	_ =	shalt  }
0x43: {  	_ =	shalt  }
0x44: {  	_ =	shalt  }
0x45: {  	_ =	shalt  }
0x46: {  	_ =	shalt  }
0x47: {  	_ =	shalt  }
0x48: {  	_ =	shalt  }
0x49: {  	_ =	shalt  }
0x4a: {  	_ =	shalt  }
0x4b: {  	_ =	shalt  }
0x4c: {  	_ =	shalt  }
0x4d: {  	_ =	shalt  }
0x4e: {  	_ =	shalt  }
0x4f: {  	_ =	shalt  }
0x50: {  	_ =	shalt  }
0x51: {  	_ =	shalt  }
0x52: {  	_ =	shalt  }
0x53: {  	_ =	shalt  }
0x54: {  	_ =	shalt  }
0x55: {  	_ =	shalt  }
0x56: {  	_ =	shalt  }
0x57: {  	_ =	shalt  }
0x58: {  	_ =	shalt  }
0x59: {  	_ =	shalt  }
0x5a: {  	_ =	shalt  }
0x5b: {  	_ =	shalt  }
0x5c: {  	_ =	shalt  }
0x5d: {  	_ =	shalt  }
0x5e: {  	_ =	shalt  }
0x5f: {  	_ =	shalt  }
0x60: {  	_ =	shalt  }
0x61: {  	_ =	shalt  }
0x62: {  	_ =	shalt  }
0x63: {  	_ =	shalt  }
0x64: {  	_ =	shalt  }
0x65: {  	_ =	shalt  }
0x66: {  	_ =	shalt  }
0x67: {  	_ =	shalt  }
0x68: {  	_ =	shalt  }
0x69: {  	_ =	shalt  }
0x6a: {  	_ =	shalt  }
0x6b: {  	_ =	shalt  }
0x6c: {  	_ =	shalt  }
0x6d: {  	_ =	shalt  }
0x6e: {  	_ =	shalt  }
0x6f: {  	_ =	shalt  }
0x70: {  	_ =	shalt  }
0x71: {  	_ =	shalt  }
0x72: {  	_ =	shalt  }
0x73: {  	_ =	shalt  }
0x74: {  	_ =	shalt  }
0x75: {  	_ =	shalt  }
0x76: {  	_ =	shalt  }
0x77: {  	_ =	shalt  }
0x78: {  	_ =	shalt  }
0x79: {  	_ =	shalt  }
0x7a: {  	_ =	shalt  }
0x7b: {  	_ =	shalt  }
0x7c: {  	_ =	shalt  }
0x7d: {  	_ =	shalt  }
0x7e: {  	_ =	shalt  }
0x7f: {  	_ =	shalt  }
0x80: {  	_ =	shalt  }
0x81: {  	_ =	shalt  }
0x82: {  	_ =	shalt  }
0x83: {  	_ =	shalt  }
0x84: {  	_ =	shalt  }
0x85: {  	_ =	shalt  }
0x86: {  	_ =	shalt  }
0x87: {  	_ =	shalt  }
.Lfunc_end0:
.L_simem_size_0:
called_computation_lowered:
.L_overlay_start_0:
0x88: {  	s2 =	sld [smem:$0x3FD9]  }
0x89: {  	s3 =	sld [smem:$0x3FFE];
	_ =	sdelay $0x1  }
0x8a: {  	s1 =	srdreg.scid  }
0x8b: {  	s0 =	sand.u32 $0x1, s1  }
0x8c: {  	s16 =	sshll.u32 s0, $0xA;
	s2 =	sadd.s32 s3, s2  }
0x8d: {  	s2 =	sadd.s32 s2, s16  }
0x8e: {  	[smem:$0x3FBB] =	sst s2  }
0x8f: {  	_ = 	snop  }
0x90: {  	(tm) =	ssettm $0x1  }
0x91: {  	s17 =	sld [smem:$0x3FFB];
	_ =	sdelay $0x3  }
0x92: {  	_ =	strace s17  }
0x93: {  	s2 =	sld [smem:$0x3FFC];
	_ =	sdelay $0x3  }
0x94: {  	_ =	strace s2  }
0x95: {  	s2 =	sld [smem:$0x3FFD];
	_ =	sdelay $0x3  }
0x96: {  	_ =	strace s2  }
0x97: {  	_ =	strace $0x8FFFFFFF  }
0x98: {  	s18 =	sld [smem:$0x3FDB];
	_ =	sdelay $0x1  }
0x99: {  	s19 =	simm.s32 $_scs_section_size  }
0x9a: {  	s4 =	simm.s32 $_size__tile_overlayer_lowered;
	s5 =	simm.s32 $_tile_overlayer_lowered  }
0x9b: {  	s22 =	simm.s32 $0x1BFF;
	s21 =	sshll.u32 s5, $0x1;
	s2 =	sadd.s32 s19, s18  }
0x9c: {  	s6 =	simm.s32 $0x0;
	s20 =	sshll.u32 s4, $0x1;
	s4 =	sadd.s32 s21, s2  }
0x9d: {  	[timem:s6], [sflag:s22] =	dma.local [hbm:s4], s20  }
0x9e: {  	_ =	swait.ge [sflag:s22], s20  }
0x9f: {  	s3 =	ssub.s32 $0x0, s20;
	[sflag:s22] =	ssyncset.done $0x0  }
0xa0: {  	[sflag:s22] =	ssyncadd.s32 s3;
	_ =	sdelay $0x1  }
0xa1: {  	s23 =	simm.s32 $0x1B8B  }
0xa2: {  	_ =	swait.ge [sflag:s23], $0x1  }
0xa3: {  	[sflag:s23] =	ssyncset.done $0x0  }
0xa4: {  	s25 =	simm.s32 $0x1B8E;
	s24 =	sld [smem:$0x3FFE];
	[sflag:s23] =	ssyncadd.s32 $0xFFFFFFFF  }
0xa5: {  	s26 =	simm.s32 $execute0_lowered;
	[smem:$0x3FD2] =	sst s25  }
0xa6: {  	s4 =	sshll.u32 s26, $0x1;
	_ =	strace $0x80000046;
	[dreg:$0x1] =	wrdreg $0xFFFFFFFF  }
0xa7: {  	s28 =	simm.s32 $_size_execute0_lowered;
	s2 =	sadd.s32 s2, s4;
	[dreg:$0x0] =	wrdreg $0x0  }
0xa8: {  	s4 =	sshll.u32 s28, $0x1;
	[dreg:$0x2] =	wrdreg s2  }
0xa9: {  	[dreg:$0x3] =	wrdreg s4  }
0xaa: {  	[dreg:$0x4] =	wrdreg $0xC0  }
0xab: {  	_ =	task [dreg:s6], $0x5FFFF  }
0xac: {  	[dreg:$0x1] =	wrdreg $0xFFFFFFFF  }
0xad: {  	[dreg:$0x0] =	wrdreg $0x60  }
0xae: {  	[dreg:$0x2] =	wrdreg s24  }
0xaf: {  	[dreg:$0x3] =	wrdreg $0xA8000  }
0xb0: {  	[dreg:$0x4] =	wrdreg $0x9  }
0xb1: {  	_ =	task.clear_ibuf [dreg:s6], $0x5FFFF;
	_ =	strace $0x90000046  }
0xb2: {  	s29 =	simm.s32 $0x9;
	_ =	strace $0x80000048  }
0xb3: {  	_ =	swait.ge [sflag:s29], $0x1  }
0xb4: {  	[sflag:s29] =	ssyncadd.s32 $0xFFFFFFFF  }
0xb5: {  	_ =	strace $0x90000048  }
0xb6: {  	_ =	sfence  }
0xb7: {  	s30 =	sld [smem:$0x0];
	_ =	sdelay $0x2  }
0xb8: {  	s31 =	sshll.u32 s1, $0xD;
	s1 =	sshrl.u32 s1, $0x2  }
0xb9: {  	s3 =	sand.u32 $0x4000, s31;
	s1 =	sadd.s32 s1, s30  }
0xba: {  	s0 =	sor.u32 s3, s0;
	s1 =	sshll.u32 s1, $0x11  }
0xbb: {  	s0 =	sor.u32 s1, s0  }
0xbc: {  	s0 =	sadd.s32 $0x8F2B, s0  }
0xbd: {  	[sflag:s0] =	ssyncadd.remote.s32 $0x1  }
0xbe: {  	_ =	sfence.sel $0xFFFF  }
0xbf: {  	[dreg:$0x0] =	wrdreg $0xFFFFFFFF;
	(pc) =	sbr.abs _section_cstart, $3  }
0xc0: {  	[dreg:$0x1] =	wrdreg $0xFFFFFFFF  }
0xc1: {  	_ =	task.clear_ibuf [dreg:s6], $0x2FFFF;
	_ =	strace $0x9FFFFFFF  }
0xc2: {  	(tm) =	ssettm $0x7FFFFFFF  }
0xc3: {  	_ =	shalt  }
tec
execute0_lowered:
.L_overlay_start_1:
0x0: {  	(tag) =	ssettag $0x1  }
0x1: {  	s0 =	srdreg.scid;
	s1 =	rddreg [dreg:$0x0]  }
0x2: {  	s2 =	rddreg [dreg:$0x1];
	s12 =	stileid.u32  }
0x3: {  	s3 =	simm.s32 $0x0;
	s14 =	simm.s32 $0x40;
	s15 =	simm.s32 $0x2800  }
0x4: {  	s16 =	simm.s32 $0x4800;
	s18 =	simm.s32 $0x6800;
	s20 =	simm.s32 $0x8800  }
0x5: {  	s21 =	simm.s32 $0x1;
	s22 =	simm.s32 $0x2;
	s29 =	simm.s32 $0x3  }
0x6: {  	s31 =	simm.s32 $0x6;
	s17 =	simm.s32 $0x8;
	s19 =	simm.s32 $0x0  }
0x7: {  	s0 =	sand.u32 $0x1, s0;
	[smem:$0x7FF] =	sst s3;
	s7 =	smul.u32 $0x13C00, s12  }
0x8: {  	s5 =	sadd.s32 $0x3C00, s1;
	s26 =	sshll.u32 s12, $0x6;
	s4 =	sshll.u32 s0, $0x4  }
0x9: {  	_ =	strace $0x80000047;
	s8 =	smul.u32 $0x27800, s0;
	s0 =	ssub.s32 $0x2, s0  }
0xa: {  	s4 =	sor.u32 s12, s4;
	s9 =	sshrl.u32 s7, $0x3;
	s10 =	sshrl.u32 s0, $0x1  }
0xb: {  	s24 =	sadd.s32 s7, s2;
	s12 =	sor.u32 $0x1C09, s26;
	s26 =	simm.s32 $0x5  }
0xc: {  	s7 =	simm.s32 $0x7;
	s6 =	smul.u32 $0x280, s4;
	s4 =	sadd.s32 $0x2AE00, s1  }
0xd: {  	s11 =	sadd.s32 s9, s1;
	s0 =	ssub.s32 s0, s10;
	s10 =	simm.s32 $0x9  }
0xe: {  	s13 =	sshrl.u32 s24, $0x3;
	s0 =	smax.u32 s0, $0x1;
	s6 =	sadd.s32 s6, s1  }
0xf: {  	s1 =	sadd.s32 s8, s1;
	s8 =	sadd.s32 $0x5C000, s11;
	[dreg:$0x5] =	wrdreg s0  }
.Ltmp0:
0x10: {  	s11 =	simm.s32 $0x1400;
	s23 =	sadd.s32 $0x57000, s6;
	(pc) =	sbr.rel .LBB2_1-.Ltmp0, $4  }
0x11: {  	s6 =	sadd.s32 $0x52000, s6;
	s25 =	sadd.s32 $0x83800, s1;
	[dreg:$0x3] =	wrdreg s23  }
0x12: {  	s1 =	sadd.s32 $0xD2800, s1;
	[dreg:$0x4] =	wrdreg s6;
	s28 =	sadd.s32 s9, s25  }
0x13: {  	s30 =	sadd.s32 s9, s1;
	s1 =	simm.s32 $0x4;
	[dreg:$0x6] =	wrdreg s28  }
0x14: {  	s6 =	simm.s32 $0x14C0;
	s9 =	simm.s32 $0x180;
	[dreg:$0x7] =	wrdreg s30  }
.LBB2_7:
0x15: {  	_ =	swait.ge [sflag:s26], $0x2000  }
0x16: {  	[sflag:s26] =	ssyncset.done $0x0  }
0x17: {  	[sflag:s26] =	ssyncadd.s32 $0xFFFFE000  }
0x18: {  	_ =	swait.ge [sflag:s31], $0x2000  }
0x19: {  	[sflag:s31] =	ssyncset.done $0x0  }
0x1a: {  	[sflag:s31] =	ssyncadd.s32 $0xFFFFE000  }
0x1b: {  	_ =	swait.ge [sflag:s7], $0x2000  }
0x1c: {  	[sflag:s7] =	ssyncset.done $0x0  }
0x1d: {  	[sflag:s7] =	ssyncadd.s32 $0xFFFFE000  }
0x1e: {  	_ =	swait.ge [sflag:s17], $0x2000  }
0x1f: {  	[sflag:s17] =	ssyncset.done $0x0  }
0x20: {  	[sflag:s17] =	ssyncadd.s32 $0xFFFFE000  }
0x21: {  	[bflag:$0x0] =	sbarrier.arrive $0xFFFF  }
0x22: {  	s0 =	rddreg [dreg:$0x7]  }
0x23: {  	[hbm:s0], [sflag:s12] =	dma.local [spmem:s13], $0x2780  }
0x24: {  	_ =	swait.ge [sflag:s10], $0x2780  }
0x25: {  	s19 =	sadd.s32 $0x1, s19;
	s30 =	rddreg [dreg:$0x5]  }
0x26: {  	p0 =	sne.s32 s19, s30  }
.Ltmp1:
0x27: {  	_ = 	snop;
	(pc) =	sbr.rel @!p0 .LBB2_8-.Ltmp1, $3  }
0x28: {  	_ =	sdelay $0x1  }
0x29: {  	[sflag:s10] =	ssyncset.done $0x0  }
0x2a: {  	[sflag:s10] =	ssyncadd.s32 $0xFFFFD880  }
.LBB2_1:
0x2b: {  	s0 =	rddreg [dreg:$0x3]  }
0x2c: {  	[tilespmem:s3], [sflag:$0x9] =	stream.linear.gather [hbm4b:s0+s3], $0x1400, $0x38;
	[tilespmem:$0x1E400] =	vst v63  }
0x2d: {  	_ =	swait.ge [sflag:s10], $0x1400  }
0x2e: {  	[sflag:s10] =	ssyncset.done $0x0  }
0x2f: {  	s28 =	rddreg [dreg:$0x4];
	[sflag:s10] =	ssyncadd.s32 $0xFFFFEC00  }
0x30: {  	[tilespmem:s11], [sflag:$0x9] =	stream.linear.gather [hbm4b:s28+s3], $0x1400, $0x38;
	[tilespmem:$0x1E400] =	vst v63  }
0x31: {  	_ =	swait.ge [sflag:s10], $0x1400  }
0x32: {  	[sflag:s10] =	ssyncset.done $0x0  }
0x33: {  	[sflag:s10] =	ssyncadd.s32 $0xFFFFEC00  }
0x34: {  	[spmem:s13], [sflag:s12] =	dma.local [hbm:s8], $0x2780  }
0x35: {  	_ =	swait.ge [sflag:s10], $0x2780  }
0x36: {  	[sflag:s10] =	ssyncset.done $0x0  }
0x37: {  	[sflag:s10] =	ssyncadd.s32 $0xFFFFD880  }
0x38: {  	[bflag:$0x0] =	sbarrier.arrive $0xFFFF  }
0x39: {  	[tilespmem:s15], [sflag:$0x1] =	stream.indirect.gather [hbm4b:s4+s14], $0x80, s3, s14, $0xb8;
	[tilespmem:$0x1E400] =	vst v63  }
0x3a: {  	_ = 	snop  }
0x3b: {  	[tilespmem:s16], [sflag:$0x2] =	stream.indirect.gather [hbm4b:s4+s14], $0x80, s14, s14, $0xb8;
	[tilespmem:$0x1E400] =	vst v63  }
0x3c: {  	s30 =	simm.s32 $0x80  }
0x3d: {  	[tilespmem:s18], [sflag:$0x3] =	stream.indirect.gather [hbm4b:s4+s14], $0x80, s30, s14, $0xb8;
	[tilespmem:$0x1E400] =	vst v63  }
0x3e: {  	s23 =	simm.s32 $0xC0  }
0x3f: {  	[tilespmem:s20], [sflag:$0x4] =	stream.indirect.gather [hbm4b:s4+s14], $0x80, s23, s14, $0xb8;
	[tilespmem:$0x1E400] =	vst v63  }
0x40: {  	_ =	swait.ge [sflag:s21], $0x2000  }
0x41: {  	[sflag:s21] =	ssyncset.done $0x0  }
0x42: {  	[sflag:s21] =	ssyncadd.s32 $0xFFFFE000  }
0x43: {  	[spmem:s2] =	stream.indirect.scatter.add.f32 [tilespmem:s15], [sflag:$0x5], $0x80, s11, s14, $0xb8;
	[tilespmem:$0x1E400] =	vst v63  }
0x44: {  	_ =	swait.ge [sflag:s22], $0x2000  }
0x45: {  	[sflag:s22] =	ssyncset.done $0x0  }
0x46: {  	s24 =	simm.s32 $0x1440;
	[sflag:s22] =	ssyncadd.s32 $0xFFFFE000  }
0x47: {  	[spmem:s2] =	stream.indirect.scatter.add.f32 [tilespmem:s16], [sflag:$0x6], $0x80, s24, s14, $0xb8;
	[tilespmem:$0x1E400] =	vst v63  }
0x48: {  	_ =	swait.ge [sflag:s26], $0x2000  }
0x49: {  	[sflag:s26] =	ssyncset.done $0x0  }
0x4a: {  	s25 =	simm.s32 $0x100;
	[sflag:s26] =	ssyncadd.s32 $0xFFFFE000  }
0x4b: {  	[tilespmem:s15], [sflag:$0x1] =	stream.indirect.gather [hbm4b:s4+s14], $0x80, s25, s14, $0xb8;
	[tilespmem:$0x1E400] =	vst v63  }
0x4c: {  	_ =	swait.ge [sflag:s29], $0x2000  }
0x4d: {  	[sflag:s29] =	ssyncset.done $0x0  }
0x4e: {  	s28 =	simm.s32 $0x1480;
	[sflag:s29] =	ssyncadd.s32 $0xFFFFE000  }
0x4f: {  	[spmem:s2] =	stream.indirect.scatter.add.f32 [tilespmem:s18], [sflag:$0x7], $0x80, s28, s14, $0xb8;
	[tilespmem:$0x1E400] =	vst v63  }
0x50: {  	_ =	swait.ge [sflag:s31], $0x2000  }
0x51: {  	[sflag:s31] =	ssyncset.done $0x0  }
0x52: {  	s30 =	simm.s32 $0x140;
	[sflag:s31] =	ssyncadd.s32 $0xFFFFE000  }
0x53: {  	[tilespmem:s16], [sflag:$0x2] =	stream.indirect.gather [hbm4b:s4+s14], $0x80, s30, s14, $0xb8;
	[tilespmem:$0x1E400] =	vst v63  }
0x54: {  	_ =	swait.ge [sflag:s1], $0x2000  }
0x55: {  	[sflag:s1] =	ssyncset.done $0x0  }
0x56: {  	[sflag:s1] =	ssyncadd.s32 $0xFFFFE000  }
0x57: {  	[spmem:s2] =	stream.indirect.scatter.add.f32 [tilespmem:s20], [sflag:$0x8], $0x80, s6, s14, $0xb8;
	[tilespmem:$0x1E400] =	vst v63  }
0x58: {  	_ =	swait.ge [sflag:s7], $0x2000  }
0x59: {  	[sflag:s7] =	ssyncset.done $0x0  }
0x5a: {  	s25 =	simm.s32 $0x0;
	[sflag:s7] =	ssyncadd.s32 $0xFFFFE000  }
0x5b: {  	[tilespmem:s18], [sflag:$0x3] =	stream.indirect.gather [hbm4b:s4+s14], $0x80, s9, s14, $0xb8;
	[tilespmem:$0x1E400] =	vst v63  }
.LBB2_2:
0x5c: {  	_ =	swait.ge [sflag:s21], $0x2000  }
0x5d: {  	s28 =	sshra.s32 s25, $0x2;
	[sflag:s21] =	ssyncset.done $0x0  }
0x5e: {  	s23 =	sadd.s32 $0x1500, s28;
	[sflag:s21] =	ssyncadd.s32 $0xFFFFE000  }
0x5f: {  	[spmem:s2] =	stream.indirect.scatter.add.f32 [tilespmem:s15], [sflag:$0x5], $0x80, s23, s14, $0xb8;
	[tilespmem:$0x1E400] =	vst v63  }
0x60: {  	_ =	swait.ge [sflag:s17], $0x2000  }
0x61: {  	[sflag:s17] =	ssyncset.done $0x0  }
0x62: {  	s0 =	sadd.s32 $0x1C0, s28;
	[sflag:s17] =	ssyncadd.s32 $0xFFFFE000  }
0x63: {  	[tilespmem:s20], [sflag:$0x4] =	stream.indirect.gather [hbm4b:s4+s14], $0x80, s0, s14, $0xb8;
	[tilespmem:$0x1E400] =	vst v63  }
0x64: {  	_ =	swait.ge [sflag:s22], $0x2000  }
0x65: {  	p0 =	seq.s32 s25, $0x4800;
	[sflag:s22] =	ssyncset.done $0x0  }
0x66: {  	s24 =	sadd.s32 $0x1540, s28;
	s23 =	simm.s32 @p0 $0x3;
	[sflag:s22] =	ssyncadd.s32 $0xFFFFE000  }
0x67: {  	[spmem:s2] =	stream.indirect.scatter.add.f32 [tilespmem:s16], [sflag:$0x6], $0x80, s24, s14, $0xb8;
	[tilespmem:$0x1E400] =	vst v63  }
0x68: {  	_ =	swait.ge @p0 [sflag:s23], $0x2000  }
0x69: {  	[sflag:s23] =	ssyncset.done @p0 $0x0  }
0x6a: {  	[sflag:s23] =	ssyncadd.s32 @p0 $0xFFFFE000;
	s23 =	sshra.s32 @p0 s25, $0x2  }
0x6b: {  	s30 =	simm.s32 @p0 $0x6800;
	s24 =	simm.s32 @p0 $0x40;
	s23 =	sadd.s32 @p0 $0x1580, s23  }
0x6c: {  	[spmem:s2] =	stream.indirect.scatter.add.f32 @p0 [tilespmem:s30], [sflag:$0x7], $0x80, s23, s24, $0xb8;
	[tilespmem:$0x1E400] =	vst v63  }
0x6d: {  	s23 =	simm.s32 @!p0 $0x5  }
0x6e: {  	_ =	swait.ge @!p0 [sflag:s23], $0x2000  }
0x6f: {  	[sflag:s23] =	ssyncset.done @!p0 $0x0  }
0x70: {  	[sflag:s23] =	ssyncadd.s32 @!p0 $0xFFFFE000;
	s23 =	sshra.s32 @!p0 s25, $0x2  }
0x71: {  	s0 =	simm.s32 @!p0 $0x2800;
	s30 =	simm.s32 @!p0 $0x40;
	s24 =	sadd.s32 @!p0 $0x200, s23  }
0x72: {  	[tilespmem:s0], [sflag:$0x1] =	stream.indirect.gather @!p0 [hbm4b:s4+s30], $0x80, s24, s30, $0xb8;
	[tilespmem:$0x1E400] =	vst v63  }
0x73: {  	s0 =	simm.s32 @!p0 $0x3  }
0x74: {  	_ =	swait.ge @!p0 [sflag:s0], $0x2000  }
0x75: {  	[sflag:s0] =	ssyncset.done @!p0 $0x0  }
0x76: {  	s24 =	simm.s32 @!p0 $0x6800;
	[sflag:s0] =	ssyncadd.s32 @!p0 $0xFFFFE000;
	s0 =	sadd.s32 @!p0 $0x1580, s23  }
0x77: {  	[spmem:s2] =	stream.indirect.scatter.add.f32 @!p0 [tilespmem:s24], [sflag:$0x7], $0x80, s0, s30, $0xb8;
	[tilespmem:$0x1E400] =	vst v63  }
0x78: {  	s0 =	simm.s32 @!p0 $0x6  }
0x79: {  	_ =	swait.ge @!p0 [sflag:s0], $0x2000  }
0x7a: {  	[sflag:s0] =	ssyncset.done @!p0 $0x0  }
0x7b: {  	[sflag:s0] =	ssyncadd.s32 @!p0 $0xFFFFE000;
	s0 =	sadd.s32 @!p0 $0x240, s23;
	s23 =	simm.s32 @!p0 $0x4800  }
0x7c: {  	[tilespmem:s23], [sflag:$0x2] =	stream.indirect.gather @!p0 [hbm4b:s4+s30], $0x80, s0, s30, $0xb8;
	[tilespmem:$0x1E400] =	vst v63  }
.Ltmp2:
0x7d: {  	_ = 	snop;
	(pc) =	sbr.rel @p0 .LBB2_4-.Ltmp2, $4  }
0x7e: {  	_ =	swait.ge [sflag:s1], $0x2000  }
0x7f: {  	[sflag:s1] =	ssyncset.done $0x0  }
0x80: {  	s30 =	sadd.s32 $0x15C0, s28;
	[sflag:s1] =	ssyncadd.s32 $0xFFFFE000  }
0x81: {  	[spmem:s2] =	stream.indirect.scatter.add.f32 [tilespmem:s20], [sflag:$0x8], $0x80, s30, s14, $0xb8;
	[tilespmem:$0x1E400] =	vst v63  }
.Ltmp3:
0x82: {  	(pc) =	sbr.rel .LBB2_2-.Ltmp3, $4  }
0x83: {  	_ =	swait.ge [sflag:s7], $0x2000  }
0x84: {  	[sflag:s7] =	ssyncset.done $0x0  }
0x85: {  	s0 =	sadd.s32 $0x280, s28;
	s25 =	sadd.s32 $0x400, s25;
	[sflag:s7] =	ssyncadd.s32 $0xFFFFE000  }
0x86: {  	[tilespmem:s18], [sflag:$0x3] =	stream.indirect.gather [hbm4b:s4+s14], $0x80, s0, s14, $0xb8;
	[tilespmem:$0x1E400] =	vst v63  }
.LBB2_4:
0x87: {  	_ =	swait.ge [sflag:s26], $0x2000  }
0x88: {  	[sflag:s26] =	ssyncset.done $0x0  }
0x89: {  	[sflag:s26] =	ssyncadd.s32 $0xFFFFE000  }
0x8a: {  	_ =	swait.ge [sflag:s31], $0x2000  }
0x8b: {  	[sflag:s31] =	ssyncset.done $0x0  }
0x8c: {  	[sflag:s31] =	ssyncadd.s32 $0xFFFFE000  }
0x8d: {  	_ =	swait.ge [sflag:s7], $0x2000  }
0x8e: {  	[sflag:s7] =	ssyncset.done $0x0  }
0x8f: {  	[sflag:s7] =	ssyncadd.s32 $0xFFFFE000  }
0x90: {  	_ =	swait.ge [sflag:s17], $0x2000  }
0x91: {  	[sflag:s17] =	ssyncset.done $0x0  }
0x92: {  	[sflag:s17] =	ssyncadd.s32 $0xFFFFE000  }
0x93: {  	[bflag:$0x0] =	sbarrier.arrive $0xFFFF  }
0x94: {  	s0 =	rddreg [dreg:$0x6]  }
0x95: {  	[hbm:s0], [sflag:s12] =	dma.local [spmem:s13], $0x2780  }
0x96: {  	_ =	swait.ge [sflag:s10], $0x2780  }
0x97: {  	[sflag:s10] =	ssyncset.done $0x0  }
0x98: {  	[sflag:s10] =	ssyncadd.s32 $0xFFFFD880  }
0x99: {  	[spmem:s13], [sflag:s12] =	dma.local [hbm:s8], $0x2780  }
0x9a: {  	_ =	swait.ge [sflag:s10], $0x2780  }
0x9b: {  	[sflag:s10] =	ssyncset.done $0x0  }
0x9c: {  	[sflag:s10] =	ssyncadd.s32 $0xFFFFD880  }
0x9d: {  	s25 =	simm.s32 $0x0;
	[bflag:$0x0] =	sbarrier.arrive $0xFFFF  }
0x9e: {  	[tilespmem:s15], [sflag:$0x1] =	stream.indirect.gather [hbm4b:s5+s14], $0x80, s25, s14, $0xb8;
	[tilespmem:$0x1E400] =	vst v63  }
0x9f: {  	_ = 	snop  }
0xa0: {  	[tilespmem:s16], [sflag:$0x2] =	stream.indirect.gather [hbm4b:s5+s14], $0x80, s14, s14, $0xb8;
	[tilespmem:$0x1E400] =	vst v63  }
0xa1: {  	s28 =	simm.s32 $0x80  }
0xa2: {  	[tilespmem:s18], [sflag:$0x3] =	stream.indirect.gather [hbm4b:s5+s14], $0x80, s28, s14, $0xb8;
	[tilespmem:$0x1E400] =	vst v63  }
0xa3: {  	s30 =	simm.s32 $0xC0  }
0xa4: {  	[tilespmem:s20], [sflag:$0x4] =	stream.indirect.gather [hbm4b:s5+s14], $0x80, s30, s14, $0xb8;
	[tilespmem:$0x1E400] =	vst v63  }
0xa5: {  	_ =	swait.ge [sflag:s21], $0x2000  }
0xa6: {  	[sflag:s21] =	ssyncset.done $0x0  }
0xa7: {  	[sflag:s21] =	ssyncadd.s32 $0xFFFFE000  }
0xa8: {  	[spmem:s2] =	stream.indirect.scatter.add.f32 [tilespmem:s15], [sflag:$0x5], $0x80, s11, s14, $0xb8;
	[tilespmem:$0x1E400] =	vst v63  }
0xa9: {  	_ =	swait.ge [sflag:s22], $0x2000  }
0xaa: {  	[sflag:s22] =	ssyncset.done $0x0  }
0xab: {  	s23 =	simm.s32 $0x1440;
	[sflag:s22] =	ssyncadd.s32 $0xFFFFE000  }
0xac: {  	[spmem:s2] =	stream.indirect.scatter.add.f32 [tilespmem:s16], [sflag:$0x6], $0x80, s23, s14, $0xb8;
	[tilespmem:$0x1E400] =	vst v63  }
0xad: {  	_ =	swait.ge [sflag:s26], $0x2000  }
0xae: {  	[sflag:s26] =	ssyncset.done $0x0  }
0xaf: {  	s24 =	simm.s32 $0x100;
	[sflag:s26] =	ssyncadd.s32 $0xFFFFE000  }
0xb0: {  	[tilespmem:s15], [sflag:$0x1] =	stream.indirect.gather [hbm4b:s5+s14], $0x80, s24, s14, $0xb8;
	[tilespmem:$0x1E400] =	vst v63  }
0xb1: {  	_ =	swait.ge [sflag:s29], $0x2000  }
0xb2: {  	[sflag:s29] =	ssyncset.done $0x0  }
0xb3: {  	s28 =	simm.s32 $0x1480;
	[sflag:s29] =	ssyncadd.s32 $0xFFFFE000  }
0xb4: {  	[spmem:s2] =	stream.indirect.scatter.add.f32 [tilespmem:s18], [sflag:$0x7], $0x80, s28, s14, $0xb8;
	[tilespmem:$0x1E400] =	vst v63  }
0xb5: {  	_ =	swait.ge [sflag:s31], $0x2000  }
0xb6: {  	[sflag:s31] =	ssyncset.done $0x0  }
0xb7: {  	s30 =	simm.s32 $0x140;
	[sflag:s31] =	ssyncadd.s32 $0xFFFFE000  }
0xb8: {  	[tilespmem:s16], [sflag:$0x2] =	stream.indirect.gather [hbm4b:s5+s14], $0x80, s30, s14, $0xb8;
	[tilespmem:$0x1E400] =	vst v63  }
0xb9: {  	_ =	swait.ge [sflag:s1], $0x2000  }
0xba: {  	[sflag:s1] =	ssyncset.done $0x0  }
0xbb: {  	[sflag:s1] =	ssyncadd.s32 $0xFFFFE000  }
0xbc: {  	[spmem:s2] =	stream.indirect.scatter.add.f32 [tilespmem:s20], [sflag:$0x8], $0x80, s6, s14, $0xb8;
	[tilespmem:$0x1E400] =	vst v63  }
0xbd: {  	_ =	swait.ge [sflag:s7], $0x2000  }
0xbe: {  	[sflag:s7] =	ssyncset.done $0x0  }
0xbf: {  	[sflag:s7] =	ssyncadd.s32 $0xFFFFE000  }
0xc0: {  	[tilespmem:s18], [sflag:$0x3] =	stream.indirect.gather [hbm4b:s5+s14], $0x80, s9, s14, $0xb8;
	[tilespmem:$0x1E400] =	vst v63  }
.LBB2_5:
0xc1: {  	_ =	swait.ge [sflag:s21], $0x2000  }
0xc2: {  	s28 =	sshra.s32 s25, $0x2;
	[sflag:s21] =	ssyncset.done $0x0  }
0xc3: {  	s0 =	sadd.s32 $0x1500, s28;
	[sflag:s21] =	ssyncadd.s32 $0xFFFFE000  }
0xc4: {  	[spmem:s2] =	stream.indirect.scatter.add.f32 [tilespmem:s15], [sflag:$0x5], $0x80, s0, s14, $0xb8;
	[tilespmem:$0x1E400] =	vst v63  }
0xc5: {  	_ =	swait.ge [sflag:s17], $0x2000  }
0xc6: {  	[sflag:s17] =	ssyncset.done $0x0  }
0xc7: {  	s23 =	sadd.s32 $0x1C0, s28;
	[sflag:s17] =	ssyncadd.s32 $0xFFFFE000  }
0xc8: {  	[tilespmem:s20], [sflag:$0x4] =	stream.indirect.gather [hbm4b:s5+s14], $0x80, s23, s14, $0xb8;
	[tilespmem:$0x1E400] =	vst v63  }
0xc9: {  	_ =	swait.ge [sflag:s22], $0x2000  }
0xca: {  	p0 =	seq.s32 s25, $0x4800;
	[sflag:s22] =	ssyncset.done $0x0  }
0xcb: {  	s24 =	sadd.s32 $0x1540, s28;
	s0 =	simm.s32 @p0 $0x3;
	[sflag:s22] =	ssyncadd.s32 $0xFFFFE000  }
0xcc: {  	[spmem:s2] =	stream.indirect.scatter.add.f32 [tilespmem:s16], [sflag:$0x6], $0x80, s24, s14, $0xb8;
	[tilespmem:$0x1E400] =	vst v63  }
0xcd: {  	_ =	swait.ge @p0 [sflag:s0], $0x2000  }
0xce: {  	[sflag:s0] =	ssyncset.done @p0 $0x0  }
0xcf: {  	[sflag:s0] =	ssyncadd.s32 @p0 $0xFFFFE000;
	s0 =	sshra.s32 @p0 s25, $0x2  }
0xd0: {  	s23 =	simm.s32 @p0 $0x40;
	s24 =	simm.s32 @p0 $0x6800;
	s0 =	sadd.s32 @p0 $0x1580, s0  }
0xd1: {  	[spmem:s2] =	stream.indirect.scatter.add.f32 @p0 [tilespmem:s24], [sflag:$0x7], $0x80, s0, s23, $0xb8;
	[tilespmem:$0x1E400] =	vst v63  }
0xd2: {  	s0 =	simm.s32 @!p0 $0x5  }
0xd3: {  	_ =	swait.ge @!p0 [sflag:s0], $0x2000  }
0xd4: {  	[sflag:s0] =	ssyncset.done @!p0 $0x0  }
0xd5: {  	[sflag:s0] =	ssyncadd.s32 @!p0 $0xFFFFE000;
	s0 =	sshra.s32 @!p0 s25, $0x2  }
0xd6: {  	s30 =	simm.s32 @!p0 $0x2800;
	s24 =	simm.s32 @!p0 $0x40;
	s23 =	sadd.s32 @!p0 $0x200, s0  }
0xd7: {  	[tilespmem:s30], [sflag:$0x1] =	stream.indirect.gather @!p0 [hbm4b:s5+s24], $0x80, s23, s24, $0xb8;
	[tilespmem:$0x1E400] =	vst v63  }
0xd8: {  	s23 =	simm.s32 @!p0 $0x3  }
0xd9: {  	_ =	swait.ge @!p0 [sflag:s23], $0x2000  }
0xda: {  	[sflag:s23] =	ssyncset.done @!p0 $0x0  }
0xdb: {  	s30 =	simm.s32 @!p0 $0x6800;
	[sflag:s23] =	ssyncadd.s32 @!p0 $0xFFFFE000;
	s23 =	sadd.s32 @!p0 $0x1580, s0  }
0xdc: {  	[spmem:s2] =	stream.indirect.scatter.add.f32 @!p0 [tilespmem:s30], [sflag:$0x7], $0x80, s23, s24, $0xb8;
	[tilespmem:$0x1E400] =	vst v63  }
0xdd: {  	s23 =	simm.s32 @!p0 $0x6  }
0xde: {  	_ =	swait.ge @!p0 [sflag:s23], $0x2000  }
0xdf: {  	[sflag:s23] =	ssyncset.done @!p0 $0x0  }
0xe0: {  	s0 =	sadd.s32 @!p0 $0x240, s0;
	[sflag:s23] =	ssyncadd.s32 @!p0 $0xFFFFE000;
	s23 =	simm.s32 @!p0 $0x4800  }
0xe1: {  	[tilespmem:s23], [sflag:$0x2] =	stream.indirect.gather @!p0 [hbm4b:s5+s24], $0x80, s0, s24, $0xb8;
	[tilespmem:$0x1E400] =	vst v63  }
.Ltmp4:
0xe2: {  	_ = 	snop;
	(pc) =	sbr.rel @p0 .LBB2_7-.Ltmp4, $4  }
0xe3: {  	_ =	swait.ge [sflag:s1], $0x2000  }
0xe4: {  	[sflag:s1] =	ssyncset.done $0x0  }
0xe5: {  	s30 =	sadd.s32 $0x15C0, s28;
	[sflag:s1] =	ssyncadd.s32 $0xFFFFE000  }
0xe6: {  	[spmem:s2] =	stream.indirect.scatter.add.f32 [tilespmem:s20], [sflag:$0x8], $0x80, s30, s14, $0xb8;
	[tilespmem:$0x1E400] =	vst v63  }
.Ltmp5:
0xe7: {  	(pc) =	sbr.rel .LBB2_5-.Ltmp5, $4  }
0xe8: {  	_ =	swait.ge [sflag:s7], $0x2000  }
0xe9: {  	[sflag:s7] =	ssyncset.done $0x0  }
0xea: {  	s0 =	sadd.s32 $0x280, s28;
	s25 =	sadd.s32 $0x400, s25;
	[sflag:s7] =	ssyncadd.s32 $0xFFFFE000  }
0xeb: {  	[tilespmem:s18], [sflag:$0x3] =	stream.indirect.gather [hbm4b:s5+s14], $0x80, s0, s14, $0xb8;
	[tilespmem:$0x1E400] =	vst v63  }
.LBB2_8:
0xec: {  	_ =	sfence.sel $0x180000  }
0xed: {  	[bflag:$0x0] =	sbarrier.arrive $0xFFFF  }
0xee: {  	_ =	strace $0x90000047  }
0xef: {  	s0 =	stileid.u32;
	[bflag:$0x2] =	sbarrier.arrive $0xFFFF  }
0xf0: {  	p0 =	sne.s32 s0, $0x0;
	s0 =	rddreg [dreg:$0x2]  }
0xf1: {  	s0 =	sadd.s32 @!p0 $0x100000, s0  }
0xf2: {  	[sflag:s0] =	ssyncadd.tile.s32 @!p0 $0x1;
	_ =	shalt  }
.Lfunc_end2:
_tile_overlayer_lowered:
.L_overlay_start_2:
0xf3: {  	(tag) =	ssettag $0x2  }
0xf4: {  	s0 =	rddreg [dreg:$0x0];
	s2 =	stileid.u32  }
0xf5: {  	s1 =	rddreg [dreg:$0x1];
	p0 =	sne.s32 s2, $0x0  }
0xf6: {  	s3 =	rddreg [dreg:$0x2];
	[bflag:$0x3] =	sbarrier.arrive $0xFFFF;
	s2 =	simm.s32 @!p0 $0x1C09  }
0xf7: {  	[timem:s3], [sflag:s2] =	dma.local @!p0 [hbm:s0], s1  }
0xf8: {  	s0 =	simm.s32 @!p0 $0x9  }
0xf9: {  	_ =	swait.ge @!p0 [sflag:s0], s1  }
0xfa: {  	s1 =	ssub.s32 @!p0 $0x0, s1;
	[sflag:s0] =	ssyncset.done @!p0 $0x0  }
0xfb: {  	[sflag:s0] =	ssyncadd.s32 @!p0 s1  }
0xfc: {  	[bflag:$0x3] =	sbarrier.arrive $0xFFFF  }
0xfd: {  	_ =	shalt  }

</sc_bundles>
